<compile_context>
chip_gen: v7x
topology: tpu7x:2x2x1
jax: 0.10.2.dev20260603
libtpu: 0.0.44.dev20260713+nightly
codegen_flags: <defaults>
</compile_context>

<pallas_src>
import functools

import jax
import jax.numpy as jnp
from jax import lax
from jax.experimental import pallas as pl
from jax.experimental.pallas import tpu as pltpu
from jax.experimental.pallas import tpu_sc as plsc

N = 10000
D = 128
E = 320000
NC = 2
NS = 16
NW = NC * NS
CH = 128
RPT = 80
ROWS = RPT * NW
EP = ROWS * CH
NA = 10112
NPT = NA // NS
PAD_DST = N + 8
CW = 16
AGG_SPLIT0 = 128
EPS = 1e-5

_MESH_KW = dict(core_axis_name="c", subcore_axis_name="s", num_cores=NC,
                num_subcores=NS)


@functools.lru_cache(maxsize=None)
def _make_agg(rpt0=RPT, rpt1=RPT):
    NBUF = 2
    rptmax = max(rpt0, rpt1)

    def body(h_hbm, src_hbm, dst_hbm, out_hbm,
             srcv, d0, d1, r0, r1, acc,
             sg0, sg1, sd0, sd1, ss0, ss1):
        c = lax.axis_index("c")
        s = lax.axis_index("s")
        row0 = jnp.where(c == 0, s * rpt0, NS * rpt0 + s * rpt1)
        rpt = jnp.where(c == 0, rpt0, rpt1)
        dsti = (d0, d1)
        rows = (r0, r1)
        semg = (sg0, sg1)
        semd = (sd0, sd1)
        sems = (ss0, ss1)
        zvec = jnp.zeros((16,), jnp.float32)

        def zstore(i, carry):
            r0[i // 8, pl.ds((i % 8) * 16, 16)] = zvec
            return carry

        lax.fori_loop(0, CH * 8, zstore, 0)
        for q in range(NPT // CH):
            pltpu.sync_copy(r0, acc.at[pl.ds(s * NPT + q * CH, CH)])
        _rem = NPT % CH
        if _rem:
            pltpu.sync_copy(r0.at[pl.ds(0, _rem)],
                            acc.at[pl.ds(s * NPT + (NPT // CH) * CH, _rem)])
        pltpu.sync_copy(src_hbm.at[pl.ds(row0 * CH, rptmax * CH)], srcv)
        plsc.subcore_barrier()

        def gfire(k, b):
            pltpu.async_copy(h_hbm.at[srcv.at[pl.ds(k * CH, CH)]],
                             rows[b], semg[b])

        def gwait(k, b):
            pltpu.make_async_copy(h_hbm.at[srcv.at[pl.ds(k * CH, CH)]],
                                  rows[b], semg[b]).wait()

        def dfire(k, b):
            pltpu.async_copy(dst_hbm.at[pl.ds((row0 + k) * CH, CH)],
                             dsti[b], semd[b])

        def dwait(k, b):
            pltpu.make_async_copy(dst_hbm.at[pl.ds((row0 + k) * CH, CH)],
                                  dsti[b], semd[b]).wait()

        for b in range(NBUF):

            @pl.when(b < rpt)
            def _prime():
                dfire(b, b)
                gfire(b, b)

        def outer(j, carry):
            for b in range(NBUF):
                k = NBUF * j + b

                @pl.when(k < rpt)
                def _step():
                    gwait(k, b)
                    dwait(k, b)
                    pltpu.async_copy(rows[b], acc.at[dsti[b]], sems[b],
                                     add=True)

                    @pl.when(k + NBUF < rpt)
                    def _refire():
                        pltpu.make_async_copy(rows[b], acc.at[dsti[b]],
                                              sems[b]).wait()
                        dfire(k + NBUF, b)
                        gfire(k + NBUF, b)

                    @pl.when(k + NBUF >= rpt)
                    def _drain():
                        pltpu.make_async_copy(rows[b], acc.at[dsti[b]],
                                              sems[b]).wait()
            return carry

        lax.fori_loop(0, (rptmax + NBUF - 1) // NBUF, outer, 0)
        plsc.subcore_barrier()
        pltpu.sync_copy(acc.at[pl.ds(s * NPT, NPT)],
                        out_hbm.at[c, pl.ds(s * NPT, NPT)])

    return pl.kernel(
        body,
        out_type=jax.ShapeDtypeStruct((NC, NA, D), jnp.float32),
        mesh=plsc.VectorSubcoreMesh(**_MESH_KW),
        scratch_types=[
            pltpu.VMEM((rptmax * CH,), jnp.int32),
            pltpu.VMEM((CH,), jnp.int32),
            pltpu.VMEM((CH,), jnp.int32),
            pltpu.VMEM((CH, D), jnp.float32),
            pltpu.VMEM((CH, D), jnp.float32),
            pltpu.VMEM_SHARED((NA, D), jnp.float32),
            pltpu.SemaphoreType.DMA,
            pltpu.SemaphoreType.DMA,
            pltpu.SemaphoreType.DMA,
            pltpu.SemaphoreType.DMA,
            pltpu.SemaphoreType.DMA,
            pltpu.SemaphoreType.DMA,
        ],
    )


@functools.lru_cache(maxsize=None)
def _make_cnt():

    def body(dst_hbm, ones_hbm, out_hbm, d0, d1, onesv, acc,
             sd0, sd1, ss0, ss1):
        c = lax.axis_index("c")
        s = lax.axis_index("s")
        w = s * NC + c
        dsti = (d0, d1)
        semd = (sd0, sd1)
        sems = (ss0, ss1)
        zvec = jnp.zeros((16,), jnp.float32)

        def zstore(i, carry):
            onesv[i // 8, pl.ds((i % 8) * 16, 16)] = zvec
            return carry

        lax.fori_loop(0, CH * 8, zstore, 0)
        for q in range(NPT // CH):
            pltpu.sync_copy(onesv, acc.at[pl.ds(s * NPT + q * CH, CH)])
        _rem = NPT % CH
        if _rem:
            pltpu.sync_copy(onesv.at[pl.ds(0, _rem)],
                            acc.at[pl.ds(s * NPT + (NPT // CH) * CH, _rem)])
        pltpu.sync_copy(ones_hbm, onesv)
        plsc.subcore_barrier()

        def dfire(k, b):
            pltpu.async_copy(dst_hbm.at[pl.ds((w * RPT + k) * CH, CH)],
                             dsti[b], semd[b])

        def dwait(k, b):
            pltpu.make_async_copy(dst_hbm.at[pl.ds((w * RPT + k) * CH, CH)],
                                  dsti[b], semd[b]).wait()

        for b in range(2):
            dfire(b, b)

        def outer(j, carry):
            for b in range(2):
                k = 2 * j + b

                @pl.when(k < RPT)
                def _step():
                    dwait(k, b)
                    pltpu.async_copy(onesv, acc.at[dsti[b]], sems[b],
                                     add=True)

                    @pl.when(k + 2 < RPT)
                    def _refire():
                        pltpu.make_async_copy(onesv, acc.at[dsti[b]],
                                              sems[b]).wait()
                        dfire(k + 2, b)

                    @pl.when(k + 2 >= RPT)
                    def _drain():
                        pltpu.make_async_copy(onesv, acc.at[dsti[b]],
                                              sems[b]).wait()
            return carry

        lax.fori_loop(0, (RPT + 1) // 2, outer, 0)
        plsc.subcore_barrier()
        pltpu.sync_copy(acc.at[pl.ds(s * NPT, NPT)],
                        out_hbm.at[c, pl.ds(s * NPT, NPT)])

    return pl.kernel(
        body,
        out_type=jax.ShapeDtypeStruct((NC, NA, D), jnp.float32),
        mesh=plsc.VectorSubcoreMesh(**_MESH_KW),
        scratch_types=[
            pltpu.VMEM((CH,), jnp.int32),
            pltpu.VMEM((CH,), jnp.int32),
            pltpu.VMEM((CH, D), jnp.float32),
            pltpu.VMEM_SHARED((NA, D), jnp.float32),
            pltpu.SemaphoreType.DMA,
            pltpu.SemaphoreType.DMA,
            pltpu.SemaphoreType.DMA,
            pltpu.SemaphoreType.DMA,
        ],
    )


def _dot_t(a, w):
    return lax.dot_general(a, w, (((1,), (1,)), ((), ())),
                           preferred_element_type=jnp.float32,
                           precision=lax.Precision.HIGHEST)


RB = 2000
NB = N // RB


def _make_dense(first, relu):

    def body(agg_ref, c_ref, x_ref, wl_ref, bl_ref, wr_ref, g_ref, be_ref,
             *out_and_scratch):
        if first:
            h_ref, inv_ref, hpre, stats, invs = out_and_scratch
        else:
            h_ref, hpre, stats, invs = out_and_scratch
        i = pl.program_id(0)

        @pl.when(i < NB)
        def _compute():
            if first:
                cnt = (c_ref[0] + c_ref[1])[:, :CW]
                inv = 1.0 / jnp.maximum(cnt, 1.0)
                invs[pl.ds(i * RB, RB)] = inv
            else:
                inv = c_ref[...]
            mean = (agg_ref[0] + agg_ref[1]) * inv[:, 0:1]
            h = (_dot_t(mean, wl_ref[...]) + bl_ref[...]
                 + _dot_t(x_ref[...], wr_ref[...]))
            hpre[pl.ds(i * RB, RB)] = h
            colsum = jnp.sum(h, axis=0, keepdims=True)

            @pl.when(i == 0)
            def _init():
                stats[0:1] = colsum

            @pl.when(i > 0)
            def _accum():
                stats[0:1] += colsum

        @pl.when(i == NB)
        def _finalize():
            mu = stats[0:1] / float(N)
            xc = hpre[...] - mu
            var = jnp.sum(xc * xc, axis=0, keepdims=True) / float(N)
            scale = lax.rsqrt(var + EPS) * g_ref[...]
            out = xc * scale + be_ref[...]
            h_ref[...] = jnp.maximum(out, 0.0) if relu else out
            if first:
                inv_ref[...] = invs[...]

    blk = lambda i: (0, jnp.minimum(i, NB - 1), 0)
    rowblk = lambda i: (jnp.minimum(i, NB - 1), 0)
    full = lambda i: (0, 0)
    in_specs = [
        pl.BlockSpec((NC, RB, D), blk),
        (pl.BlockSpec((NC, RB, D), blk) if first
         else pl.BlockSpec((RB, CW), rowblk)),
        pl.BlockSpec((RB, D), rowblk),
        pl.BlockSpec((D, D), full),
        pl.BlockSpec((1, D), full),
        pl.BlockSpec((D, D), full),
        pl.BlockSpec((1, D), full),
        pl.BlockSpec((1, D), full),
    ]
    out_shape = jax.ShapeDtypeStruct((N, D), jnp.float32)
    out_specs = pl.BlockSpec((N, D), full)
    if first:
        out_shape = (out_shape, jax.ShapeDtypeStruct((N, CW), jnp.float32))
        out_specs = (out_specs, pl.BlockSpec((N, CW), full))
    return pl.pallas_call(
        body,
        grid=(NB + 1,),
        in_specs=in_specs,
        out_specs=out_specs,
        out_shape=out_shape,
        scratch_shapes=[
            pltpu.VMEM((N, D), jnp.float32),
            pltpu.VMEM((8, D), jnp.float32),
            pltpu.VMEM((N, CW), jnp.float32),
        ],
    )


_dense0 = _make_dense(True, True)
_dense_relu = _make_dense(False, True)
_dense_final = _make_dense(False, False)


def kernel(x, edge_index, W0l, b0, W0r, g0, be0, W1l, b1, W1r, g1, be1,
           W2l, b2, W2r, g2, be2):
    ei = edge_index.astype(jnp.int32)
    pad = EP - E
    src = jnp.concatenate([ei[0], jnp.zeros((pad + 2 * RPT * CH,), jnp.int32)])
    dst = jnp.concatenate([ei[1], jnp.full((pad,), PAD_DST, jnp.int32)])
    ones_r = jnp.ones((CH, D), jnp.float32)

    agg = _make_agg(AGG_SPLIT0, 2 * RPT - AGG_SPLIT0)
    cnt2 = _make_cnt()(dst, ones_r)
    agg0 = agg(x, src, dst)
    h1, inv = _dense0(agg0, cnt2, x, W0l, b0.reshape(1, D), W0r,
                      g0.reshape(1, D), be0.reshape(1, D))
    agg1 = agg(h1, src, dst)
    h2 = _dense_relu(agg1, inv, h1, W1l, b1.reshape(1, D), W1r,
                     g1.reshape(1, D), be1.reshape(1, D))
    agg2 = agg(h2, src, dst)
    h3 = _dense_final(agg2, inv, h2, W2l, b2.reshape(1, D), W2r,
                      g2.reshape(1, D), be2.reshape(1, D))
    return h3

# --- scband reference (transcript-rebuilt; emitter-appended) ---
"""Pipeline reference for scband-gnnencoder-5677946765441 (READ-ONLY COPY).

The authoritative reference and input builder live on the scoring server;
editing this copy changes nothing except your own understanding.
"""

import jax, jax.numpy as jnp
import numpy as np

N = 10000
E = 320000
D = 128
H = 128
O = 128
EPS = 1e-5


def setup_inputs(seed: int = 0) -> dict:
    key = jax.random.key(seed)
    ks = jax.random.split(key, 20)
    inp = {}
    inp["x"] = jax.random.normal(ks[0], (N, D), dtype=jnp.float32)
    inp["edge_index"] = jax.random.randint(ks[1], (2, E), 0, N).astype(jnp.int64)
    # layer 0: D -> H
    inp["W0l"] = jax.random.normal(ks[2], (H, D), dtype=jnp.float32) * 0.05
    inp["b0"] = jnp.zeros((H,), dtype=jnp.float32)
    inp["W0r"] = jax.random.normal(ks[3], (H, D), dtype=jnp.float32) * 0.05
    inp["g0"] = jnp.ones((H,), dtype=jnp.float32)
    inp["be0"] = jnp.zeros((H,), dtype=jnp.float32)
    # layer 1: H -> H
    inp["W1l"] = jax.random.normal(ks[4], (H, H), dtype=jnp.float32) * 0.05
    inp["b1"] = jnp.zeros((H,), dtype=jnp.float32)
    inp["W1r"] = jax.random.normal(ks[5], (H, H), dtype=jnp.float32) * 0.05
    inp["g1"] = jnp.ones((H,), dtype=jnp.float32)
    inp["be1"] = jnp.zeros((H,), dtype=jnp.float32)
    # layer 2: H -> O
    inp["W2l"] = jax.random.normal(ks[6], (O, H), dtype=jnp.float32) * 0.05
    inp["b2"] = jnp.zeros((O,), dtype=jnp.float32)
    inp["W2r"] = jax.random.normal(ks[7], (O, H), dtype=jnp.float32) * 0.05
    inp["g2"] = jnp.ones((O,), dtype=jnp.float32)
    inp["be2"] = jnp.zeros((O,), dtype=jnp.float32)
    return inp


def _sage_conv(x, edge_index, Wl, bl, Wr):
    # PyG SAGEConv (mean aggr): out = lin_l(mean_{j in N(i)} x_j) + lin_r(x_i)
    src = edge_index[0]
    dst = edge_index[1]
    msg = x[src]
    agg_sum = jax.ops.segment_sum(msg, dst, num_segments=N)
    cnt = jax.ops.segment_sum(jnp.ones((msg.shape[0],), dtype=x.dtype), dst, num_segments=N)
    mean = agg_sum / jnp.maximum(cnt, 1.0)[:, None]
    return mean @ Wl.T + bl + x @ Wr.T


def _batch_norm(x, g, b):
    mu = jnp.mean(x, axis=0)
    var = jnp.var(x, axis=0)
    return (x - mu) / jnp.sqrt(var + EPS) * g + b


def reference(x, edge_index, W0l, b0, W0r, g0, be0, W1l, b1, W1r, g1, be1, W2l, b2, W2r, g2, be2):
    # layer 0
    h = _sage_conv(x, edge_index, W0l, b0, W0r)
    h = _batch_norm(h, g0, be0)
    h = jax.nn.relu(h)
    # dropout is identity in eval mode
    # layer 1
    h = _sage_conv(h, edge_index, W1l, b1, W1r)
    h = _batch_norm(h, g1, be1)
    h = jax.nn.relu(h)
    # layer 2 (no activation)
    h = _sage_conv(h, edge_index, W2l, b2, W2r)
    h = _batch_norm(h, g2, be2)
    return h

if __name__ == "__main__":
    import jax
    _d = setup_inputs()
    print(jax.jit(kernel)(*tuple(_d.values())))

</pallas_src>

<mosaic_0001>
#map = affine_map<(d0, d1) -> (0, 0)>
#map1 = affine_map<(d0, d1) -> (0)>
#map2 = affine_map<(d0, d1) -> (0, 0, 0)>
module attributes {stable_mosaic.version = 14 : i64} {
  func.func @body(%arg0: i32, %arg1: i32, %arg2: memref<10000x128xf32, #tpu.memory_space<hbm>>, %arg3: memref<348160xi32, #tpu.memory_space<hbm>>, %arg4: memref<327680xi32, #tpu.memory_space<hbm>>, %arg5: memref<2x10112x128xf32, #tpu.memory_space<hbm>>, %arg6: memref<16384xi32, #tpu.memory_space<vmem>>, %arg7: memref<128xi32, #tpu.memory_space<vmem>>, %arg8: memref<128xi32, #tpu.memory_space<vmem>>, %arg9: memref<128x128xf32, #tpu.memory_space<vmem>>, %arg10: memref<128x128xf32, #tpu.memory_space<vmem>>, %arg11: memref<10112x128xf32, #tpu.memory_space<vmem_shared>>, %arg12: memref<!tpu.dma_semaphore, #tpu.memory_space<semaphore_mem>>, %arg13: memref<!tpu.dma_semaphore, #tpu.memory_space<semaphore_mem>>, %arg14: memref<!tpu.dma_semaphore, #tpu.memory_space<semaphore_mem>>, %arg15: memref<!tpu.dma_semaphore, #tpu.memory_space<semaphore_mem>>, %arg16: memref<!tpu.dma_semaphore, #tpu.memory_space<semaphore_mem>>, %arg17: memref<!tpu.dma_semaphore, #tpu.memory_space<semaphore_mem>>) attributes {dimension_semantics = [#tpu.dimension_semantics<core_parallel>, #tpu.dimension_semantics<subcore_parallel>], iteration_bounds = array<i64: 2, 16>, scalar_prefetch = 0 : i64, scratch_operands = 12 : i64, tpu.core_type = #tpu.core_type<sc_vector_subcore>, window_params = [{transform_indices = #map}, {transform_indices = #map1}, {transform_indices = #map1}, {transform_indices = #map2}]} {
    %eq3A = arith.constant 0 : i32
    %eq3A_0 = arith.cmpi eq, %arg0, %eq3A : i32
    %mul3A = arith.constant 128 : i32
    %mul3A_1 = arith.muli %arg1, %mul3A : i32
    %mul3A_2 = arith.constant 32 : i32
    %mul3A_3 = arith.muli %arg1, %mul3A_2 : i32
    %add3A = arith.constant 2048 : i32
    %add3A_4 = arith.addi %add3A, %mul3A_3 : i32
    %select_n3A = arith.select %eq3A_0, %mul3A_1, %add3A_4 : i32
    %eq3A_5 = arith.constant 0 : i32
    %eq3A_6 = arith.cmpi eq, %arg0, %eq3A_5 : i32
    %jit3A = arith.constant 128 : i32
    %jit3A_7 = arith.constant 32 : i32
    %select_n3A_8 = arith.select %eq3A_6, %jit3A, %jit3A_7 : i32
    %broadcast_in_dim3A = arith.constant 0.000000e+00 : f32
    %broadcast_in_dim3A_9 = vector.broadcast %broadcast_in_dim3A : f32 to vector<16xf32>
    %scan3A = arith.constant 0 : i32
    %scan3A_10 = arith.constant 0 : i32
    %scan3A_11 = arith.constant 1024 : i32
    %scan3A_12 = arith.addi %scan3A_10, %scan3A_11 : i32
    %scan3A_13 = arith.constant 1 : i32
    scf.for %scan3A_55 = %scan3A_10 to %scan3A_12 step %scan3A_13  : i32 {
      %jit3A_56 = arith.constant 8 : i32
      %div3A = arith.divsi %scan3A_55, %jit3A_56 : i32
      %sign3A = arith.constant 0 : i32
      %sign3A_57 = arith.cmpi sgt, %scan3A_55, %sign3A : i32
      %sign3A_58 = arith.extui %sign3A_57 : i1 to i32
      %sign3A_59 = arith.constant 0 : i32
      %sign3A_60 = arith.cmpi slt, %scan3A_55, %sign3A_59 : i32
      %sign3A_61 = arith.extui %sign3A_60 : i1 to i32
      %sign3A_62 = arith.subi %sign3A_58, %sign3A_61 : i32
      %sign3A_63 = arith.constant 0 : i32
      %sign3A_64 = arith.cmpi sgt, %jit3A_56, %sign3A_63 : i32
      %sign3A_65 = arith.extui %sign3A_64 : i1 to i32
      %sign3A_66 = arith.constant 0 : i32
      %sign3A_67 = arith.cmpi slt, %jit3A_56, %sign3A_66 : i32
      %sign3A_68 = arith.extui %sign3A_67 : i1 to i32
      %sign3A_69 = arith.subi %sign3A_65, %sign3A_68 : i32
      %ne3A = arith.cmpi ne, %sign3A_62, %sign3A_69 : i32
      %rem3A = arith.remsi %scan3A_55, %jit3A_56 : i32
      %ne3A_70 = arith.constant 0 : i32
      %ne3A_71 = arith.cmpi ne, %rem3A, %ne3A_70 : i32
      %and3A = arith.andi %ne3A, %ne3A_71 : i1
      %sub3A = arith.constant 1 : i32
      %sub3A_72 = arith.subi %div3A, %sub3A : i32
      %select_n3A_73 = arith.select %and3A, %sub3A_72, %div3A : i32
      %jit3A_74 = arith.constant 8 : i32
      %eq3A_75 = arith.constant 0 : i32
      %eq3A_76 = arith.cmpi eq, %jit3A_74, %eq3A_75 : i32
      %jit3A_77 = arith.constant 1 : i32
      %select_n3A_78 = arith.select %eq3A_76, %jit3A_77, %jit3A_74 : i32
      %rem3A_79 = arith.remsi %scan3A_55, %select_n3A_78 : i32
      %ne3A_80 = arith.constant 0 : i32
      %ne3A_81 = arith.cmpi ne, %rem3A_79, %ne3A_80 : i32
      %lt3A = arith.constant 0 : i32
      %lt3A_82 = arith.cmpi slt, %rem3A_79, %lt3A : i32
      %lt3A_83 = arith.constant 0 : i32
      %lt3A_84 = arith.cmpi slt, %select_n3A_78, %lt3A_83 : i32
      %ne3A_85 = arith.xori %lt3A_82, %lt3A_84 : i1
      %and3A_86 = arith.andi %ne3A_85, %ne3A_81 : i1
      %add3A_87 = arith.addi %rem3A_79, %select_n3A_78 : i32
      %select_n3A_88 = arith.select %and3A_86, %add3A_87, %rem3A_79 : i32
      %mul3A_89 = arith.constant 16 : i32
      %mul3A_90 = arith.muli %select_n3A_88, %mul3A_89 : i32
      %swap3A = arith.index_cast %select_n3A_73 : i32 to index
      %swap3A_91 = arith.index_cast %mul3A_90 : i32 to index
      %swap3A_92 = tpu.vector_load %arg9[%swap3A, %swap3A_91] {strides = array<i32>} : memref<128x128xf32, #tpu.memory_space<vmem>>, vector<1x16xf32>,
      %swap3A_93 = vector.shape_cast %swap3A_92 : vector<1x16xf32> to vector<16xf32>
      %swap3A_94 = vector.shape_cast %broadcast_in_dim3A_9 : vector<16xf32> to vector<1x16xf32>
      tpu.vector_store %arg9[%swap3A, %swap3A_91], %swap3A_94 {strides = array<i32>} : memref<128x128xf32, #tpu.memory_space<vmem>>, vector<1x16xf32>,
    }
    %scan3A_14 = arith.constant 1024 : i32
    %mul3A_15 = arith.constant 632 : i32
    %mul3A_16 = arith.muli %arg1, %mul3A_15 : i32
    %add3A_17 = arith.constant 0 : i32
    %add3A_18 = arith.addi %mul3A_16, %add3A_17 : i32
    "tpu.region"() ({
      %run_scoped3A = tpu.sem_alloc : memref<!tpu.dma_semaphore, #tpu.memory_space<semaphore_mem>>
      %dma_start3A = arith.constant 0 : i32
      %dma_start3A_55 = tpu.memref_slice %arg11[%add3A_18, %dma_start3A] : memref<10112x128xf32, #tpu.memory_space<vmem_shared>> -> memref<128x128xf32, #tpu.memory_space<vmem_shared>>
      %dma_start3A_56 = arith.constant 0 : i32
      %dma_start3A_57 = tpu.memref_slice %arg11[%add3A_18, %dma_start3A_56] : memref<10112x128xf32, #tpu.memory_space<vmem_shared>> -> memref<128x128xf32, #tpu.memory_space<vmem_shared>>
      tpu.enqueue_dma source(%arg9 : memref<128x128xf32, #tpu.memory_space<vmem>>) target(%dma_start3A_57 : memref<128x128xf32, #tpu.memory_space<vmem_shared>>) target_semaphore(%run_scoped3A : memref<!tpu.dma_semaphore, #tpu.memory_space<semaphore_mem>>)
      %dma_wait3A = arith.constant 0 : i32
      %dma_wait3A_58 = tpu.memref_slice %arg11[%add3A_18, %dma_wait3A] : memref<10112x128xf32, #tpu.memory_space<vmem_shared>> -> memref<128x128xf32, #tpu.memory_space<vmem_shared>>
      %dma_wait3A_59 = arith.constant 0 : i32
      %dma_wait3A_60 = tpu.memref_slice %arg11[%add3A_18, %dma_wait3A_59] : memref<10112x128xf32, #tpu.memory_space<vmem_shared>> -> memref<128x128xf32, #tpu.memory_space<vmem_shared>>
      tpu.wait_dma2 semaphore(%run_scoped3A : memref<!tpu.dma_semaphore, #tpu.memory_space<semaphore_mem>>) src(%arg9 : memref<128x128xf32, #tpu.memory_space<vmem>>) dst(%dma_wait3A_60 : memref<128x128xf32, #tpu.memory_space<vmem_shared>>)
      tpu.yield
    }) : () -> ()
    %mul3A_19 = arith.constant 632 : i32
    %mul3A_20 = arith.muli %arg1, %mul3A_19 : i32
    %add3A_21 = arith.constant 128 : i32
    %add3A_22 = arith.addi %mul3A_20, %add3A_21 : i32
    "tpu.region"() ({
      %run_scoped3A = tpu.sem_alloc : memref<!tpu.dma_semaphore, #tpu.memory_space<semaphore_mem>>
      %dma_start3A = arith.constant 0 : i32
      %dma_start3A_55 = tpu.memref_slice %arg11[%add3A_22, %dma_start3A] : memref<10112x128xf32, #tpu.memory_space<vmem_shared>> -> memref<128x128xf32, #tpu.memory_space<vmem_shared>>
      %dma_start3A_56 = arith.constant 0 : i32
      %dma_start3A_57 = tpu.memref_slice %arg11[%add3A_22, %dma_start3A_56] : memref<10112x128xf32, #tpu.memory_space<vmem_shared>> -> memref<128x128xf32, #tpu.memory_space<vmem_shared>>
      tpu.enqueue_dma source(%arg9 : memref<128x128xf32, #tpu.memory_space<vmem>>) target(%dma_start3A_57 : memref<128x128xf32, #tpu.memory_space<vmem_shared>>) target_semaphore(%run_scoped3A : memref<!tpu.dma_semaphore, #tpu.memory_space<semaphore_mem>>)
      %dma_wait3A = arith.constant 0 : i32
      %dma_wait3A_58 = tpu.memref_slice %arg11[%add3A_22, %dma_wait3A] : memref<10112x128xf32, #tpu.memory_space<vmem_shared>> -> memref<128x128xf32, #tpu.memory_space<vmem_shared>>
      %dma_wait3A_59 = arith.constant 0 : i32
      %dma_wait3A_60 = tpu.memref_slice %arg11[%add3A_22, %dma_wait3A_59] : memref<10112x128xf32, #tpu.memory_space<vmem_shared>> -> memref<128x128xf32, #tpu.memory_space<vmem_shared>>
      tpu.wait_dma2 semaphore(%run_scoped3A : memref<!tpu.dma_semaphore, #tpu.memory_space<semaphore_mem>>) src(%arg9 : memref<128x128xf32, #tpu.memory_space<vmem>>) dst(%dma_wait3A_60 : memref<128x128xf32, #tpu.memory_space<vmem_shared>>)
      tpu.yield
    }) : () -> ()
    %mul3A_23 = arith.constant 632 : i32
    %mul3A_24 = arith.muli %arg1, %mul3A_23 : i32
    %add3A_25 = arith.constant 256 : i32
    %add3A_26 = arith.addi %mul3A_24, %add3A_25 : i32
    "tpu.region"() ({
      %run_scoped3A = tpu.sem_alloc : memref<!tpu.dma_semaphore, #tpu.memory_space<semaphore_mem>>
      %dma_start3A = arith.constant 0 : i32
      %dma_start3A_55 = tpu.memref_slice %arg11[%add3A_26, %dma_start3A] : memref<10112x128xf32, #tpu.memory_space<vmem_shared>> -> memref<128x128xf32, #tpu.memory_space<vmem_shared>>
      %dma_start3A_56 = arith.constant 0 : i32
      %dma_start3A_57 = tpu.memref_slice %arg11[%add3A_26, %dma_start3A_56] : memref<10112x128xf32, #tpu.memory_space<vmem_shared>> -> memref<128x128xf32, #tpu.memory_space<vmem_shared>>
      tpu.enqueue_dma source(%arg9 : memref<128x128xf32, #tpu.memory_space<vmem>>) target(%dma_start3A_57 : memref<128x128xf32, #tpu.memory_space<vmem_shared>>) target_semaphore(%run_scoped3A : memref<!tpu.dma_semaphore, #tpu.memory_space<semaphore_mem>>)
      %dma_wait3A = arith.constant 0 : i32
      %dma_wait3A_58 = tpu.memref_slice %arg11[%add3A_26, %dma_wait3A] : memref<10112x128xf32, #tpu.memory_space<vmem_shared>> -> memref<128x128xf32, #tpu.memory_space<vmem_shared>>
      %dma_wait3A_59 = arith.constant 0 : i32
      %dma_wait3A_60 = tpu.memref_slice %arg11[%add3A_26, %dma_wait3A_59] : memref<10112x128xf32, #tpu.memory_space<vmem_shared>> -> memref<128x128xf32, #tpu.memory_space<vmem_shared>>
      tpu.wait_dma2 semaphore(%run_scoped3A : memref<!tpu.dma_semaphore, #tpu.memory_space<semaphore_mem>>) src(%arg9 : memref<128x128xf32, #tpu.memory_space<vmem>>) dst(%dma_wait3A_60 : memref<128x128xf32, #tpu.memory_space<vmem_shared>>)
      tpu.yield
    }) : () -> ()
    %mul3A_27 = arith.constant 632 : i32
    %mul3A_28 = arith.muli %arg1, %mul3A_27 : i32
    %add3A_29 = arith.constant 384 : i32
    %add3A_30 = arith.addi %mul3A_28, %add3A_29 : i32
    "tpu.region"() ({
      %run_scoped3A = tpu.sem_alloc : memref<!tpu.dma_semaphore, #tpu.memory_space<semaphore_mem>>
      %dma_start3A = arith.constant 0 : i32
      %dma_start3A_55 = tpu.memref_slice %arg11[%add3A_30, %dma_start3A] : memref<10112x128xf32, #tpu.memory_space<vmem_shared>> -> memref<128x128xf32, #tpu.memory_space<vmem_shared>>
      %dma_start3A_56 = arith.constant 0 : i32
      %dma_start3A_57 = tpu.memref_slice %arg11[%add3A_30, %dma_start3A_56] : memref<10112x128xf32, #tpu.memory_space<vmem_shared>> -> memref<128x128xf32, #tpu.memory_space<vmem_shared>>
      tpu.enqueue_dma source(%arg9 : memref<128x128xf32, #tpu.memory_space<vmem>>) target(%dma_start3A_57 : memref<128x128xf32, #tpu.memory_space<vmem_shared>>) target_semaphore(%run_scoped3A : memref<!tpu.dma_semaphore, #tpu.memory_space<semaphore_mem>>)
      %dma_wait3A = arith.constant 0 : i32
      %dma_wait3A_58 = tpu.memref_slice %arg11[%add3A_30, %dma_wait3A] : memref<10112x128xf32, #tpu.memory_space<vmem_shared>> -> memref<128x128xf32, #tpu.memory_space<vmem_shared>>
      %dma_wait3A_59 = arith.constant 0 : i32
      %dma_wait3A_60 = tpu.memref_slice %arg11[%add3A_30, %dma_wait3A_59] : memref<10112x128xf32, #tpu.memory_space<vmem_shared>> -> memref<128x128xf32, #tpu.memory_space<vmem_shared>>
      tpu.wait_dma2 semaphore(%run_scoped3A : memref<!tpu.dma_semaphore, #tpu.memory_space<semaphore_mem>>) src(%arg9 : memref<128x128xf32, #tpu.memory_space<vmem>>) dst(%dma_wait3A_60 : memref<128x128xf32, #tpu.memory_space<vmem_shared>>)
      tpu.yield
    }) : () -> ()
    %mul3A_31 = arith.constant 632 : i32
    %mul3A_32 = arith.muli %arg1, %mul3A_31 : i32
    %add3A_33 = arith.constant 512 : i32
    %add3A_34 = arith.addi %mul3A_32, %add3A_33 : i32
    "tpu.region"() ({
      %run_scoped3A = tpu.sem_alloc : memref<!tpu.dma_semaphore, #tpu.memory_space<semaphore_mem>>
      %dma_start3A = arith.constant 0 : i32
      %dma_start3A_55 = arith.constant 0 : i32
      %dma_start3A_56 = tpu.memref_slice %arg9[%dma_start3A, %dma_start3A_55] : memref<128x128xf32, #tpu.memory_space<vmem>> -> memref<120x128xf32, #tpu.memory_space<vmem>>
      %dma_start3A_57 = arith.constant 0 : i32
      %dma_start3A_58 = tpu.memref_slice %arg11[%add3A_34, %dma_start3A_57] : memref<10112x128xf32, #tpu.memory_space<vmem_shared>> -> memref<120x128xf32, #tpu.memory_space<vmem_shared>>
      %dma_start3A_59 = arith.constant 0 : i32
      %dma_start3A_60 = tpu.memref_slice %arg11[%add3A_34, %dma_start3A_59] : memref<10112x128xf32, #tpu.memory_space<vmem_shared>> -> memref<120x128xf32, #tpu.memory_space<vmem_shared>>
      %dma_start3A_61 = arith.constant 0 : i32
      %dma_start3A_62 = arith.constant 0 : i32
      %dma_start3A_63 = tpu.memref_slice %arg9[%dma_start3A_61, %dma_start3A_62] : memref<128x128xf32, #tpu.memory_space<vmem>> -> memref<120x128xf32, #tpu.memory_space<vmem>>
      tpu.enqueue_dma source(%dma_start3A_63 : memref<120x128xf32, #tpu.memory_space<vmem>>) target(%dma_start3A_60 : memref<120x128xf32, #tpu.memory_space<vmem_shared>>) target_semaphore(%run_scoped3A : memref<!tpu.dma_semaphore, #tpu.memory_space<semaphore_mem>>)
      %dma_wait3A = arith.constant 0 : i32
      %dma_wait3A_64 = arith.constant 0 : i32
      %dma_wait3A_65 = tpu.memref_slice %arg9[%dma_wait3A, %dma_wait3A_64] : memref<128x128xf32, #tpu.memory_space<vmem>> -> memref<120x128xf32, #tpu.memory_space<vmem>>
      %dma_wait3A_66 = arith.constant 0 : i32
      %dma_wait3A_67 = tpu.memref_slice %arg11[%add3A_34, %dma_wait3A_66] : memref<10112x128xf32, #tpu.memory_space<vmem_shared>> -> memref<120x128xf32, #tpu.memory_space<vmem_shared>>
      %dma_wait3A_68 = arith.constant 0 : i32
      %dma_wait3A_69 = tpu.memref_slice %arg11[%add3A_34, %dma_wait3A_68] : memref<10112x128xf32, #tpu.memory_space<vmem_shared>> -> memref<120x128xf32, #tpu.memory_space<vmem_shared>>
      %dma_wait3A_70 = arith.constant 0 : i32
      %dma_wait3A_71 = arith.constant 0 : i32
      %dma_wait3A_72 = tpu.memref_slice %arg9[%dma_wait3A_70, %dma_wait3A_71] : memref<128x128xf32, #tpu.memory_space<vmem>> -> memref<120x128xf32, #tpu.memory_space<vmem>>
      tpu.wait_dma2 semaphore(%run_scoped3A : memref<!tpu.dma_semaphore, #tpu.memory_space<semaphore_mem>>) src(%dma_wait3A_72 : memref<120x128xf32, #tpu.memory_space<vmem>>) dst(%dma_wait3A_69 : memref<120x128xf32, #tpu.memory_space<vmem_shared>>)
      tpu.yield
    }) : () -> ()
    %mul3A_35 = arith.constant 128 : i32
    %mul3A_36 = arith.muli %select_n3A, %mul3A_35 : i32
    "tpu.region"() ({
      %run_scoped3A = tpu.sem_alloc : memref<!tpu.dma_semaphore, #tpu.memory_space<semaphore_mem>>
      %dma_start3A = tpu.memref_slice %arg3[%mul3A_36] : memref<348160xi32, #tpu.memory_space<hbm>> -> memref<16384xi32, #tpu.memory_space<hbm>>
      %dma_start3A_55 = tpu.memref_slice %arg3[%mul3A_36] : memref<348160xi32, #tpu.memory_space<hbm>> -> memref<16384xi32, #tpu.memory_space<hbm>>
      tpu.enqueue_dma source(%dma_start3A_55 : memref<16384xi32, #tpu.memory_space<hbm>>) target(%arg6 : memref<16384xi32, #tpu.memory_space<vmem>>) target_semaphore(%run_scoped3A : memref<!tpu.dma_semaphore, #tpu.memory_space<semaphore_mem>>)
      %dma_wait3A = tpu.memref_slice %arg3[%mul3A_36] : memref<348160xi32, #tpu.memory_space<hbm>> -> memref<16384xi32, #tpu.memory_space<hbm>>
      %dma_wait3A_56 = tpu.memref_slice %arg3[%mul3A_36] : memref<348160xi32, #tpu.memory_space<hbm>> -> memref<16384xi32, #tpu.memory_space<hbm>>
      tpu.wait_dma2 semaphore(%run_scoped3A : memref<!tpu.dma_semaphore, #tpu.memory_space<semaphore_mem>>) src(%dma_wait3A_56 : memref<16384xi32, #tpu.memory_space<hbm>>) dst(%arg6 : memref<16384xi32, #tpu.memory_space<vmem>>)
      tpu.yield
    }) : () -> ()
    %barrier3A = arith.constant 0 : index
    tpu.barrier barrier_id(%barrier3A)
    %gt3A = arith.constant 0 : i32
    %gt3A_37 = arith.cmpi sgt, %select_n3A_8, %gt3A : i32
    %convert_element_type3A = arith.extui %gt3A_37 : i1 to i32
    %cond3A = arith.constant 0 : i32
    %cond3A_38 = arith.cmpi ne, %convert_element_type3A, %cond3A : i32
    scf.if %cond3A_38 {
      %add3A_55 = arith.constant 0 : i32
      %add3A_56 = arith.addi %select_n3A, %add3A_55 : i32
      %mul3A_57 = arith.constant 128 : i32
      %mul3A_58 = arith.muli %add3A_56, %mul3A_57 : i32
      %dma_start3A = tpu.memref_slice %arg4[%mul3A_58] : memref<327680xi32, #tpu.memory_space<hbm>> -> memref<128xi32, #tpu.memory_space<hbm>>
      %dma_start3A_59 = tpu.memref_slice %arg4[%mul3A_58] : memref<327680xi32, #tpu.memory_space<hbm>> -> memref<128xi32, #tpu.memory_space<hbm>>
      tpu.enqueue_dma source(%dma_start3A_59 : memref<128xi32, #tpu.memory_space<hbm>>) target(%arg7 : memref<128xi32, #tpu.memory_space<vmem>>) target_semaphore(%arg14 : memref<!tpu.dma_semaphore, #tpu.memory_space<semaphore_mem>>)
      %dma_start3A_60 = arith.constant 0 : i32
      %dma_start3A_61 = tpu.memref_slice %arg6[%dma_start3A_60] : memref<16384xi32, #tpu.memory_space<vmem>> -> memref<128xi32, #tpu.memory_space<vmem>>
      %dma_start3A_62 = arith.constant 0 : i32
      %dma_start3A_63 = arith.constant 0 : i32
      %dma_start3A_64 = tpu.memref_slice %arg2[%dma_start3A_62, %dma_start3A_63] : memref<10000x128xf32, #tpu.memory_space<hbm>> -> memref<10000x128xf32, #tpu.memory_space<hbm>>
      tpu.enqueue_indirect_dma source(%dma_start3A_64 : memref<10000x128xf32, #tpu.memory_space<hbm>>) target(%arg9 : memref<128x128xf32, #tpu.memory_space<vmem>>) offsets(%dma_start3A_61 : memref<128xi32, #tpu.memory_space<vmem>>) semaphore(%arg12 : memref<!tpu.dma_semaphore, #tpu.memory_space<semaphore_mem>>)
    } else {
    }
    %gt3A_39 = arith.constant 1 : i32
    %gt3A_40 = arith.cmpi sgt, %select_n3A_8, %gt3A_39 : i32
    %convert_element_type3A_41 = arith.extui %gt3A_40 : i1 to i32
    %cond3A_42 = arith.constant 0 : i32
    %cond3A_43 = arith.cmpi ne, %convert_element_type3A_41, %cond3A_42 : i32
    scf.if %cond3A_43 {
      %add3A_55 = arith.constant 1 : i32
      %add3A_56 = arith.addi %select_n3A, %add3A_55 : i32
      %mul3A_57 = arith.constant 128 : i32
      %mul3A_58 = arith.muli %add3A_56, %mul3A_57 : i32
      %dma_start3A = tpu.memref_slice %arg4[%mul3A_58] : memref<327680xi32, #tpu.memory_space<hbm>> -> memref<128xi32, #tpu.memory_space<hbm>>
      %dma_start3A_59 = tpu.memref_slice %arg4[%mul3A_58] : memref<327680xi32, #tpu.memory_space<hbm>> -> memref<128xi32, #tpu.memory_space<hbm>>
      tpu.enqueue_dma source(%dma_start3A_59 : memref<128xi32, #tpu.memory_space<hbm>>) target(%arg8 : memref<128xi32, #tpu.memory_space<vmem>>) target_semaphore(%arg15 : memref<!tpu.dma_semaphore, #tpu.memory_space<semaphore_mem>>)
      %dma_start3A_60 = arith.constant 128 : i32
      %dma_start3A_61 = tpu.memref_slice %arg6[%dma_start3A_60] : memref<16384xi32, #tpu.memory_space<vmem>> -> memref<128xi32, #tpu.memory_space<vmem>>
      %dma_start3A_62 = arith.constant 0 : i32
      %dma_start3A_63 = arith.constant 0 : i32
      %dma_start3A_64 = tpu.memref_slice %arg2[%dma_start3A_62, %dma_start3A_63] : memref<10000x128xf32, #tpu.memory_space<hbm>> -> memref<10000x128xf32, #tpu.memory_space<hbm>>
      tpu.enqueue_indirect_dma source(%dma_start3A_64 : memref<10000x128xf32, #tpu.memory_space<hbm>>) target(%arg10 : memref<128x128xf32, #tpu.memory_space<vmem>>) offsets(%dma_start3A_61 : memref<128xi32, #tpu.memory_space<vmem>>) semaphore(%arg13 : memref<!tpu.dma_semaphore, #tpu.memory_space<semaphore_mem>>)
    } else {
    }
    %scan3A_44 = arith.constant 0 : i32
    %scan3A_45 = arith.constant 0 : i32
    %scan3A_46 = arith.constant 64 : i32
    %scan3A_47 = arith.addi %scan3A_45, %scan3A_46 : i32
    %scan3A_48 = arith.constant 1 : i32
    scf.for %scan3A_55 = %scan3A_45 to %scan3A_47 step %scan3A_48  : i32 {
      %mul3A_56 = arith.constant 2 : i32
      %mul3A_57 = arith.muli %mul3A_56, %scan3A_55 : i32
      %add3A_58 = arith.constant 0 : i32
      %add3A_59 = arith.addi %mul3A_57, %add3A_58 : i32
      %lt3A = arith.cmpi slt, %add3A_59, %select_n3A_8 : i32
      %convert_element_type3A_60 = arith.extui %lt3A : i1 to i32
      %cond3A_61 = arith.constant 0 : i32
      %cond3A_62 = arith.cmpi ne, %convert_element_type3A_60, %cond3A_61 : i32
      scf.if %cond3A_62 {
        %mul3A_71 = arith.constant 128 : i32
        %mul3A_72 = arith.muli %add3A_59, %mul3A_71 : i32
        %dma_wait3A = tpu.memref_slice %arg6[%mul3A_72] : memref<16384xi32, #tpu.memory_space<vmem>> -> memref<128xi32, #tpu.memory_space<vmem>>
        %dma_wait3A_73 = arith.constant 0 : i32
        %dma_wait3A_74 = arith.constant 0 : i32
        %dma_wait3A_75 = tpu.memref_slice %arg2[%dma_wait3A_73, %dma_wait3A_74] : memref<10000x128xf32, #tpu.memory_space<hbm>> -> memref<10000x128xf32, #tpu.memory_space<hbm>>
        tpu.wait_indirect_dma semaphore(%arg12 : memref<!tpu.dma_semaphore, #tpu.memory_space<semaphore_mem>>) src(%dma_wait3A_75 : memref<10000x128xf32, #tpu.memory_space<hbm>>) dst(%arg9 : memref<128x128xf32, #tpu.memory_space<vmem>>)
        %add3A_76 = arith.addi %select_n3A, %add3A_59 : i32
        %mul3A_77 = arith.constant 128 : i32
        %mul3A_78 = arith.muli %add3A_76, %mul3A_77 : i32
        %dma_wait3A_79 = tpu.memref_slice %arg4[%mul3A_78] : memref<327680xi32, #tpu.memory_space<hbm>> -> memref<128xi32, #tpu.memory_space<hbm>>
        %dma_wait3A_80 = tpu.memref_slice %arg4[%mul3A_78] : memref<327680xi32, #tpu.memory_space<hbm>> -> memref<128xi32, #tpu.memory_space<hbm>>
        tpu.wait_dma2 semaphore(%arg14 : memref<!tpu.dma_semaphore, #tpu.memory_space<semaphore_mem>>) src(%dma_wait3A_80 : memref<128xi32, #tpu.memory_space<hbm>>) dst(%arg7 : memref<128xi32, #tpu.memory_space<vmem>>)
        %dma_start3A = arith.constant 0 : i32
        %dma_start3A_81 = arith.constant 0 : i32
        %dma_start3A_82 = tpu.memref_slice %arg11[%dma_start3A, %dma_start3A_81] : memref<10112x128xf32, #tpu.memory_space<vmem_shared>> -> memref<10112x128xf32, #tpu.memory_space<vmem_shared>>
        tpu.enqueue_indirect_dma source(%arg9 : memref<128x128xf32, #tpu.memory_space<vmem>>) target(%dma_start3A_82 : memref<10112x128xf32, #tpu.memory_space<vmem_shared>>) offsets(%arg7 : memref<128xi32, #tpu.memory_space<vmem>>) semaphore(%arg16 : memref<!tpu.dma_semaphore, #tpu.memory_space<semaphore_mem>>) {add = true}
        %add3A_83 = arith.constant 2 : i32
        %add3A_84 = arith.addi %add3A_59, %add3A_83 : i32
        %lt3A_85 = arith.cmpi slt, %add3A_84, %select_n3A_8 : i32
        %convert_element_type3A_86 = arith.extui %lt3A_85 : i1 to i32
        %cond3A_87 = arith.constant 0 : i32
        %cond3A_88 = arith.cmpi ne, %convert_element_type3A_86, %cond3A_87 : i32
        scf.if %cond3A_88 {
          %dma_wait3A_94 = arith.constant 0 : i32
          %dma_wait3A_95 = arith.constant 0 : i32
          %dma_wait3A_96 = tpu.memref_slice %arg11[%dma_wait3A_94, %dma_wait3A_95] : memref<10112x128xf32, #tpu.memory_space<vmem_shared>> -> memref<10112x128xf32, #tpu.memory_space<vmem_shared>>
          tpu.wait_indirect_dma semaphore(%arg16 : memref<!tpu.dma_semaphore, #tpu.memory_space<semaphore_mem>>) src(%arg9 : memref<128x128xf32, #tpu.memory_space<vmem>>) dst(%dma_wait3A_96 : memref<10112x128xf32, #tpu.memory_space<vmem_shared>>)
          %add3A_97 = arith.constant 2 : i32
          %add3A_98 = arith.addi %add3A_59, %add3A_97 : i32
          %add3A_99 = arith.addi %select_n3A, %add3A_98 : i32
          %mul3A_100 = arith.constant 128 : i32
          %mul3A_101 = arith.muli %add3A_99, %mul3A_100 : i32
          %dma_start3A_102 = tpu.memref_slice %arg4[%mul3A_101] : memref<327680xi32, #tpu.memory_space<hbm>> -> memref<128xi32, #tpu.memory_space<hbm>>
          %dma_start3A_103 = tpu.memref_slice %arg4[%mul3A_101] : memref<327680xi32, #tpu.memory_space<hbm>> -> memref<128xi32, #tpu.memory_space<hbm>>
          tpu.enqueue_dma source(%dma_start3A_103 : memref<128xi32, #tpu.memory_space<hbm>>) target(%arg7 : memref<128xi32, #tpu.memory_space<vmem>>) target_semaphore(%arg14 : memref<!tpu.dma_semaphore, #tpu.memory_space<semaphore_mem>>)
          %add3A_104 = arith.constant 2 : i32
          %add3A_105 = arith.addi %add3A_59, %add3A_104 : i32
          %mul3A_106 = arith.constant 128 : i32
          %mul3A_107 = arith.muli %add3A_105, %mul3A_106 : i32
          %dma_start3A_108 = tpu.memref_slice %arg6[%mul3A_107] : memref<16384xi32, #tpu.memory_space<vmem>> -> memref<128xi32, #tpu.memory_space<vmem>>
          %dma_start3A_109 = arith.constant 0 : i32
          %dma_start3A_110 = arith.constant 0 : i32
          %dma_start3A_111 = tpu.memref_slice %arg2[%dma_start3A_109, %dma_start3A_110] : memref<10000x128xf32, #tpu.memory_space<hbm>> -> memref<10000x128xf32, #tpu.memory_space<hbm>>
          tpu.enqueue_indirect_dma source(%dma_start3A_111 : memref<10000x128xf32, #tpu.memory_space<hbm>>) target(%arg9 : memref<128x128xf32, #tpu.memory_space<vmem>>) offsets(%dma_start3A_108 : memref<128xi32, #tpu.memory_space<vmem>>) semaphore(%arg12 : memref<!tpu.dma_semaphore, #tpu.memory_space<semaphore_mem>>)
        } else {
        }
        %add3A_89 = arith.constant 2 : i32
        %add3A_90 = arith.addi %add3A_59, %add3A_89 : i32
        %ge3A = arith.cmpi sge, %add3A_90, %select_n3A_8 : i32
        %convert_element_type3A_91 = arith.extui %ge3A : i1 to i32
        %cond3A_92 = arith.constant 0 : i32
        %cond3A_93 = arith.cmpi ne, %convert_element_type3A_91, %cond3A_92 : i32
        scf.if %cond3A_93 {
          %dma_wait3A_94 = arith.constant 0 : i32
          %dma_wait3A_95 = arith.constant 0 : i32
          %dma_wait3A_96 = tpu.memref_slice %arg11[%dma_wait3A_94, %dma_wait3A_95] : memref<10112x128xf32, #tpu.memory_space<vmem_shared>> -> memref<10112x128xf32, #tpu.memory_space<vmem_shared>>
          tpu.wait_indirect_dma semaphore(%arg16 : memref<!tpu.dma_semaphore, #tpu.memory_space<semaphore_mem>>) src(%arg9 : memref<128x128xf32, #tpu.memory_space<vmem>>) dst(%dma_wait3A_96 : memref<10112x128xf32, #tpu.memory_space<vmem_shared>>)
        } else {
        }
      } else {
      }
      %mul3A_63 = arith.constant 2 : i32
      %mul3A_64 = arith.muli %mul3A_63, %scan3A_55 : i32
      %add3A_65 = arith.constant 1 : i32
      %add3A_66 = arith.addi %mul3A_64, %add3A_65 : i32
      %lt3A_67 = arith.cmpi slt, %add3A_66, %select_n3A_8 : i32
      %convert_element_type3A_68 = arith.extui %lt3A_67 : i1 to i32
      %cond3A_69 = arith.constant 0 : i32
      %cond3A_70 = arith.cmpi ne, %convert_element_type3A_68, %cond3A_69 : i32
      scf.if %cond3A_70 {
        %mul3A_71 = arith.constant 128 : i32
        %mul3A_72 = arith.muli %add3A_66, %mul3A_71 : i32
        %dma_wait3A = tpu.memref_slice %arg6[%mul3A_72] : memref<16384xi32, #tpu.memory_space<vmem>> -> memref<128xi32, #tpu.memory_space<vmem>>
        %dma_wait3A_73 = arith.constant 0 : i32
        %dma_wait3A_74 = arith.constant 0 : i32
        %dma_wait3A_75 = tpu.memref_slice %arg2[%dma_wait3A_73, %dma_wait3A_74] : memref<10000x128xf32, #tpu.memory_space<hbm>> -> memref<10000x128xf32, #tpu.memory_space<hbm>>
        tpu.wait_indirect_dma semaphore(%arg13 : memref<!tpu.dma_semaphore, #tpu.memory_space<semaphore_mem>>) src(%dma_wait3A_75 : memref<10000x128xf32, #tpu.memory_space<hbm>>) dst(%arg10 : memref<128x128xf32, #tpu.memory_space<vmem>>)
        %add3A_76 = arith.addi %select_n3A, %add3A_66 : i32
        %mul3A_77 = arith.constant 128 : i32
        %mul3A_78 = arith.muli %add3A_76, %mul3A_77 : i32
        %dma_wait3A_79 = tpu.memref_slice %arg4[%mul3A_78] : memref<327680xi32, #tpu.memory_space<hbm>> -> memref<128xi32, #tpu.memory_space<hbm>>
        %dma_wait3A_80 = tpu.memref_slice %arg4[%mul3A_78] : memref<327680xi32, #tpu.memory_space<hbm>> -> memref<128xi32, #tpu.memory_space<hbm>>
        tpu.wait_dma2 semaphore(%arg15 : memref<!tpu.dma_semaphore, #tpu.memory_space<semaphore_mem>>) src(%dma_wait3A_80 : memref<128xi32, #tpu.memory_space<hbm>>) dst(%arg8 : memref<128xi32, #tpu.memory_space<vmem>>)
        %dma_start3A = arith.constant 0 : i32
        %dma_start3A_81 = arith.constant 0 : i32
        %dma_start3A_82 = tpu.memref_slice %arg11[%dma_start3A, %dma_start3A_81] : memref<10112x128xf32, #tpu.memory_space<vmem_shared>> -> memref<10112x128xf32, #tpu.memory_space<vmem_shared>>
        tpu.enqueue_indirect_dma source(%arg10 : memref<128x128xf32, #tpu.memory_space<vmem>>) target(%dma_start3A_82 : memref<10112x128xf32, #tpu.memory_space<vmem_shared>>) offsets(%arg8 : memref<128xi32, #tpu.memory_space<vmem>>) semaphore(%arg17 : memref<!tpu.dma_semaphore, #tpu.memory_space<semaphore_mem>>) {add = true}
        %add3A_83 = arith.constant 2 : i32
        %add3A_84 = arith.addi %add3A_66, %add3A_83 : i32
        %lt3A_85 = arith.cmpi slt, %add3A_84, %select_n3A_8 : i32
        %convert_element_type3A_86 = arith.extui %lt3A_85 : i1 to i32
        %cond3A_87 = arith.constant 0 : i32
        %cond3A_88 = arith.cmpi ne, %convert_element_type3A_86, %cond3A_87 : i32
        scf.if %cond3A_88 {
          %dma_wait3A_94 = arith.constant 0 : i32
          %dma_wait3A_95 = arith.constant 0 : i32
          %dma_wait3A_96 = tpu.memref_slice %arg11[%dma_wait3A_94, %dma_wait3A_95] : memref<10112x128xf32, #tpu.memory_space<vmem_shared>> -> memref<10112x128xf32, #tpu.memory_space<vmem_shared>>
          tpu.wait_indirect_dma semaphore(%arg17 : memref<!tpu.dma_semaphore, #tpu.memory_space<semaphore_mem>>) src(%arg10 : memref<128x128xf32, #tpu.memory_space<vmem>>) dst(%dma_wait3A_96 : memref<10112x128xf32, #tpu.memory_space<vmem_shared>>)
          %add3A_97 = arith.constant 2 : i32
          %add3A_98 = arith.addi %add3A_66, %add3A_97 : i32
          %add3A_99 = arith.addi %select_n3A, %add3A_98 : i32
          %mul3A_100 = arith.constant 128 : i32
          %mul3A_101 = arith.muli %add3A_99, %mul3A_100 : i32
          %dma_start3A_102 = tpu.memref_slice %arg4[%mul3A_101] : memref<327680xi32, #tpu.memory_space<hbm>> -> memref<128xi32, #tpu.memory_space<hbm>>
          %dma_start3A_103 = tpu.memref_slice %arg4[%mul3A_101] : memref<327680xi32, #tpu.memory_space<hbm>> -> memref<128xi32, #tpu.memory_space<hbm>>
          tpu.enqueue_dma source(%dma_start3A_103 : memref<128xi32, #tpu.memory_space<hbm>>) target(%arg8 : memref<128xi32, #tpu.memory_space<vmem>>) target_semaphore(%arg15 : memref<!tpu.dma_semaphore, #tpu.memory_space<semaphore_mem>>)
          %add3A_104 = arith.constant 2 : i32
          %add3A_105 = arith.addi %add3A_66, %add3A_104 : i32
          %mul3A_106 = arith.constant 128 : i32
          %mul3A_107 = arith.muli %add3A_105, %mul3A_106 : i32
          %dma_start3A_108 = tpu.memref_slice %arg6[%mul3A_107] : memref<16384xi32, #tpu.memory_space<vmem>> -> memref<128xi32, #tpu.memory_space<vmem>>
          %dma_start3A_109 = arith.constant 0 : i32
          %dma_start3A_110 = arith.constant 0 : i32
          %dma_start3A_111 = tpu.memref_slice %arg2[%dma_start3A_109, %dma_start3A_110] : memref<10000x128xf32, #tpu.memory_space<hbm>> -> memref<10000x128xf32, #tpu.memory_space<hbm>>
          tpu.enqueue_indirect_dma source(%dma_start3A_111 : memref<10000x128xf32, #tpu.memory_space<hbm>>) target(%arg10 : memref<128x128xf32, #tpu.memory_space<vmem>>) offsets(%dma_start3A_108 : memref<128xi32, #tpu.memory_space<vmem>>) semaphore(%arg13 : memref<!tpu.dma_semaphore, #tpu.memory_space<semaphore_mem>>)
        } else {
        }
        %add3A_89 = arith.constant 2 : i32
        %add3A_90 = arith.addi %add3A_66, %add3A_89 : i32
        %ge3A = arith.cmpi sge, %add3A_90, %select_n3A_8 : i32
        %convert_element_type3A_91 = arith.extui %ge3A : i1 to i32
        %cond3A_92 = arith.constant 0 : i32
        %cond3A_93 = arith.cmpi ne, %convert_element_type3A_91, %cond3A_92 : i32
        scf.if %cond3A_93 {
          %dma_wait3A_94 = arith.constant 0 : i32
          %dma_wait3A_95 = arith.constant 0 : i32
          %dma_wait3A_96 = tpu.memref_slice %arg11[%dma_wait3A_94, %dma_wait3A_95] : memref<10112x128xf32, #tpu.memory_space<vmem_shared>> -> memref<10112x128xf32, #tpu.memory_space<vmem_shared>>
          tpu.wait_indirect_dma semaphore(%arg17 : memref<!tpu.dma_semaphore, #tpu.memory_space<semaphore_mem>>) src(%arg10 : memref<128x128xf32, #tpu.memory_space<vmem>>) dst(%dma_wait3A_96 : memref<10112x128xf32, #tpu.memory_space<vmem_shared>>)
        } else {
        }
      } else {
      }
    }
    %scan3A_49 = arith.constant 64 : i32
    %barrier3A_50 = arith.constant 0 : index
    tpu.barrier barrier_id(%barrier3A_50)
    %mul3A_51 = arith.constant 632 : i32
    %mul3A_52 = arith.muli %arg1, %mul3A_51 : i32
    %mul3A_53 = arith.constant 632 : i32
    %mul3A_54 = arith.muli %arg1, %mul3A_53 : i32
    "tpu.region"() ({
      %run_scoped3A = tpu.sem_alloc : memref<!tpu.dma_semaphore, #tpu.memory_space<semaphore_mem>>
      %dma_start3A = arith.constant 0 : i32
      %dma_start3A_55 = tpu.memref_slice %arg5[%arg0, %mul3A_54, %dma_start3A] : memref<2x10112x128xf32, #tpu.memory_space<hbm>> -> memref<1x632x128xf32, #tpu.memory_space<hbm>>
      %dma_start3A_56 = tpu.memref_squeeze %dma_start3A_55 : memref<1x632x128xf32, #tpu.memory_space<hbm>> -> memref<632x128xf32, #tpu.memory_space<hbm>>
      %dma_start3A_57 = arith.constant 0 : i32
      %dma_start3A_58 = tpu.memref_slice %arg11[%mul3A_52, %dma_start3A_57] : memref<10112x128xf32, #tpu.memory_space<vmem_shared>> -> memref<632x128xf32, #tpu.memory_space<vmem_shared>>
      tpu.enqueue_dma source(%dma_start3A_58 : memref<632x128xf32, #tpu.memory_space<vmem_shared>>) target(%dma_start3A_56 : memref<632x128xf32, #tpu.memory_space<hbm>>) target_semaphore(%run_scoped3A : memref<!tpu.dma_semaphore, #tpu.memory_space<semaphore_mem>>)
      %dma_wait3A = arith.constant 0 : i32
      %dma_wait3A_59 = tpu.memref_slice %arg5[%arg0, %mul3A_54, %dma_wait3A] : memref<2x10112x128xf32, #tpu.memory_space<hbm>> -> memref<1x632x128xf32, #tpu.memory_space<hbm>>
      %dma_wait3A_60 = tpu.memref_squeeze %dma_wait3A_59 : memref<1x632x128xf32, #tpu.memory_space<hbm>> -> memref<632x128xf32, #tpu.memory_space<hbm>>
      %dma_wait3A_61 = arith.constant 0 : i32
      %dma_wait3A_62 = tpu.memref_slice %arg11[%mul3A_52, %dma_wait3A_61] : memref<10112x128xf32, #tpu.memory_space<vmem_shared>> -> memref<632x128xf32, #tpu.memory_space<vmem_shared>>
      tpu.wait_dma2 semaphore(%run_scoped3A : memref<!tpu.dma_semaphore, #tpu.memory_space<semaphore_mem>>) src(%dma_wait3A_62 : memref<632x128xf32, #tpu.memory_space<vmem_shared>>) dst(%dma_wait3A_60 : memref<632x128xf32, #tpu.memory_space<hbm>>)
      tpu.yield
    }) : () -> ()
    return
  }
}

#map = affine_map<(d0, d1) -> (0, 0)>
#map1 = affine_map<(d0, d1) -> (0)>
#map2 = affine_map<(d0, d1) -> (0, 0, 0)>
module attributes {stable_mosaic.version = 14 : i64} {
  func.func @body(%arg0: i32, %arg1: i32, %arg2: memref<10000x128xf32, #tpu.memory_space<hbm>>, %arg3: memref<348160xi32, #tpu.memory_space<hbm>>, %arg4: memref<327680xi32, #tpu.memory_space<hbm>>, %arg5: memref<2x10112x128xf32, #tpu.memory_space<hbm>>, %arg6: memref<16384xi32, #tpu.memory_space<vmem>>, %arg7: memref<128xi32, #tpu.memory_space<vmem>>, %arg8: memref<128xi32, #tpu.memory_space<vmem>>, %arg9: memref<128x128xf32, #tpu.memory_space<vmem>>, %arg10: memref<128x128xf32, #tpu.memory_space<vmem>>, %arg11: memref<10112x128xf32, #tpu.memory_space<vmem_shared>>, %arg12: memref<!tpu.dma_semaphore, #tpu.memory_space<semaphore_mem>>, %arg13: memref<!tpu.dma_semaphore, #tpu.memory_space<semaphore_mem>>, %arg14: memref<!tpu.dma_semaphore, #tpu.memory_space<semaphore_mem>>, %arg15: memref<!tpu.dma_semaphore, #tpu.memory_space<semaphore_mem>>, %arg16: memref<!tpu.dma_semaphore, #tpu.memory_space<semaphore_mem>>, %arg17: memref<!tpu.dma_semaphore, #tpu.memory_space<semaphore_mem>>) attributes {dimension_semantics = [#tpu.dimension_semantics<core_parallel>, #tpu.dimension_semantics<subcore_parallel>], iteration_bounds = array<i64: 2, 16>, scalar_prefetch = 0 : i64, scratch_operands = 12 : i64, tpu.core_type = #tpu.core_type<sc_vector_subcore>, window_params = [{transform_indices = #map}, {transform_indices = #map1}, {transform_indices = #map1}, {transform_indices = #map2}]} {
    %eq3A = arith.constant 0 : i32
    %eq3A_0 = arith.cmpi eq, %arg0, %eq3A : i32
    %mul3A = arith.constant 128 : i32
    %mul3A_1 = arith.muli %arg1, %mul3A : i32
    %mul3A_2 = arith.constant 32 : i32
    %mul3A_3 = arith.muli %arg1, %mul3A_2 : i32
    %add3A = arith.constant 2048 : i32
    %add3A_4 = arith.addi %add3A, %mul3A_3 : i32
    %select_n3A = arith.select %eq3A_0, %mul3A_1, %add3A_4 : i32
    %eq3A_5 = arith.constant 0 : i32
    %eq3A_6 = arith.cmpi eq, %arg0, %eq3A_5 : i32
    %jit3A = arith.constant 128 : i32
    %jit3A_7 = arith.constant 32 : i32
    %select_n3A_8 = arith.select %eq3A_6, %jit3A, %jit3A_7 : i32
    %broadcast_in_dim3A = arith.constant 0.000000e+00 : f32
    %broadcast_in_dim3A_9 = vector.broadcast %broadcast_in_dim3A : f32 to vector<16xf32>
    %scan3A = arith.constant 0 : i32
    %scan3A_10 = arith.constant 0 : i32
    %scan3A_11 = arith.constant 1024 : i32
    %scan3A_12 = arith.addi %scan3A_10, %scan3A_11 : i32
    %scan3A_13 = arith.constant 1 : i32
    scf.for %scan3A_55 = %scan3A_10 to %scan3A_12 step %scan3A_13  : i32 {
      %jit3A_56 = arith.constant 8 : i32
      %div3A = arith.divsi %scan3A_55, %jit3A_56 : i32
      %sign3A = arith.constant 0 : i32
      %sign3A_57 = arith.cmpi sgt, %scan3A_55, %sign3A : i32
      %sign3A_58 = arith.extui %sign3A_57 : i1 to i32
      %sign3A_59 = arith.constant 0 : i32
      %sign3A_60 = arith.cmpi slt, %scan3A_55, %sign3A_59 : i32
      %sign3A_61 = arith.extui %sign3A_60 : i1 to i32
      %sign3A_62 = arith.subi %sign3A_58, %sign3A_61 : i32
      %sign3A_63 = arith.constant 0 : i32
      %sign3A_64 = arith.cmpi sgt, %jit3A_56, %sign3A_63 : i32
      %sign3A_65 = arith.extui %sign3A_64 : i1 to i32
      %sign3A_66 = arith.constant 0 : i32
      %sign3A_67 = arith.cmpi slt, %jit3A_56, %sign3A_66 : i32
      %sign3A_68 = arith.extui %sign3A_67 : i1 to i32
      %sign3A_69 = arith.subi %sign3A_65, %sign3A_68 : i32
      %ne3A = arith.cmpi ne, %sign3A_62, %sign3A_69 : i32
      %rem3A = arith.remsi %scan3A_55, %jit3A_56 : i32
      %ne3A_70 = arith.constant 0 : i32
      %ne3A_71 = arith.cmpi ne, %rem3A, %ne3A_70 : i32
      %and3A = arith.andi %ne3A, %ne3A_71 : i1
      %sub3A = arith.constant 1 : i32
      %sub3A_72 = arith.subi %div3A, %sub3A : i32
      %select_n3A_73 = arith.select %and3A, %sub3A_72, %div3A : i32
      %jit3A_74 = arith.constant 8 : i32
      %eq3A_75 = arith.constant 0 : i32
      %eq3A_76 = arith.cmpi eq, %jit3A_74, %eq3A_75 : i32
      %jit3A_77 = arith.constant 1 : i32
      %select_n3A_78 = arith.select %eq3A_76, %jit3A_77, %jit3A_74 : i32
      %rem3A_79 = arith.remsi %scan3A_55, %select_n3A_78 : i32
      %ne3A_80 = arith.constant 0 : i32
      %ne3A_81 = arith.cmpi ne, %rem3A_79, %ne3A_80 : i32
      %lt3A = arith.constant 0 : i32
      %lt3A_82 = arith.cmpi slt, %rem3A_79, %lt3A : i32
      %lt3A_83 = arith.constant 0 : i32
      %lt3A_84 = arith.cmpi slt, %select_n3A_78, %lt3A_83 : i32
      %ne3A_85 = arith.xori %lt3A_82, %lt3A_84 : i1
      %and3A_86 = arith.andi %ne3A_85, %ne3A_81 : i1
      %add3A_87 = arith.addi %rem3A_79, %select_n3A_78 : i32
      %select_n3A_88 = arith.select %and3A_86, %add3A_87, %rem3A_79 : i32
      %mul3A_89 = arith.constant 16 : i32
      %mul3A_90 = arith.muli %select_n3A_88, %mul3A_89 : i32
      %swap3A = arith.index_cast %select_n3A_73 : i32 to index
      %swap3A_91 = arith.index_cast %mul3A_90 : i32 to index
      %swap3A_92 = tpu.vector_load %arg9[%swap3A, %swap3A_91] {strides = array<i32>} : memref<128x128xf32, #tpu.memory_space<vmem>>, vector<1x16xf32>,
      %swap3A_93 = vector.shape_cast %swap3A_92 : vector<1x16xf32> to vector<16xf32>
      %swap3A_94 = vector.shape_cast %broadcast_in_dim3A_9 : vector<16xf32> to vector<1x16xf32>
      tpu.vector_store %arg9[%swap3A, %swap3A_91], %swap3A_94 {strides = array<i32>} : memref<128x128xf32, #tpu.memory_space<vmem>>, vector<1x16xf32>,
    }
    %scan3A_14 = arith.constant 1024 : i32
    %mul3A_15 = arith.constant 632 : i32
    %mul3A_16 = arith.muli %arg1, %mul3A_15 : i32
    %add3A_17 = arith.constant 0 : i32
    %add3A_18 = arith.addi %mul3A_16, %add3A_17 : i32
    "tpu.region"() ({
      %run_scoped3A = tpu.sem_alloc : memref<!tpu.dma_semaphore, #tpu.memory_space<semaphore_mem>>
      %dma_start3A = arith.constant 0 : i32
      %dma_start3A_55 = tpu.memref_slice %arg11[%add3A_18, %dma_start3A] : memref<10112x128xf32, #tpu.memory_space<vmem_shared>> -> memref<128x128xf32, #tpu.memory_space<vmem_shared>>
      %dma_start3A_56 = arith.constant 0 : i32
      %dma_start3A_57 = tpu.memref_slice %arg11[%add3A_18, %dma_start3A_56] : memref<10112x128xf32, #tpu.memory_space<vmem_shared>> -> memref<128x128xf32, #tpu.memory_space<vmem_shared>>
      tpu.enqueue_dma source(%arg9 : memref<128x128xf32, #tpu.memory_space<vmem>>) target(%dma_start3A_57 : memref<128x128xf32, #tpu.memory_space<vmem_shared>>) target_semaphore(%run_scoped3A : memref<!tpu.dma_semaphore, #tpu.memory_space<semaphore_mem>>)
      %dma_wait3A = arith.constant 0 : i32
      %dma_wait3A_58 = tpu.memref_slice %arg11[%add3A_18, %dma_wait3A] : memref<10112x128xf32, #tpu.memory_space<vmem_shared>> -> memref<128x128xf32, #tpu.memory_space<vmem_shared>>
      %dma_wait3A_59 = arith.constant 0 : i32
      %dma_wait3A_60 = tpu.memref_slice %arg11[%add3A_18, %dma_wait3A_59] : memref<10112x128xf32, #tpu.memory_space<vmem_shared>> -> memref<128x128xf32, #tpu.memory_space<vmem_shared>>
      tpu.wait_dma2 semaphore(%run_scoped3A : memref<!tpu.dma_semaphore, #tpu.memory_space<semaphore_mem>>) src(%arg9 : memref<128x128xf32, #tpu.memory_space<vmem>>) dst(%dma_wait3A_60 : memref<128x128xf32, #tpu.memory_space<vmem_shared>>)
      tpu.yield
    }) : () -> ()
    %mul3A_19 = arith.constant 632 : i32
    %mul3A_20 = arith.muli %arg1, %mul3A_19 : i32
    %add3A_21 = arith.constant 128 : i32
    %add3A_22 = arith.addi %mul3A_20, %add3A_21 : i32
    "tpu.region"() ({
      %run_scoped3A = tpu.sem_alloc : memref<!tpu.dma_semaphore, #tpu.memory_space<semaphore_mem>>
      %dma_start3A = arith.constant 0 : i32
      %dma_start3A_55 = tpu.memref_slice %arg11[%add3A_22, %dma_start3A] : memref<10112x128xf32, #tpu.memory_space<vmem_shared>> -> memref<128x128xf32, #tpu.memory_space<vmem_shared>>
      %dma_start3A_56 = arith.constant 0 : i32
      %dma_start3A_57 = tpu.memref_slice %arg11[%add3A_22, %dma_start3A_56] : memref<10112x128xf32, #tpu.memory_space<vmem_shared>> -> memref<128x128xf32, #tpu.memory_space<vmem_shared>>
      tpu.enqueue_dma source(%arg9 : memref<128x128xf32, #tpu.memory_space<vmem>>) target(%dma_start3A_57 : memref<128x128xf32, #tpu.memory_space<vmem_shared>>) target_semaphore(%run_scoped3A : memref<!tpu.dma_semaphore, #tpu.memory_space<semaphore_mem>>)
      %dma_wait3A = arith.constant 0 : i32
      %dma_wait3A_58 = tpu.memref_slice %arg11[%add3A_22, %dma_wait3A] : memref<10112x128xf32, #tpu.memory_space<vmem_shared>> -> memref<128x128xf32, #tpu.memory_space<vmem_shared>>
      %dma_wait3A_59 = arith.constant 0 : i32
      %dma_wait3A_60 = tpu.memref_slice %arg11[%add3A_22, %dma_wait3A_59] : memref<10112x128xf32, #tpu.memory_space<vmem_shared>> -> memref<128x128xf32, #tpu.memory_space<vmem_shared>>
      tpu.wait_dma2 semaphore(%run_scoped3A : memref<!tpu.dma_semaphore, #tpu.memory_space<semaphore_mem>>) src(%arg9 : memref<128x128xf32, #tpu.memory_space<vmem>>) dst(%dma_wait3A_60 : memref<128x128xf32, #tpu.memory_space<vmem_shared>>)
      tpu.yield
    }) : () -> ()
    %mul3A_23 = arith.constant 632 : i32
    %mul3A_24 = arith.muli %arg1, %mul3A_23 : i32
    %add3A_25 = arith.constant 256 : i32
    %add3A_26 = arith.addi %mul3A_24, %add3A_25 : i32
    "tpu.region"() ({
      %run_scoped3A = tpu.sem_alloc : memref<!tpu.dma_semaphore, #tpu.memory_space<semaphore_mem>>
      %dma_start3A = arith.constant 0 : i32
      %dma_start3A_55 = tpu.memref_slice %arg11[%add3A_26, %dma_start3A] : memref<10112x128xf32, #tpu.memory_space<vmem_shared>> -> memref<128x128xf32, #tpu.memory_space<vmem_shared>>
      %dma_start3A_56 = arith.constant 0 : i32
      %dma_start3A_57 = tpu.memref_slice %arg11[%add3A_26, %dma_start3A_56] : memref<10112x128xf32, #tpu.memory_space<vmem_shared>> -> memref<128x128xf32, #tpu.memory_space<vmem_shared>>
      tpu.enqueue_dma source(%arg9 : memref<128x128xf32, #tpu.memory_space<vmem>>) target(%dma_start3A_57 : memref<128x128xf32, #tpu.memory_space<vmem_shared>>) target_semaphore(%run_scoped3A : memref<!tpu.dma_semaphore, #tpu.memory_space<semaphore_mem>>)
      %dma_wait3A = arith.constant 0 : i32
      %dma_wait3A_58 = tpu.memref_slice %arg11[%add3A_26, %dma_wait3A] : memref<10112x128xf32, #tpu.memory_space<vmem_shared>> -> memref<128x128xf32, #tpu.memory_space<vmem_shared>>
      %dma_wait3A_59 = arith.constant 0 : i32
      %dma_wait3A_60 = tpu.memref_slice %arg11[%add3A_26, %dma_wait3A_59] : memref<10112x128xf32, #tpu.memory_space<vmem_shared>> -> memref<128x128xf32, #tpu.memory_space<vmem_shared>>
      tpu.wait_dma2 semaphore(%run_scoped3A : memref<!tpu.dma_semaphore, #tpu.memory_space<semaphore_mem>>) src(%arg9 : memref<128x128xf32, #tpu.memory_space<vmem>>) dst(%dma_wait3A_60 : memref<128x128xf32, #tpu.memory_space<vmem_shared>>)
      tpu.yield
    }) : () -> ()
    %mul3A_27 = arith.constant 632 : i32
    %mul3A_28 = arith.muli %arg1, %mul3A_27 : i32
    %add3A_29 = arith.constant 384 : i32
    %add3A_30 = arith.addi %mul3A_28, %add3A_29 : i32
    "tpu.region"() ({
      %run_scoped3A = tpu.sem_alloc : memref<!tpu.dma_semaphore, #tpu.memory_space<semaphore_mem>>
      %dma_start3A = arith.constant 0 : i32
      %dma_start3A_55 = tpu.memref_slice %arg11[%add3A_30, %dma_start3A] : memref<10112x128xf32, #tpu.memory_space<vmem_shared>> -> memref<128x128xf32, #tpu.memory_space<vmem_shared>>
      %dma_start3A_56 = arith.constant 0 : i32
      %dma_start3A_57 = tpu.memref_slice %arg11[%add3A_30, %dma_start3A_56] : memref<10112x128xf32, #tpu.memory_space<vmem_shared>> -> memref<128x128xf32, #tpu.memory_space<vmem_shared>>
      tpu.enqueue_dma source(%arg9 : memref<128x128xf32, #tpu.memory_space<vmem>>) target(%dma_start3A_57 : memref<128x128xf32, #tpu.memory_space<vmem_shared>>) target_semaphore(%run_scoped3A : memref<!tpu.dma_semaphore, #tpu.memory_space<semaphore_mem>>)
      %dma_wait3A = arith.constant 0 : i32
      %dma_wait3A_58 = tpu.memref_slice %arg11[%add3A_30, %dma_wait3A] : memref<10112x128xf32, #tpu.memory_space<vmem_shared>> -> memref<128x128xf32, #tpu.memory_space<vmem_shared>>
      %dma_wait3A_59 = arith.constant 0 : i32
      %dma_wait3A_60 = tpu.memref_slice %arg11[%add3A_30, %dma_wait3A_59] : memref<10112x128xf32, #tpu.memory_space<vmem_shared>> -> memref<128x128xf32, #tpu.memory_space<vmem_shared>>
      tpu.wait_dma2 semaphore(%run_scoped3A : memref<!tpu.dma_semaphore, #tpu.memory_space<semaphore_mem>>) src(%arg9 : memref<128x128xf32, #tpu.memory_space<vmem>>) dst(%dma_wait3A_60 : memref<128x128xf32, #tpu.memory_space<vmem_shared>>)
      tpu.yield
    }) : () -> ()
    %mul3A_31 = arith.constant 632 : i32
    %mul3A_32 = arith.muli %arg1, %mul3A_31 : i32
    %add3A_33 = arith.constant 512 : i32
    %add3A_34 = arith.addi %mul3A_32, %add3A_33 : i32
    "tpu.region"() ({
      %run_scoped3A = tpu.sem_alloc : memref<!tpu.dma_semaphore, #tpu.memory_space<semaphore_mem>>
      %dma_start3A = arith.constant 0 : i32
      %dma_start3A_55 = arith.constant 0 : i32
      %dma_start3A_56 = tpu.memref_slice %arg9[%dma_start3A, %dma_start3A_55] : memref<128x128xf32, #tpu.memory_space<vmem>> -> memref<120x128xf32, #tpu.memory_space<vmem>>
      %dma_start3A_57 = arith.constant 0 : i32
      %dma_start3A_58 = tpu.memref_slice %arg11[%add3A_34, %dma_start3A_57] : memref<10112x128xf32, #tpu.memory_space<vmem_shared>> -> memref<120x128xf32, #tpu.memory_space<vmem_shared>>
      %dma_start3A_59 = arith.constant 0 : i32
      %dma_start3A_60 = tpu.memref_slice %arg11[%add3A_34, %dma_start3A_59] : memref<10112x128xf32, #tpu.memory_space<vmem_shared>> -> memref<120x128xf32, #tpu.memory_space<vmem_shared>>
      %dma_start3A_61 = arith.constant 0 : i32
      %dma_start3A_62 = arith.constant 0 : i32
      %dma_start3A_63 = tpu.memref_slice %arg9[%dma_start3A_61, %dma_start3A_62] : memref<128x128xf32, #tpu.memory_space<vmem>> -> memref<120x128xf32, #tpu.memory_space<vmem>>
      tpu.enqueue_dma source(%dma_start3A_63 : memref<120x128xf32, #tpu.memory_space<vmem>>) target(%dma_start3A_60 : memref<120x128xf32, #tpu.memory_space<vmem_shared>>) target_semaphore(%run_scoped3A : memref<!tpu.dma_semaphore, #tpu.memory_space<semaphore_mem>>)
      %dma_wait3A = arith.constant 0 : i32
      %dma_wait3A_64 = arith.constant 0 : i32
      %dma_wait3A_65 = tpu.memref_slice %arg9[%dma_wait3A, %dma_wait3A_64] : memref<128x128xf32, #tpu.memory_space<vmem>> -> memref<120x128xf32, #tpu.memory_space<vmem>>
      %dma_wait3A_66 = arith.constant 0 : i32
      %dma_wait3A_67 = tpu.memref_slice %arg11[%add3A_34, %dma_wait3A_66] : memref<10112x128xf32, #tpu.memory_space<vmem_shared>> -> memref<120x128xf32, #tpu.memory_space<vmem_shared>>
      %dma_wait3A_68 = arith.constant 0 : i32
      %dma_wait3A_69 = tpu.memref_slice %arg11[%add3A_34, %dma_wait3A_68] : memref<10112x128xf32, #tpu.memory_space<vmem_shared>> -> memref<120x128xf32, #tpu.memory_space<vmem_shared>>
      %dma_wait3A_70 = arith.constant 0 : i32
      %dma_wait3A_71 = arith.constant 0 : i32
      %dma_wait3A_72 = tpu.memref_slice %arg9[%dma_wait3A_70, %dma_wait3A_71] : memref<128x128xf32, #tpu.memory_space<vmem>> -> memref<120x128xf32, #tpu.memory_space<vmem>>
      tpu.wait_dma2 semaphore(%run_scoped3A : memref<!tpu.dma_semaphore, #tpu.memory_space<semaphore_mem>>) src(%dma_wait3A_72 : memref<120x128xf32, #tpu.memory_space<vmem>>) dst(%dma_wait3A_69 : memref<120x128xf32, #tpu.memory_space<vmem_shared>>)
      tpu.yield
    }) : () -> ()
    %mul3A_35 = arith.constant 128 : i32
    %mul3A_36 = arith.muli %select_n3A, %mul3A_35 : i32
    "tpu.region"() ({
      %run_scoped3A = tpu.sem_alloc : memref<!tpu.dma_semaphore, #tpu.memory_space<semaphore_mem>>
      %dma_start3A = tpu.memref_slice %arg3[%mul3A_36] : memref<348160xi32, #tpu.memory_space<hbm>> -> memref<16384xi32, #tpu.memory_space<hbm>>
      %dma_start3A_55 = tpu.memref_slice %arg3[%mul3A_36] : memref<348160xi32, #tpu.memory_space<hbm>> -> memref<16384xi32, #tpu.memory_space<hbm>>
      tpu.enqueue_dma source(%dma_start3A_55 : memref<16384xi32, #tpu.memory_space<hbm>>) target(%arg6 : memref<16384xi32, #tpu.memory_space<vmem>>) target_semaphore(%run_scoped3A : memref<!tpu.dma_semaphore, #tpu.memory_space<semaphore_mem>>)
      %dma_wait3A = tpu.memref_slice %arg3[%mul3A_36] : memref<348160xi32, #tpu.memory_space<hbm>> -> memref<16384xi32, #tpu.memory_space<hbm>>
      %dma_wait3A_56 = tpu.memref_slice %arg3[%mul3A_36] : memref<348160xi32, #tpu.memory_space<hbm>> -> memref<16384xi32, #tpu.memory_space<hbm>>
      tpu.wait_dma2 semaphore(%run_scoped3A : memref<!tpu.dma_semaphore, #tpu.memory_space<semaphore_mem>>) src(%dma_wait3A_56 : memref<16384xi32, #tpu.memory_space<hbm>>) dst(%arg6 : memref<16384xi32, #tpu.memory_space<vmem>>)
      tpu.yield
    }) : () -> ()
    %barrier3A = arith.constant 0 : index
    tpu.barrier barrier_id(%barrier3A)
    %gt3A = arith.constant 0 : i32
    %gt3A_37 = arith.cmpi sgt, %select_n3A_8, %gt3A : i32
    %convert_element_type3A = arith.extui %gt3A_37 : i1 to i32
    %cond3A = arith.constant 0 : i32
    %cond3A_38 = arith.cmpi ne, %convert_element_type3A, %cond3A : i32
    scf.if %cond3A_38 {
      %add3A_55 = arith.constant 0 : i32
      %add3A_56 = arith.addi %select_n3A, %add3A_55 : i32
      %mul3A_57 = arith.constant 128 : i32
      %mul3A_58 = arith.muli %add3A_56, %mul3A_57 : i32
      %dma_start3A = tpu.memref_slice %arg4[%mul3A_58] : memref<327680xi32, #tpu.memory_space<hbm>> -> memref<128xi32, #tpu.memory_space<hbm>>
      %dma_start3A_59 = tpu.memref_slice %arg4[%mul3A_58] : memref<327680xi32, #tpu.memory_space<hbm>> -> memref<128xi32, #tpu.memory_space<hbm>>
      tpu.enqueue_dma source(%dma_start3A_59 : memref<128xi32, #tpu.memory_space<hbm>>) target(%arg7 : memref<128xi32, #tpu.memory_space<vmem>>) target_semaphore(%arg14 : memref<!tpu.dma_semaphore, #tpu.memory_space<semaphore_mem>>)
      %dma_start3A_60 = arith.constant 0 : i32
      %dma_start3A_61 = tpu.memref_slice %arg6[%dma_start3A_60] : memref<16384xi32, #tpu.memory_space<vmem>> -> memref<128xi32, #tpu.memory_space<vmem>>
      %dma_start3A_62 = arith.constant 0 : i32
      %dma_start3A_63 = arith.constant 0 : i32
      %dma_start3A_64 = tpu.memref_slice %arg2[%dma_start3A_62, %dma_start3A_63] : memref<10000x128xf32, #tpu.memory_space<hbm>> -> memref<10000x128xf32, #tpu.memory_space<hbm>>
      tpu.enqueue_indirect_dma source(%dma_start3A_64 : memref<10000x128xf32, #tpu.memory_space<hbm>>) target(%arg9 : memref<128x128xf32, #tpu.memory_space<vmem>>) offsets(%dma_start3A_61 : memref<128xi32, #tpu.memory_space<vmem>>) semaphore(%arg12 : memref<!tpu.dma_semaphore, #tpu.memory_space<semaphore_mem>>)
    } else {
    }
    %gt3A_39 = arith.constant 1 : i32
    %gt3A_40 = arith.cmpi sgt, %select_n3A_8, %gt3A_39 : i32
    %convert_element_type3A_41 = arith.extui %gt3A_40 : i1 to i32
    %cond3A_42 = arith.constant 0 : i32
    %cond3A_43 = arith.cmpi ne, %convert_element_type3A_41, %cond3A_42 : i32
    scf.if %cond3A_43 {
      %add3A_55 = arith.constant 1 : i32
      %add3A_56 = arith.addi %select_n3A, %add3A_55 : i32
      %mul3A_57 = arith.constant 128 : i32
      %mul3A_58 = arith.muli %add3A_56, %mul3A_57 : i32
      %dma_start3A = tpu.memref_slice %arg4[%mul3A_58] : memref<327680xi32, #tpu.memory_space<hbm>> -> memref<128xi32, #tpu.memory_space<hbm>>
      %dma_start3A_59 = tpu.memref_slice %arg4[%mul3A_58] : memref<327680xi32, #tpu.memory_space<hbm>> -> memref<128xi32, #tpu.memory_space<hbm>>
      tpu.enqueue_dma source(%dma_start3A_59 : memref<128xi32, #tpu.memory_space<hbm>>) target(%arg8 : memref<128xi32, #tpu.memory_space<vmem>>) target_semaphore(%arg15 : memref<!tpu.dma_semaphore, #tpu.memory_space<semaphore_mem>>)
      %dma_start3A_60 = arith.constant 128 : i32
      %dma_start3A_61 = tpu.memref_slice %arg6[%dma_start3A_60] : memref<16384xi32, #tpu.memory_space<vmem>> -> memref<128xi32, #tpu.memory_space<vmem>>
      %dma_start3A_62 = arith.constant 0 : i32
      %dma_start3A_63 = arith.constant 0 : i32
      %dma_start3A_64 = tpu.memref_slice %arg2[%dma_start3A_62, %dma_start3A_63] : memref<10000x128xf32, #tpu.memory_space<hbm>> -> memref<10000x128xf32, #tpu.memory_space<hbm>>
      tpu.enqueue_indirect_dma source(%dma_start3A_64 : memref<10000x128xf32, #tpu.memory_space<hbm>>) target(%arg10 : memref<128x128xf32, #tpu.memory_space<vmem>>) offsets(%dma_start3A_61 : memref<128xi32, #tpu.memory_space<vmem>>) semaphore(%arg13 : memref<!tpu.dma_semaphore, #tpu.memory_space<semaphore_mem>>)
    } else {
    }
    %scan3A_44 = arith.constant 0 : i32
    %scan3A_45 = arith.constant 0 : i32
    %scan3A_46 = arith.constant 64 : i32
    %scan3A_47 = arith.addi %scan3A_45, %scan3A_46 : i32
    %scan3A_48 = arith.constant 1 : i32
    scf.for %scan3A_55 = %scan3A_45 to %scan3A_47 step %scan3A_48  : i32 {
      %mul3A_56 = arith.constant 2 : i32
      %mul3A_57 = arith.muli %mul3A_56, %scan3A_55 : i32
      %add3A_58 = arith.constant 0 : i32
      %add3A_59 = arith.addi %mul3A_57, %add3A_58 : i32
      %lt3A = arith.cmpi slt, %add3A_59, %select_n3A_8 : i32
      %convert_element_type3A_60 = arith.extui %lt3A : i1 to i32
      %cond3A_61 = arith.constant 0 : i32
      %cond3A_62 = arith.cmpi ne, %convert_element_type3A_60, %cond3A_61 : i32
      scf.if %cond3A_62 {
        %mul3A_71 = arith.constant 128 : i32
        %mul3A_72 = arith.muli %add3A_59, %mul3A_71 : i32
        %dma_wait3A = tpu.memref_slice %arg6[%mul3A_72] : memref<16384xi32, #tpu.memory_space<vmem>> -> memref<128xi32, #tpu.memory_space<vmem>>
        %dma_wait3A_73 = arith.constant 0 : i32
        %dma_wait3A_74 = arith.constant 0 : i32
        %dma_wait3A_75 = tpu.memref_slice %arg2[%dma_wait3A_73, %dma_wait3A_74] : memref<10000x128xf32, #tpu.memory_space<hbm>> -> memref<10000x128xf32, #tpu.memory_space<hbm>>
        tpu.wait_indirect_dma semaphore(%arg12 : memref<!tpu.dma_semaphore, #tpu.memory_space<semaphore_mem>>) src(%dma_wait3A_75 : memref<10000x128xf32, #tpu.memory_space<hbm>>) dst(%arg9 : memref<128x128xf32, #tpu.memory_space<vmem>>)
        %add3A_76 = arith.addi %select_n3A, %add3A_59 : i32
        %mul3A_77 = arith.constant 128 : i32
        %mul3A_78 = arith.muli %add3A_76, %mul3A_77 : i32
        %dma_wait3A_79 = tpu.memref_slice %arg4[%mul3A_78] : memref<327680xi32, #tpu.memory_space<hbm>> -> memref<128xi32, #tpu.memory_space<hbm>>
        %dma_wait3A_80 = tpu.memref_slice %arg4[%mul3A_78] : memref<327680xi32, #tpu.memory_space<hbm>> -> memref<128xi32, #tpu.memory_space<hbm>>
        tpu.wait_dma2 semaphore(%arg14 : memref<!tpu.dma_semaphore, #tpu.memory_space<semaphore_mem>>) src(%dma_wait3A_80 : memref<128xi32, #tpu.memory_space<hbm>>) dst(%arg7 : memref<128xi32, #tpu.memory_space<vmem>>)
        %dma_start3A = arith.constant 0 : i32
        %dma_start3A_81 = arith.constant 0 : i32
        %dma_start3A_82 = tpu.memref_slice %arg11[%dma_start3A, %dma_start3A_81] : memref<10112x128xf32, #tpu.memory_space<vmem_shared>> -> memref<10112x128xf32, #tpu.memory_space<vmem_shared>>
        tpu.enqueue_indirect_dma source(%arg9 : memref<128x128xf32, #tpu.memory_space<vmem>>) target(%dma_start3A_82 : memref<10112x128xf32, #tpu.memory_space<vmem_shared>>) offsets(%arg7 : memref<128xi32, #tpu.memory_space<vmem>>) semaphore(%arg16 : memref<!tpu.dma_semaphore, #tpu.memory_space<semaphore_mem>>) {add = true}
        %add3A_83 = arith.constant 2 : i32
        %add3A_84 = arith.addi %add3A_59, %add3A_83 : i32
        %lt3A_85 = arith.cmpi slt, %add3A_84, %select_n3A_8 : i32
        %convert_element_type3A_86 = arith.extui %lt3A_85 : i1 to i32
        %cond3A_87 = arith.constant 0 : i32
        %cond3A_88 = arith.cmpi ne, %convert_element_type3A_86, %cond3A_87 : i32
        scf.if %cond3A_88 {
          %dma_wait3A_94 = arith.constant 0 : i32
          %dma_wait3A_95 = arith.constant 0 : i32
          %dma_wait3A_96 = tpu.memref_slice %arg11[%dma_wait3A_94, %dma_wait3A_95] : memref<10112x128xf32, #tpu.memory_space<vmem_shared>> -> memref<10112x128xf32, #tpu.memory_space<vmem_shared>>
          tpu.wait_indirect_dma semaphore(%arg16 : memref<!tpu.dma_semaphore, #tpu.memory_space<semaphore_mem>>) src(%arg9 : memref<128x128xf32, #tpu.memory_space<vmem>>) dst(%dma_wait3A_96 : memref<10112x128xf32, #tpu.memory_space<vmem_shared>>)
          %add3A_97 = arith.constant 2 : i32
          %add3A_98 = arith.addi %add3A_59, %add3A_97 : i32
          %add3A_99 = arith.addi %select_n3A, %add3A_98 : i32
          %mul3A_100 = arith.constant 128 : i32
          %mul3A_101 = arith.muli %add3A_99, %mul3A_100 : i32
          %dma_start3A_102 = tpu.memref_slice %arg4[%mul3A_101] : memref<327680xi32, #tpu.memory_space<hbm>> -> memref<128xi32, #tpu.memory_space<hbm>>
          %dma_start3A_103 = tpu.memref_slice %arg4[%mul3A_101] : memref<327680xi32, #tpu.memory_space<hbm>> -> memref<128xi32, #tpu.memory_space<hbm>>
          tpu.enqueue_dma source(%dma_start3A_103 : memref<128xi32, #tpu.memory_space<hbm>>) target(%arg7 : memref<128xi32, #tpu.memory_space<vmem>>) target_semaphore(%arg14 : memref<!tpu.dma_semaphore, #tpu.memory_space<semaphore_mem>>)
          %add3A_104 = arith.constant 2 : i32
          %add3A_105 = arith.addi %add3A_59, %add3A_104 : i32
          %mul3A_106 = arith.constant 128 : i32
          %mul3A_107 = arith.muli %add3A_105, %mul3A_106 : i32
          %dma_start3A_108 = tpu.memref_slice %arg6[%mul3A_107] : memref<16384xi32, #tpu.memory_space<vmem>> -> memref<128xi32, #tpu.memory_space<vmem>>
          %dma_start3A_109 = arith.constant 0 : i32
          %dma_start3A_110 = arith.constant 0 : i32
          %dma_start3A_111 = tpu.memref_slice %arg2[%dma_start3A_109, %dma_start3A_110] : memref<10000x128xf32, #tpu.memory_space<hbm>> -> memref<10000x128xf32, #tpu.memory_space<hbm>>
          tpu.enqueue_indirect_dma source(%dma_start3A_111 : memref<10000x128xf32, #tpu.memory_space<hbm>>) target(%arg9 : memref<128x128xf32, #tpu.memory_space<vmem>>) offsets(%dma_start3A_108 : memref<128xi32, #tpu.memory_space<vmem>>) semaphore(%arg12 : memref<!tpu.dma_semaphore, #tpu.memory_space<semaphore_mem>>)
        } else {
        }
        %add3A_89 = arith.constant 2 : i32
        %add3A_90 = arith.addi %add3A_59, %add3A_89 : i32
        %ge3A = arith.cmpi sge, %add3A_90, %select_n3A_8 : i32
        %convert_element_type3A_91 = arith.extui %ge3A : i1 to i32
        %cond3A_92 = arith.constant 0 : i32
        %cond3A_93 = arith.cmpi ne, %convert_element_type3A_91, %cond3A_92 : i32
        scf.if %cond3A_93 {
          %dma_wait3A_94 = arith.constant 0 : i32
          %dma_wait3A_95 = arith.constant 0 : i32
          %dma_wait3A_96 = tpu.memref_slice %arg11[%dma_wait3A_94, %dma_wait3A_95] : memref<10112x128xf32, #tpu.memory_space<vmem_shared>> -> memref<10112x128xf32, #tpu.memory_space<vmem_shared>>
          tpu.wait_indirect_dma semaphore(%arg16 : memref<!tpu.dma_semaphore, #tpu.memory_space<semaphore_mem>>) src(%arg9 : memref<128x128xf32, #tpu.memory_space<vmem>>) dst(%dma_wait3A_96 : memref<10112x128xf32, #tpu.memory_space<vmem_shared>>)
        } else {
        }
      } else {
      }
      %mul3A_63 = arith.constant 2 : i32
      %mul3A_64 = arith.muli %mul3A_63, %scan3A_55 : i32
      %add3A_65 = arith.constant 1 : i32
      %add3A_66 = arith.addi %mul3A_64, %add3A_65 : i32
      %lt3A_67 = arith.cmpi slt, %add3A_66, %select_n3A_8 : i32
      %convert_element_type3A_68 = arith.extui %lt3A_67 : i1 to i32
      %cond3A_69 = arith.constant 0 : i32
      %cond3A_70 = arith.cmpi ne, %convert_element_type3A_68, %cond3A_69 : i32
      scf.if %cond3A_70 {
        %mul3A_71 = arith.constant 128 : i32
        %mul3A_72 = arith.muli %add3A_66, %mul3A_71 : i32
        %dma_wait3A = tpu.memref_slice %arg6[%mul3A_72] : memref<16384xi32, #tpu.memory_space<vmem>> -> memref<128xi32, #tpu.memory_space<vmem>>
        %dma_wait3A_73 = arith.constant 0 : i32
        %dma_wait3A_74 = arith.constant 0 : i32
        %dma_wait3A_75 = tpu.memref_slice %arg2[%dma_wait3A_73, %dma_wait3A_74] : memref<10000x128xf32, #tpu.memory_space<hbm>> -> memref<10000x128xf32, #tpu.memory_space<hbm>>
        tpu.wait_indirect_dma semaphore(%arg13 : memref<!tpu.dma_semaphore, #tpu.memory_space<semaphore_mem>>) src(%dma_wait3A_75 : memref<10000x128xf32, #tpu.memory_space<hbm>>) dst(%arg10 : memref<128x128xf32, #tpu.memory_space<vmem>>)
        %add3A_76 = arith.addi %select_n3A, %add3A_66 : i32
        %mul3A_77 = arith.constant 128 : i32
        %mul3A_78 = arith.muli %add3A_76, %mul3A_77 : i32
        %dma_wait3A_79 = tpu.memref_slice %arg4[%mul3A_78] : memref<327680xi32, #tpu.memory_space<hbm>> -> memref<128xi32, #tpu.memory_space<hbm>>
        %dma_wait3A_80 = tpu.memref_slice %arg4[%mul3A_78] : memref<327680xi32, #tpu.memory_space<hbm>> -> memref<128xi32, #tpu.memory_space<hbm>>
        tpu.wait_dma2 semaphore(%arg15 : memref<!tpu.dma_semaphore, #tpu.memory_space<semaphore_mem>>) src(%dma_wait3A_80 : memref<128xi32, #tpu.memory_space<hbm>>) dst(%arg8 : memref<128xi32, #tpu.memory_space<vmem>>)
        %dma_start3A = arith.constant 0 : i32
        %dma_start3A_81 = arith.constant 0 : i32
        %dma_start3A_82 = tpu.memref_slice %arg11[%dma_start3A, %dma_start3A_81] : memref<10112x128xf32, #tpu.memory_space<vmem_shared>> -> memref<10112x128xf32, #tpu.memory_space<vmem_shared>>
        tpu.enqueue_indirect_dma source(%arg10 : memref<128x128xf32, #tpu.memory_space<vmem>>) target(%dma_start3A_82 : memref<10112x128xf32, #tpu.memory_space<vmem_shared>>) offsets(%arg8 : memref<128xi32, #tpu.memory_space<vmem>>) semaphore(%arg17 : memref<!tpu.dma_semaphore, #tpu.memory_space<semaphore_mem>>) {add = true}
        %add3A_83 = arith.constant 2 : i32
        %add3A_84 = arith.addi %add3A_66, %add3A_83 : i32
        %lt3A_85 = arith.cmpi slt, %add3A_84, %select_n3A_8 : i32
        %convert_element_type3A_86 = arith.extui %lt3A_85 : i1 to i32
        %cond3A_87 = arith.constant 0 : i32
        %cond3A_88 = arith.cmpi ne, %convert_element_type3A_86, %cond3A_87 : i32
        scf.if %cond3A_88 {
          %dma_wait3A_94 = arith.constant 0 : i32
          %dma_wait3A_95 = arith.constant 0 : i32
          %dma_wait3A_96 = tpu.memref_slice %arg11[%dma_wait3A_94, %dma_wait3A_95] : memref<10112x128xf32, #tpu.memory_space<vmem_shared>> -> memref<10112x128xf32, #tpu.memory_space<vmem_shared>>
          tpu.wait_indirect_dma semaphore(%arg17 : memref<!tpu.dma_semaphore, #tpu.memory_space<semaphore_mem>>) src(%arg10 : memref<128x128xf32, #tpu.memory_space<vmem>>) dst(%dma_wait3A_96 : memref<10112x128xf32, #tpu.memory_space<vmem_shared>>)
          %add3A_97 = arith.constant 2 : i32
          %add3A_98 = arith.addi %add3A_66, %add3A_97 : i32
          %add3A_99 = arith.addi %select_n3A, %add3A_98 : i32
          %mul3A_100 = arith.constant 128 : i32
          %mul3A_101 = arith.muli %add3A_99, %mul3A_100 : i32
          %dma_start3A_102 = tpu.memref_slice %arg4[%mul3A_101] : memref<327680xi32, #tpu.memory_space<hbm>> -> memref<128xi32, #tpu.memory_space<hbm>>
          %dma_start3A_103 = tpu.memref_slice %arg4[%mul3A_101] : memref<327680xi32, #tpu.memory_space<hbm>> -> memref<128xi32, #tpu.memory_space<hbm>>
          tpu.enqueue_dma source(%dma_start3A_103 : memref<128xi32, #tpu.memory_space<hbm>>) target(%arg8 : memref<128xi32, #tpu.memory_space<vmem>>) target_semaphore(%arg15 : memref<!tpu.dma_semaphore, #tpu.memory_space<semaphore_mem>>)
          %add3A_104 = arith.constant 2 : i32
          %add3A_105 = arith.addi %add3A_66, %add3A_104 : i32
          %mul3A_106 = arith.constant 128 : i32
          %mul3A_107 = arith.muli %add3A_105, %mul3A_106 : i32
          %dma_start3A_108 = tpu.memref_slice %arg6[%mul3A_107] : memref<16384xi32, #tpu.memory_space<vmem>> -> memref<128xi32, #tpu.memory_space<vmem>>
          %dma_start3A_109 = arith.constant 0 : i32
          %dma_start3A_110 = arith.constant 0 : i32
          %dma_start3A_111 = tpu.memref_slice %arg2[%dma_start3A_109, %dma_start3A_110] : memref<10000x128xf32, #tpu.memory_space<hbm>> -> memref<10000x128xf32, #tpu.memory_space<hbm>>
          tpu.enqueue_indirect_dma source(%dma_start3A_111 : memref<10000x128xf32, #tpu.memory_space<hbm>>) target(%arg10 : memref<128x128xf32, #tpu.memory_space<vmem>>) offsets(%dma_start3A_108 : memref<128xi32, #tpu.memory_space<vmem>>) semaphore(%arg13 : memref<!tpu.dma_semaphore, #tpu.memory_space<semaphore_mem>>)
        } else {
        }
        %add3A_89 = arith.constant 2 : i32
        %add3A_90 = arith.addi %add3A_66, %add3A_89 : i32
        %ge3A = arith.cmpi sge, %add3A_90, %select_n3A_8 : i32
        %convert_element_type3A_91 = arith.extui %ge3A : i1 to i32
        %cond3A_92 = arith.constant 0 : i32
        %cond3A_93 = arith.cmpi ne, %convert_element_type3A_91, %cond3A_92 : i32
        scf.if %cond3A_93 {
          %dma_wait3A_94 = arith.constant 0 : i32
          %dma_wait3A_95 = arith.constant 0 : i32
          %dma_wait3A_96 = tpu.memref_slice %arg11[%dma_wait3A_94, %dma_wait3A_95] : memref<10112x128xf32, #tpu.memory_space<vmem_shared>> -> memref<10112x128xf32, #tpu.memory_space<vmem_shared>>
          tpu.wait_indirect_dma semaphore(%arg17 : memref<!tpu.dma_semaphore, #tpu.memory_space<semaphore_mem>>) src(%arg10 : memref<128x128xf32, #tpu.memory_space<vmem>>) dst(%dma_wait3A_96 : memref<10112x128xf32, #tpu.memory_space<vmem_shared>>)
        } else {
        }
      } else {
      }
    }
    %scan3A_49 = arith.constant 64 : i32
    %barrier3A_50 = arith.constant 0 : index
    tpu.barrier barrier_id(%barrier3A_50)
    %mul3A_51 = arith.constant 632 : i32
    %mul3A_52 = arith.muli %arg1, %mul3A_51 : i32
    %mul3A_53 = arith.constant 632 : i32
    %mul3A_54 = arith.muli %arg1, %mul3A_53 : i32
    "tpu.region"() ({
      %run_scoped3A = tpu.sem_alloc : memref<!tpu.dma_semaphore, #tpu.memory_space<semaphore_mem>>
      %dma_start3A = arith.constant 0 : i32
      %dma_start3A_55 = tpu.memref_slice %arg5[%arg0, %mul3A_54, %dma_start3A] : memref<2x10112x128xf32, #tpu.memory_space<hbm>> -> memref<1x632x128xf32, #tpu.memory_space<hbm>>
      %dma_start3A_56 = tpu.memref_squeeze %dma_start3A_55 : memref<1x632x128xf32, #tpu.memory_space<hbm>> -> memref<632x128xf32, #tpu.memory_space<hbm>>
      %dma_start3A_57 = arith.constant 0 : i32
      %dma_start3A_58 = tpu.memref_slice %arg11[%mul3A_52, %dma_start3A_57] : memref<10112x128xf32, #tpu.memory_space<vmem_shared>> -> memref<632x128xf32, #tpu.memory_space<vmem_shared>>
      tpu.enqueue_dma source(%dma_start3A_58 : memref<632x128xf32, #tpu.memory_space<vmem_shared>>) target(%dma_start3A_56 : memref<632x128xf32, #tpu.memory_space<hbm>>) target_semaphore(%run_scoped3A : memref<!tpu.dma_semaphore, #tpu.memory_space<semaphore_mem>>)
      %dma_wait3A = arith.constant 0 : i32
      %dma_wait3A_59 = tpu.memref_slice %arg5[%arg0, %mul3A_54, %dma_wait3A] : memref<2x10112x128xf32, #tpu.memory_space<hbm>> -> memref<1x632x128xf32, #tpu.memory_space<hbm>>
      %dma_wait3A_60 = tpu.memref_squeeze %dma_wait3A_59 : memref<1x632x128xf32, #tpu.memory_space<hbm>> -> memref<632x128xf32, #tpu.memory_space<hbm>>
      %dma_wait3A_61 = arith.constant 0 : i32
      %dma_wait3A_62 = tpu.memref_slice %arg11[%mul3A_52, %dma_wait3A_61] : memref<10112x128xf32, #tpu.memory_space<vmem_shared>> -> memref<632x128xf32, #tpu.memory_space<vmem_shared>>
      tpu.wait_dma2 semaphore(%run_scoped3A : memref<!tpu.dma_semaphore, #tpu.memory_space<semaphore_mem>>) src(%dma_wait3A_62 : memref<632x128xf32, #tpu.memory_space<vmem_shared>>) dst(%dma_wait3A_60 : memref<632x128xf32, #tpu.memory_space<hbm>>)
      tpu.yield
    }) : () -> ()
    return
  }
}

#map = affine_map<(d0, d1) -> (0, 0)>
#map1 = affine_map<(d0, d1) -> (0)>
#map2 = affine_map<(d0, d1) -> (0, 0, 0)>
module attributes {stable_mosaic.version = 14 : i64} {
  func.func @body(%arg0: i32, %arg1: i32, %arg2: memref<10000x128xf32, #tpu.memory_space<hbm>>, %arg3: memref<348160xi32, #tpu.memory_space<hbm>>, %arg4: memref<327680xi32, #tpu.memory_space<hbm>>, %arg5: memref<2x10112x128xf32, #tpu.memory_space<hbm>>, %arg6: memref<16384xi32, #tpu.memory_space<vmem>>, %arg7: memref<128xi32, #tpu.memory_space<vmem>>, %arg8: memref<128xi32, #tpu.memory_space<vmem>>, %arg9: memref<128x128xf32, #tpu.memory_space<vmem>>, %arg10: memref<128x128xf32, #tpu.memory_space<vmem>>, %arg11: memref<10112x128xf32, #tpu.memory_space<vmem_shared>>, %arg12: memref<!tpu.dma_semaphore, #tpu.memory_space<semaphore_mem>>, %arg13: memref<!tpu.dma_semaphore, #tpu.memory_space<semaphore_mem>>, %arg14: memref<!tpu.dma_semaphore, #tpu.memory_space<semaphore_mem>>, %arg15: memref<!tpu.dma_semaphore, #tpu.memory_space<semaphore_mem>>, %arg16: memref<!tpu.dma_semaphore, #tpu.memory_space<semaphore_mem>>, %arg17: memref<!tpu.dma_semaphore, #tpu.memory_space<semaphore_mem>>) attributes {dimension_semantics = [#tpu.dimension_semantics<core_parallel>, #tpu.dimension_semantics<subcore_parallel>], iteration_bounds = array<i64: 2, 16>, scalar_prefetch = 0 : i64, scratch_operands = 12 : i64, tpu.core_type = #tpu.core_type<sc_vector_subcore>, window_params = [{transform_indices = #map}, {transform_indices = #map1}, {transform_indices = #map1}, {transform_indices = #map2}]} {
    %eq3A = arith.constant 0 : i32
    %eq3A_0 = arith.cmpi eq, %arg0, %eq3A : i32
    %mul3A = arith.constant 128 : i32
    %mul3A_1 = arith.muli %arg1, %mul3A : i32
    %mul3A_2 = arith.constant 32 : i32
    %mul3A_3 = arith.muli %arg1, %mul3A_2 : i32
    %add3A = arith.constant 2048 : i32
    %add3A_4 = arith.addi %add3A, %mul3A_3 : i32
    %select_n3A = arith.select %eq3A_0, %mul3A_1, %add3A_4 : i32
    %eq3A_5 = arith.constant 0 : i32
    %eq3A_6 = arith.cmpi eq, %arg0, %eq3A_5 : i32
    %jit3A = arith.constant 128 : i32
    %jit3A_7 = arith.constant 32 : i32
    %select_n3A_8 = arith.select %eq3A_6, %jit3A, %jit3A_7 : i32
    %broadcast_in_dim3A = arith.constant 0.000000e+00 : f32
    %broadcast_in_dim3A_9 = vector.broadcast %broadcast_in_dim3A : f32 to vector<16xf32>
    %scan3A = arith.constant 0 : i32
    %scan3A_10 = arith.constant 0 : i32
    %scan3A_11 = arith.constant 1024 : i32
    %scan3A_12 = arith.addi %scan3A_10, %scan3A_11 : i32
    %scan3A_13 = arith.constant 1 : i32
    scf.for %scan3A_55 = %scan3A_10 to %scan3A_12 step %scan3A_13  : i32 {
      %jit3A_56 = arith.constant 8 : i32
      %div3A = arith.divsi %scan3A_55, %jit3A_56 : i32
      %sign3A = arith.constant 0 : i32
      %sign3A_57 = arith.cmpi sgt, %scan3A_55, %sign3A : i32
      %sign3A_58 = arith.extui %sign3A_57 : i1 to i32
      %sign3A_59 = arith.constant 0 : i32
      %sign3A_60 = arith.cmpi slt, %scan3A_55, %sign3A_59 : i32
      %sign3A_61 = arith.extui %sign3A_60 : i1 to i32
      %sign3A_62 = arith.subi %sign3A_58, %sign3A_61 : i32
      %sign3A_63 = arith.constant 0 : i32
      %sign3A_64 = arith.cmpi sgt, %jit3A_56, %sign3A_63 : i32
      %sign3A_65 = arith.extui %sign3A_64 : i1 to i32
      %sign3A_66 = arith.constant 0 : i32
      %sign3A_67 = arith.cmpi slt, %jit3A_56, %sign3A_66 : i32
      %sign3A_68 = arith.extui %sign3A_67 : i1 to i32
      %sign3A_69 = arith.subi %sign3A_65, %sign3A_68 : i32
      %ne3A = arith.cmpi ne, %sign3A_62, %sign3A_69 : i32
      %rem3A = arith.remsi %scan3A_55, %jit3A_56 : i32
      %ne3A_70 = arith.constant 0 : i32
      %ne3A_71 = arith.cmpi ne, %rem3A, %ne3A_70 : i32
      %and3A = arith.andi %ne3A, %ne3A_71 : i1
      %sub3A = arith.constant 1 : i32
      %sub3A_72 = arith.subi %div3A, %sub3A : i32
      %select_n3A_73 = arith.select %and3A, %sub3A_72, %div3A : i32
      %jit3A_74 = arith.constant 8 : i32
      %eq3A_75 = arith.constant 0 : i32
      %eq3A_76 = arith.cmpi eq, %jit3A_74, %eq3A_75 : i32
      %jit3A_77 = arith.constant 1 : i32
      %select_n3A_78 = arith.select %eq3A_76, %jit3A_77, %jit3A_74 : i32
      %rem3A_79 = arith.remsi %scan3A_55, %select_n3A_78 : i32
      %ne3A_80 = arith.constant 0 : i32
      %ne3A_81 = arith.cmpi ne, %rem3A_79, %ne3A_80 : i32
      %lt3A = arith.constant 0 : i32
      %lt3A_82 = arith.cmpi slt, %rem3A_79, %lt3A : i32
      %lt3A_83 = arith.constant 0 : i32
      %lt3A_84 = arith.cmpi slt, %select_n3A_78, %lt3A_83 : i32
      %ne3A_85 = arith.xori %lt3A_82, %lt3A_84 : i1
      %and3A_86 = arith.andi %ne3A_85, %ne3A_81 : i1
      %add3A_87 = arith.addi %rem3A_79, %select_n3A_78 : i32
      %select_n3A_88 = arith.select %and3A_86, %add3A_87, %rem3A_79 : i32
      %mul3A_89 = arith.constant 16 : i32
      %mul3A_90 = arith.muli %select_n3A_88, %mul3A_89 : i32
      %swap3A = arith.index_cast %select_n3A_73 : i32 to index
      %swap3A_91 = arith.index_cast %mul3A_90 : i32 to index
      %swap3A_92 = tpu.vector_load %arg9[%swap3A, %swap3A_91] {strides = array<i32>} : memref<128x128xf32, #tpu.memory_space<vmem>>, vector<1x16xf32>,
      %swap3A_93 = vector.shape_cast %swap3A_92 : vector<1x16xf32> to vector<16xf32>
      %swap3A_94 = vector.shape_cast %broadcast_in_dim3A_9 : vector<16xf32> to vector<1x16xf32>
      tpu.vector_store %arg9[%swap3A, %swap3A_91], %swap3A_94 {strides = array<i32>} : memref<128x128xf32, #tpu.memory_space<vmem>>, vector<1x16xf32>,
    }
    %scan3A_14 = arith.constant 1024 : i32
    %mul3A_15 = arith.constant 632 : i32
    %mul3A_16 = arith.muli %arg1, %mul3A_15 : i32
    %add3A_17 = arith.constant 0 : i32
    %add3A_18 = arith.addi %mul3A_16, %add3A_17 : i32
    "tpu.region"() ({
      %run_scoped3A = tpu.sem_alloc : memref<!tpu.dma_semaphore, #tpu.memory_space<semaphore_mem>>
      %dma_start3A = arith.constant 0 : i32
      %dma_start3A_55 = tpu.memref_slice %arg11[%add3A_18, %dma_start3A] : memref<10112x128xf32, #tpu.memory_space<vmem_shared>> -> memref<128x128xf32, #tpu.memory_space<vmem_shared>>
      %dma_start3A_56 = arith.constant 0 : i32
      %dma_start3A_57 = tpu.memref_slice %arg11[%add3A_18, %dma_start3A_56] : memref<10112x128xf32, #tpu.memory_space<vmem_shared>> -> memref<128x128xf32, #tpu.memory_space<vmem_shared>>
      tpu.enqueue_dma source(%arg9 : memref<128x128xf32, #tpu.memory_space<vmem>>) target(%dma_start3A_57 : memref<128x128xf32, #tpu.memory_space<vmem_shared>>) target_semaphore(%run_scoped3A : memref<!tpu.dma_semaphore, #tpu.memory_space<semaphore_mem>>)
      %dma_wait3A = arith.constant 0 : i32
      %dma_wait3A_58 = tpu.memref_slice %arg11[%add3A_18, %dma_wait3A] : memref<10112x128xf32, #tpu.memory_space<vmem_shared>> -> memref<128x128xf32, #tpu.memory_space<vmem_shared>>
      %dma_wait3A_59 = arith.constant 0 : i32
      %dma_wait3A_60 = tpu.memref_slice %arg11[%add3A_18, %dma_wait3A_59] : memref<10112x128xf32, #tpu.memory_space<vmem_shared>> -> memref<128x128xf32, #tpu.memory_space<vmem_shared>>
      tpu.wait_dma2 semaphore(%run_scoped3A : memref<!tpu.dma_semaphore, #tpu.memory_space<semaphore_mem>>) src(%arg9 : memref<128x128xf32, #tpu.memory_space<vmem>>) dst(%dma_wait3A_60 : memref<128x128xf32, #tpu.memory_space<vmem_shared>>)
      tpu.yield
    }) : () -> ()
    %mul3A_19 = arith.constant 632 : i32
    %mul3A_20 = arith.muli %arg1, %mul3A_19 : i32
    %add3A_21 = arith.constant 128 : i32
    %add3A_22 = arith.addi %mul3A_20, %add3A_21 : i32
    "tpu.region"() ({
      %run_scoped3A = tpu.sem_alloc : memref<!tpu.dma_semaphore, #tpu.memory_space<semaphore_mem>>
      %dma_start3A = arith.constant 0 : i32
      %dma_start3A_55 = tpu.memref_slice %arg11[%add3A_22, %dma_start3A] : memref<10112x128xf32, #tpu.memory_space<vmem_shared>> -> memref<128x128xf32, #tpu.memory_space<vmem_shared>>
      %dma_start3A_56 = arith.constant 0 : i32
      %dma_start3A_57 = tpu.memref_slice %arg11[%add3A_22, %dma_start3A_56] : memref<10112x128xf32, #tpu.memory_space<vmem_shared>> -> memref<128x128xf32, #tpu.memory_space<vmem_shared>>
      tpu.enqueue_dma source(%arg9 : memref<128x128xf32, #tpu.memory_space<vmem>>) target(%dma_start3A_57 : memref<128x128xf32, #tpu.memory_space<vmem_shared>>) target_semaphore(%run_scoped3A : memref<!tpu.dma_semaphore, #tpu.memory_space<semaphore_mem>>)
      %dma_wait3A = arith.constant 0 : i32
      %dma_wait3A_58 = tpu.memref_slice %arg11[%add3A_22, %dma_wait3A] : memref<10112x128xf32, #tpu.memory_space<vmem_shared>> -> memref<128x128xf32, #tpu.memory_space<vmem_shared>>
      %dma_wait3A_59 = arith.constant 0 : i32
      %dma_wait3A_60 = tpu.memref_slice %arg11[%add3A_22, %dma_wait3A_59] : memref<10112x128xf32, #tpu.memory_space<vmem_shared>> -> memref<128x128xf32, #tpu.memory_space<vmem_shared>>
      tpu.wait_dma2 semaphore(%run_scoped3A : memref<!tpu.dma_semaphore, #tpu.memory_space<semaphore_mem>>) src(%arg9 : memref<128x128xf32, #tpu.memory_space<vmem>>) dst(%dma_wait3A_60 : memref<128x128xf32, #tpu.memory_space<vmem_shared>>)
      tpu.yield
    }) : () -> ()
    %mul3A_23 = arith.constant 632 : i32
    %mul3A_24 = arith.muli %arg1, %mul3A_23 : i32
    %add3A_25 = arith.constant 256 : i32
    %add3A_26 = arith.addi %mul3A_24, %add3A_25 : i32
    "tpu.region"() ({
      %run_scoped3A = tpu.sem_alloc : memref<!tpu.dma_semaphore, #tpu.memory_space<semaphore_mem>>
      %dma_start3A = arith.constant 0 : i32
      %dma_start3A_55 = tpu.memref_slice %arg11[%add3A_26, %dma_start3A] : memref<10112x128xf32, #tpu.memory_space<vmem_shared>> -> memref<128x128xf32, #tpu.memory_space<vmem_shared>>
      %dma_start3A_56 = arith.constant 0 : i32
      %dma_start3A_57 = tpu.memref_slice %arg11[%add3A_26, %dma_start3A_56] : memref<10112x128xf32, #tpu.memory_space<vmem_shared>> -> memref<128x128xf32, #tpu.memory_space<vmem_shared>>
      tpu.enqueue_dma source(%arg9 : memref<128x128xf32, #tpu.memory_space<vmem>>) target(%dma_start3A_57 : memref<128x128xf32, #tpu.memory_space<vmem_shared>>) target_semaphore(%run_scoped3A : memref<!tpu.dma_semaphore, #tpu.memory_space<semaphore_mem>>)
      %dma_wait3A = arith.constant 0 : i32
      %dma_wait3A_58 = tpu.memref_slice %arg11[%add3A_26, %dma_wait3A] : memref<10112x128xf32, #tpu.memory_space<vmem_shared>> -> memref<128x128xf32, #tpu.memory_space<vmem_shared>>
      %dma_wait3A_59 = arith.constant 0 : i32
      %dma_wait3A_60 = tpu.memref_slice %arg11[%add3A_26, %dma_wait3A_59] : memref<10112x128xf32, #tpu.memory_space<vmem_shared>> -> memref<128x128xf32, #tpu.memory_space<vmem_shared>>
      tpu.wait_dma2 semaphore(%run_scoped3A : memref<!tpu.dma_semaphore, #tpu.memory_space<semaphore_mem>>) src(%arg9 : memref<128x128xf32, #tpu.memory_space<vmem>>) dst(%dma_wait3A_60 : memref<128x128xf32, #tpu.memory_space<vmem_shared>>)
      tpu.yield
    }) : () -> ()
    %mul3A_27 = arith.constant 632 : i32
    %mul3A_28 = arith.muli %arg1, %mul3A_27 : i32
    %add3A_29 = arith.constant 384 : i32
    %add3A_30 = arith.addi %mul3A_28, %add3A_29 : i32
    "tpu.region"() ({
      %run_scoped3A = tpu.sem_alloc : memref<!tpu.dma_semaphore, #tpu.memory_space<semaphore_mem>>
      %dma_start3A = arith.constant 0 : i32
      %dma_start3A_55 = tpu.memref_slice %arg11[%add3A_30, %dma_start3A] : memref<10112x128xf32, #tpu.memory_space<vmem_shared>> -> memref<128x128xf32, #tpu.memory_space<vmem_shared>>
      %dma_start3A_56 = arith.constant 0 : i32
      %dma_start3A_57 = tpu.memref_slice %arg11[%add3A_30, %dma_start3A_56] : memref<10112x128xf32, #tpu.memory_space<vmem_shared>> -> memref<128x128xf32, #tpu.memory_space<vmem_shared>>
      tpu.enqueue_dma source(%arg9 : memref<128x128xf32, #tpu.memory_space<vmem>>) target(%dma_start3A_57 : memref<128x128xf32, #tpu.memory_space<vmem_shared>>) target_semaphore(%run_scoped3A : memref<!tpu.dma_semaphore, #tpu.memory_space<semaphore_mem>>)
      %dma_wait3A = arith.constant 0 : i32
      %dma_wait3A_58 = tpu.memref_slice %arg11[%add3A_30, %dma_wait3A] : memref<10112x128xf32, #tpu.memory_space<vmem_shared>> -> memref<128x128xf32, #tpu.memory_space<vmem_shared>>
      %dma_wait3A_59 = arith.constant 0 : i32
      %dma_wait3A_60 = tpu.memref_slice %arg11[%add3A_30, %dma_wait3A_59] : memref<10112x128xf32, #tpu.memory_space<vmem_shared>> -> memref<128x128xf32, #tpu.memory_space<vmem_shared>>
      tpu.wait_dma2 semaphore(%run_scoped3A : memref<!tpu.dma_semaphore, #tpu.memory_space<semaphore_mem>>) src(%arg9 : memref<128x128xf32, #tpu.memory_space<vmem>>) dst(%dma_wait3A_60 : memref<128x128xf32, #tpu.memory_space<vmem_shared>>)
      tpu.yield
    }) : () -> ()
    %mul3A_31 = arith.constant 632 : i32
    %mul3A_32 = arith.muli %arg1, %mul3A_31 : i32
    %add3A_33 = arith.constant 512 : i32
    %add3A_34 = arith.addi %mul3A_32, %add3A_33 : i32
    "tpu.region"() ({
      %run_scoped3A = tpu.sem_alloc : memref<!tpu.dma_semaphore, #tpu.memory_space<semaphore_mem>>
      %dma_start3A = arith.constant 0 : i32
      %dma_start3A_55 = arith.constant 0 : i32
      %dma_start3A_56 = tpu.memref_slice %arg9[%dma_start3A, %dma_start3A_55] : memref<128x128xf32, #tpu.memory_space<vmem>> -> memref<120x128xf32, #tpu.memory_space<vmem>>
      %dma_start3A_57 = arith.constant 0 : i32
      %dma_start3A_58 = tpu.memref_slice %arg11[%add3A_34, %dma_start3A_57] : memref<10112x128xf32, #tpu.memory_space<vmem_shared>> -> memref<120x128xf32, #tpu.memory_space<vmem_shared>>
      %dma_start3A_59 = arith.constant 0 : i32
      %dma_start3A_60 = tpu.memref_slice %arg11[%add3A_34, %dma_start3A_59] : memref<10112x128xf32, #tpu.memory_space<vmem_shared>> -> memref<120x128xf32, #tpu.memory_space<vmem_shared>>
      %dma_start3A_61 = arith.constant 0 : i32
      %dma_start3A_62 = arith.constant 0 : i32
      %dma_start3A_63 = tpu.memref_slice %arg9[%dma_start3A_61, %dma_start3A_62] : memref<128x128xf32, #tpu.memory_space<vmem>> -> memref<120x128xf32, #tpu.memory_space<vmem>>
      tpu.enqueue_dma source(%dma_start3A_63 : memref<120x128xf32, #tpu.memory_space<vmem>>) target(%dma_start3A_60 : memref<120x128xf32, #tpu.memory_space<vmem_shared>>) target_semaphore(%run_scoped3A : memref<!tpu.dma_semaphore, #tpu.memory_space<semaphore_mem>>)
      %dma_wait3A = arith.constant 0 : i32
      %dma_wait3A_64 = arith.constant 0 : i32
      %dma_wait3A_65 = tpu.memref_slice %arg9[%dma_wait3A, %dma_wait3A_64] : memref<128x128xf32, #tpu.memory_space<vmem>> -> memref<120x128xf32, #tpu.memory_space<vmem>>
      %dma_wait3A_66 = arith.constant 0 : i32
      %dma_wait3A_67 = tpu.memref_slice %arg11[%add3A_34, %dma_wait3A_66] : memref<10112x128xf32, #tpu.memory_space<vmem_shared>> -> memref<120x128xf32, #tpu.memory_space<vmem_shared>>
      %dma_wait3A_68 = arith.constant 0 : i32
      %dma_wait3A_69 = tpu.memref_slice %arg11[%add3A_34, %dma_wait3A_68] : memref<10112x128xf32, #tpu.memory_space<vmem_shared>> -> memref<120x128xf32, #tpu.memory_space<vmem_shared>>
      %dma_wait3A_70 = arith.constant 0 : i32
      %dma_wait3A_71 = arith.constant 0 : i32
      %dma_wait3A_72 = tpu.memref_slice %arg9[%dma_wait3A_70, %dma_wait3A_71] : memref<128x128xf32, #tpu.memory_space<vmem>> -> memref<120x128xf32, #tpu.memory_space<vmem>>
      tpu.wait_dma2 semaphore(%run_scoped3A : memref<!tpu.dma_semaphore, #tpu.memory_space<semaphore_mem>>) src(%dma_wait3A_72 : memref<120x128xf32, #tpu.memory_space<vmem>>) dst(%dma_wait3A_69 : memref<120x128xf32, #tpu.memory_space<vmem_shared>>)
      tpu.yield
    }) : () -> ()
    %mul3A_35 = arith.constant 128 : i32
    %mul3A_36 = arith.muli %select_n3A, %mul3A_35 : i32
    "tpu.region"() ({
      %run_scoped3A = tpu.sem_alloc : memref<!tpu.dma_semaphore, #tpu.memory_space<semaphore_mem>>
      %dma_start3A = tpu.memref_slice %arg3[%mul3A_36] : memref<348160xi32, #tpu.memory_space<hbm>> -> memref<16384xi32, #tpu.memory_space<hbm>>
      %dma_start3A_55 = tpu.memref_slice %arg3[%mul3A_36] : memref<348160xi32, #tpu.memory_space<hbm>> -> memref<16384xi32, #tpu.memory_space<hbm>>
      tpu.enqueue_dma source(%dma_start3A_55 : memref<16384xi32, #tpu.memory_space<hbm>>) target(%arg6 : memref<16384xi32, #tpu.memory_space<vmem>>) target_semaphore(%run_scoped3A : memref<!tpu.dma_semaphore, #tpu.memory_space<semaphore_mem>>)
      %dma_wait3A = tpu.memref_slice %arg3[%mul3A_36] : memref<348160xi32, #tpu.memory_space<hbm>> -> memref<16384xi32, #tpu.memory_space<hbm>>
      %dma_wait3A_56 = tpu.memref_slice %arg3[%mul3A_36] : memref<348160xi32, #tpu.memory_space<hbm>> -> memref<16384xi32, #tpu.memory_space<hbm>>
      tpu.wait_dma2 semaphore(%run_scoped3A : memref<!tpu.dma_semaphore, #tpu.memory_space<semaphore_mem>>) src(%dma_wait3A_56 : memref<16384xi32, #tpu.memory_space<hbm>>) dst(%arg6 : memref<16384xi32, #tpu.memory_space<vmem>>)
      tpu.yield
    }) : () -> ()
    %barrier3A = arith.constant 0 : index
    tpu.barrier barrier_id(%barrier3A)
    %gt3A = arith.constant 0 : i32
    %gt3A_37 = arith.cmpi sgt, %select_n3A_8, %gt3A : i32
    %convert_element_type3A = arith.extui %gt3A_37 : i1 to i32
    %cond3A = arith.constant 0 : i32
    %cond3A_38 = arith.cmpi ne, %convert_element_type3A, %cond3A : i32
    scf.if %cond3A_38 {
      %add3A_55 = arith.constant 0 : i32
      %add3A_56 = arith.addi %select_n3A, %add3A_55 : i32
      %mul3A_57 = arith.constant 128 : i32
      %mul3A_58 = arith.muli %add3A_56, %mul3A_57 : i32
      %dma_start3A = tpu.memref_slice %arg4[%mul3A_58] : memref<327680xi32, #tpu.memory_space<hbm>> -> memref<128xi32, #tpu.memory_space<hbm>>
      %dma_start3A_59 = tpu.memref_slice %arg4[%mul3A_58] : memref<327680xi32, #tpu.memory_space<hbm>> -> memref<128xi32, #tpu.memory_space<hbm>>
      tpu.enqueue_dma source(%dma_start3A_59 : memref<128xi32, #tpu.memory_space<hbm>>) target(%arg7 : memref<128xi32, #tpu.memory_space<vmem>>) target_semaphore(%arg14 : memref<!tpu.dma_semaphore, #tpu.memory_space<semaphore_mem>>)
      %dma_start3A_60 = arith.constant 0 : i32
      %dma_start3A_61 = tpu.memref_slice %arg6[%dma_start3A_60] : memref<16384xi32, #tpu.memory_space<vmem>> -> memref<128xi32, #tpu.memory_space<vmem>>
      %dma_start3A_62 = arith.constant 0 : i32
      %dma_start3A_63 = arith.constant 0 : i32
      %dma_start3A_64 = tpu.memref_slice %arg2[%dma_start3A_62, %dma_start3A_63] : memref<10000x128xf32, #tpu.memory_space<hbm>> -> memref<10000x128xf32, #tpu.memory_space<hbm>>
      tpu.enqueue_indirect_dma source(%dma_start3A_64 : memref<10000x128xf32, #tpu.memory_space<hbm>>) target(%arg9 : memref<128x128xf32, #tpu.memory_space<vmem>>) offsets(%dma_start3A_61 : memref<128xi32, #tpu.memory_space<vmem>>) semaphore(%arg12 : memref<!tpu.dma_semaphore, #tpu.memory_space<semaphore_mem>>)
    } else {
    }
    %gt3A_39 = arith.constant 1 : i32
    %gt3A_40 = arith.cmpi sgt, %select_n3A_8, %gt3A_39 : i32
    %convert_element_type3A_41 = arith.extui %gt3A_40 : i1 to i32
    %cond3A_42 = arith.constant 0 : i32
    %cond3A_43 = arith.cmpi ne, %convert_element_type3A_41, %cond3A_42 : i32
    scf.if %cond3A_43 {
      %add3A_55 = arith.constant 1 : i32
      %add3A_56 = arith.addi %select_n3A, %add3A_55 : i32
      %mul3A_57 = arith.constant 128 : i32
      %mul3A_58 = arith.muli %add3A_56, %mul3A_57 : i32
      %dma_start3A = tpu.memref_slice %arg4[%mul3A_58] : memref<327680xi32, #tpu.memory_space<hbm>> -> memref<128xi32, #tpu.memory_space<hbm>>
      %dma_start3A_59 = tpu.memref_slice %arg4[%mul3A_58] : memref<327680xi32, #tpu.memory_space<hbm>> -> memref<128xi32, #tpu.memory_space<hbm>>
      tpu.enqueue_dma source(%dma_start3A_59 : memref<128xi32, #tpu.memory_space<hbm>>) target(%arg8 : memref<128xi32, #tpu.memory_space<vmem>>) target_semaphore(%arg15 : memref<!tpu.dma_semaphore, #tpu.memory_space<semaphore_mem>>)
      %dma_start3A_60 = arith.constant 128 : i32
      %dma_start3A_61 = tpu.memref_slice %arg6[%dma_start3A_60] : memref<16384xi32, #tpu.memory_space<vmem>> -> memref<128xi32, #tpu.memory_space<vmem>>
      %dma_start3A_62 = arith.constant 0 : i32
      %dma_start3A_63 = arith.constant 0 : i32
      %dma_start3A_64 = tpu.memref_slice %arg2[%dma_start3A_62, %dma_start3A_63] : memref<10000x128xf32, #tpu.memory_space<hbm>> -> memref<10000x128xf32, #tpu.memory_space<hbm>>
      tpu.enqueue_indirect_dma source(%dma_start3A_64 : memref<10000x128xf32, #tpu.memory_space<hbm>>) target(%arg10 : memref<128x128xf32, #tpu.memory_space<vmem>>) offsets(%dma_start3A_61 : memref<128xi32, #tpu.memory_space<vmem>>) semaphore(%arg13 : memref<!tpu.dma_semaphore, #tpu.memory_space<semaphore_mem>>)
    } else {
    }
    %scan3A_44 = arith.constant 0 : i32
    %scan3A_45 = arith.constant 0 : i32
    %scan3A_46 = arith.constant 64 : i32
    %scan3A_47 = arith.addi %scan3A_45, %scan3A_46 : i32
    %scan3A_48 = arith.constant 1 : i32
    scf.for %scan3A_55 = %scan3A_45 to %scan3A_47 step %scan3A_48  : i32 {
      %mul3A_56 = arith.constant 2 : i32
      %mul3A_57 = arith.muli %mul3A_56, %scan3A_55 : i32
      %add3A_58 = arith.constant 0 : i32
      %add3A_59 = arith.addi %mul3A_57, %add3A_58 : i32
      %lt3A = arith.cmpi slt, %add3A_59, %select_n3A_8 : i32
      %convert_element_type3A_60 = arith.extui %lt3A : i1 to i32
      %cond3A_61 = arith.constant 0 : i32
      %cond3A_62 = arith.cmpi ne, %convert_element_type3A_60, %cond3A_61 : i32
      scf.if %cond3A_62 {
        %mul3A_71 = arith.constant 128 : i32
        %mul3A_72 = arith.muli %add3A_59, %mul3A_71 : i32
        %dma_wait3A = tpu.memref_slice %arg6[%mul3A_72] : memref<16384xi32, #tpu.memory_space<vmem>> -> memref<128xi32, #tpu.memory_space<vmem>>
        %dma_wait3A_73 = arith.constant 0 : i32
        %dma_wait3A_74 = arith.constant 0 : i32
        %dma_wait3A_75 = tpu.memref_slice %arg2[%dma_wait3A_73, %dma_wait3A_74] : memref<10000x128xf32, #tpu.memory_space<hbm>> -> memref<10000x128xf32, #tpu.memory_space<hbm>>
        tpu.wait_indirect_dma semaphore(%arg12 : memref<!tpu.dma_semaphore, #tpu.memory_space<semaphore_mem>>) src(%dma_wait3A_75 : memref<10000x128xf32, #tpu.memory_space<hbm>>) dst(%arg9 : memref<128x128xf32, #tpu.memory_space<vmem>>)
        %add3A_76 = arith.addi %select_n3A, %add3A_59 : i32
        %mul3A_77 = arith.constant 128 : i32
        %mul3A_78 = arith.muli %add3A_76, %mul3A_77 : i32
        %dma_wait3A_79 = tpu.memref_slice %arg4[%mul3A_78] : memref<327680xi32, #tpu.memory_space<hbm>> -> memref<128xi32, #tpu.memory_space<hbm>>
        %dma_wait3A_80 = tpu.memref_slice %arg4[%mul3A_78] : memref<327680xi32, #tpu.memory_space<hbm>> -> memref<128xi32, #tpu.memory_space<hbm>>
        tpu.wait_dma2 semaphore(%arg14 : memref<!tpu.dma_semaphore, #tpu.memory_space<semaphore_mem>>) src(%dma_wait3A_80 : memref<128xi32, #tpu.memory_space<hbm>>) dst(%arg7 : memref<128xi32, #tpu.memory_space<vmem>>)
        %dma_start3A = arith.constant 0 : i32
        %dma_start3A_81 = arith.constant 0 : i32
        %dma_start3A_82 = tpu.memref_slice %arg11[%dma_start3A, %dma_start3A_81] : memref<10112x128xf32, #tpu.memory_space<vmem_shared>> -> memref<10112x128xf32, #tpu.memory_space<vmem_shared>>
        tpu.enqueue_indirect_dma source(%arg9 : memref<128x128xf32, #tpu.memory_space<vmem>>) target(%dma_start3A_82 : memref<10112x128xf32, #tpu.memory_space<vmem_shared>>) offsets(%arg7 : memref<128xi32, #tpu.memory_space<vmem>>) semaphore(%arg16 : memref<!tpu.dma_semaphore, #tpu.memory_space<semaphore_mem>>) {add = true}
        %add3A_83 = arith.constant 2 : i32
        %add3A_84 = arith.addi %add3A_59, %add3A_83 : i32
        %lt3A_85 = arith.cmpi slt, %add3A_84, %select_n3A_8 : i32
        %convert_element_type3A_86 = arith.extui %lt3A_85 : i1 to i32
        %cond3A_87 = arith.constant 0 : i32
        %cond3A_88 = arith.cmpi ne, %convert_element_type3A_86, %cond3A_87 : i32
        scf.if %cond3A_88 {
          %dma_wait3A_94 = arith.constant 0 : i32
          %dma_wait3A_95 = arith.constant 0 : i32
          %dma_wait3A_96 = tpu.memref_slice %arg11[%dma_wait3A_94, %dma_wait3A_95] : memref<10112x128xf32, #tpu.memory_space<vmem_shared>> -> memref<10112x128xf32, #tpu.memory_space<vmem_shared>>
          tpu.wait_indirect_dma semaphore(%arg16 : memref<!tpu.dma_semaphore, #tpu.memory_space<semaphore_mem>>) src(%arg9 : memref<128x128xf32, #tpu.memory_space<vmem>>) dst(%dma_wait3A_96 : memref<10112x128xf32, #tpu.memory_space<vmem_shared>>)
          %add3A_97 = arith.constant 2 : i32
          %add3A_98 = arith.addi %add3A_59, %add3A_97 : i32
          %add3A_99 = arith.addi %select_n3A, %add3A_98 : i32
          %mul3A_100 = arith.constant 128 : i32
          %mul3A_101 = arith.muli %add3A_99, %mul3A_100 : i32
          %dma_start3A_102 = tpu.memref_slice %arg4[%mul3A_101] : memref<327680xi32, #tpu.memory_space<hbm>> -> memref<128xi32, #tpu.memory_space<hbm>>
          %dma_start3A_103 = tpu.memref_slice %arg4[%mul3A_101] : memref<327680xi32, #tpu.memory_space<hbm>> -> memref<128xi32, #tpu.memory_space<hbm>>
          tpu.enqueue_dma source(%dma_start3A_103 : memref<128xi32, #tpu.memory_space<hbm>>) target(%arg7 : memref<128xi32, #tpu.memory_space<vmem>>) target_semaphore(%arg14 : memref<!tpu.dma_semaphore, #tpu.memory_space<semaphore_mem>>)
          %add3A_104 = arith.constant 2 : i32
          %add3A_105 = arith.addi %add3A_59, %add3A_104 : i32
          %mul3A_106 = arith.constant 128 : i32
          %mul3A_107 = arith.muli %add3A_105, %mul3A_106 : i32
          %dma_start3A_108 = tpu.memref_slice %arg6[%mul3A_107] : memref<16384xi32, #tpu.memory_space<vmem>> -> memref<128xi32, #tpu.memory_space<vmem>>
          %dma_start3A_109 = arith.constant 0 : i32
          %dma_start3A_110 = arith.constant 0 : i32
          %dma_start3A_111 = tpu.memref_slice %arg2[%dma_start3A_109, %dma_start3A_110] : memref<10000x128xf32, #tpu.memory_space<hbm>> -> memref<10000x128xf32, #tpu.memory_space<hbm>>
          tpu.enqueue_indirect_dma source(%dma_start3A_111 : memref<10000x128xf32, #tpu.memory_space<hbm>>) target(%arg9 : memref<128x128xf32, #tpu.memory_space<vmem>>) offsets(%dma_start3A_108 : memref<128xi32, #tpu.memory_space<vmem>>) semaphore(%arg12 : memref<!tpu.dma_semaphore, #tpu.memory_space<semaphore_mem>>)
        } else {
        }
        %add3A_89 = arith.constant 2 : i32
        %add3A_90 = arith.addi %add3A_59, %add3A_89 : i32
        %ge3A = arith.cmpi sge, %add3A_90, %select_n3A_8 : i32
        %convert_element_type3A_91 = arith.extui %ge3A : i1 to i32
        %cond3A_92 = arith.constant 0 : i32
        %cond3A_93 = arith.cmpi ne, %convert_element_type3A_91, %cond3A_92 : i32
        scf.if %cond3A_93 {
          %dma_wait3A_94 = arith.constant 0 : i32
          %dma_wait3A_95 = arith.constant 0 : i32
          %dma_wait3A_96 = tpu.memref_slice %arg11[%dma_wait3A_94, %dma_wait3A_95] : memref<10112x128xf32, #tpu.memory_space<vmem_shared>> -> memref<10112x128xf32, #tpu.memory_space<vmem_shared>>
          tpu.wait_indirect_dma semaphore(%arg16 : memref<!tpu.dma_semaphore, #tpu.memory_space<semaphore_mem>>) src(%arg9 : memref<128x128xf32, #tpu.memory_space<vmem>>) dst(%dma_wait3A_96 : memref<10112x128xf32, #tpu.memory_space<vmem_shared>>)
        } else {
        }
      } else {
      }
      %mul3A_63 = arith.constant 2 : i32
      %mul3A_64 = arith.muli %mul3A_63, %scan3A_55 : i32
      %add3A_65 = arith.constant 1 : i32
      %add3A_66 = arith.addi %mul3A_64, %add3A_65 : i32
      %lt3A_67 = arith.cmpi slt, %add3A_66, %select_n3A_8 : i32
      %convert_element_type3A_68 = arith.extui %lt3A_67 : i1 to i32
      %cond3A_69 = arith.constant 0 : i32
      %cond3A_70 = arith.cmpi ne, %convert_element_type3A_68, %cond3A_69 : i32
      scf.if %cond3A_70 {
        %mul3A_71 = arith.constant 128 : i32
        %mul3A_72 = arith.muli %add3A_66, %mul3A_71 : i32
        %dma_wait3A = tpu.memref_slice %arg6[%mul3A_72] : memref<16384xi32, #tpu.memory_space<vmem>> -> memref<128xi32, #tpu.memory_space<vmem>>
        %dma_wait3A_73 = arith.constant 0 : i32
        %dma_wait3A_74 = arith.constant 0 : i32
        %dma_wait3A_75 = tpu.memref_slice %arg2[%dma_wait3A_73, %dma_wait3A_74] : memref<10000x128xf32, #tpu.memory_space<hbm>> -> memref<10000x128xf32, #tpu.memory_space<hbm>>
        tpu.wait_indirect_dma semaphore(%arg13 : memref<!tpu.dma_semaphore, #tpu.memory_space<semaphore_mem>>) src(%dma_wait3A_75 : memref<10000x128xf32, #tpu.memory_space<hbm>>) dst(%arg10 : memref<128x128xf32, #tpu.memory_space<vmem>>)
        %add3A_76 = arith.addi %select_n3A, %add3A_66 : i32
        %mul3A_77 = arith.constant 128 : i32
        %mul3A_78 = arith.muli %add3A_76, %mul3A_77 : i32
        %dma_wait3A_79 = tpu.memref_slice %arg4[%mul3A_78] : memref<327680xi32, #tpu.memory_space<hbm>> -> memref<128xi32, #tpu.memory_space<hbm>>
        %dma_wait3A_80 = tpu.memref_slice %arg4[%mul3A_78] : memref<327680xi32, #tpu.memory_space<hbm>> -> memref<128xi32, #tpu.memory_space<hbm>>
        tpu.wait_dma2 semaphore(%arg15 : memref<!tpu.dma_semaphore, #tpu.memory_space<semaphore_mem>>) src(%dma_wait3A_80 : memref<128xi32, #tpu.memory_space<hbm>>) dst(%arg8 : memref<128xi32, #tpu.memory_space<vmem>>)
        %dma_start3A = arith.constant 0 : i32
        %dma_start3A_81 = arith.constant 0 : i32
        %dma_start3A_82 = tpu.memref_slice %arg11[%dma_start3A, %dma_start3A_81] : memref<10112x128xf32, #tpu.memory_space<vmem_shared>> -> memref<10112x128xf32, #tpu.memory_space<vmem_shared>>
        tpu.enqueue_indirect_dma source(%arg10 : memref<128x128xf32, #tpu.memory_space<vmem>>) target(%dma_start3A_82 : memref<10112x128xf32, #tpu.memory_space<vmem_shared>>) offsets(%arg8 : memref<128xi32, #tpu.memory_space<vmem>>) semaphore(%arg17 : memref<!tpu.dma_semaphore, #tpu.memory_space<semaphore_mem>>) {add = true}
        %add3A_83 = arith.constant 2 : i32
        %add3A_84 = arith.addi %add3A_66, %add3A_83 : i32
        %lt3A_85 = arith.cmpi slt, %add3A_84, %select_n3A_8 : i32
        %convert_element_type3A_86 = arith.extui %lt3A_85 : i1 to i32
        %cond3A_87 = arith.constant 0 : i32
        %cond3A_88 = arith.cmpi ne, %convert_element_type3A_86, %cond3A_87 : i32
        scf.if %cond3A_88 {
          %dma_wait3A_94 = arith.constant 0 : i32
          %dma_wait3A_95 = arith.constant 0 : i32
          %dma_wait3A_96 = tpu.memref_slice %arg11[%dma_wait3A_94, %dma_wait3A_95] : memref<10112x128xf32, #tpu.memory_space<vmem_shared>> -> memref<10112x128xf32, #tpu.memory_space<vmem_shared>>
          tpu.wait_indirect_dma semaphore(%arg17 : memref<!tpu.dma_semaphore, #tpu.memory_space<semaphore_mem>>) src(%arg10 : memref<128x128xf32, #tpu.memory_space<vmem>>) dst(%dma_wait3A_96 : memref<10112x128xf32, #tpu.memory_space<vmem_shared>>)
          %add3A_97 = arith.constant 2 : i32
          %add3A_98 = arith.addi %add3A_66, %add3A_97 : i32
          %add3A_99 = arith.addi %select_n3A, %add3A_98 : i32
          %mul3A_100 = arith.constant 128 : i32
          %mul3A_101 = arith.muli %add3A_99, %mul3A_100 : i32
          %dma_start3A_102 = tpu.memref_slice %arg4[%mul3A_101] : memref<327680xi32, #tpu.memory_space<hbm>> -> memref<128xi32, #tpu.memory_space<hbm>>
          %dma_start3A_103 = tpu.memref_slice %arg4[%mul3A_101] : memref<327680xi32, #tpu.memory_space<hbm>> -> memref<128xi32, #tpu.memory_space<hbm>>
          tpu.enqueue_dma source(%dma_start3A_103 : memref<128xi32, #tpu.memory_space<hbm>>) target(%arg8 : memref<128xi32, #tpu.memory_space<vmem>>) target_semaphore(%arg15 : memref<!tpu.dma_semaphore, #tpu.memory_space<semaphore_mem>>)
          %add3A_104 = arith.constant 2 : i32
          %add3A_105 = arith.addi %add3A_66, %add3A_104 : i32
          %mul3A_106 = arith.constant 128 : i32
          %mul3A_107 = arith.muli %add3A_105, %mul3A_106 : i32
          %dma_start3A_108 = tpu.memref_slice %arg6[%mul3A_107] : memref<16384xi32, #tpu.memory_space<vmem>> -> memref<128xi32, #tpu.memory_space<vmem>>
          %dma_start3A_109 = arith.constant 0 : i32
          %dma_start3A_110 = arith.constant 0 : i32
          %dma_start3A_111 = tpu.memref_slice %arg2[%dma_start3A_109, %dma_start3A_110] : memref<10000x128xf32, #tpu.memory_space<hbm>> -> memref<10000x128xf32, #tpu.memory_space<hbm>>
          tpu.enqueue_indirect_dma source(%dma_start3A_111 : memref<10000x128xf32, #tpu.memory_space<hbm>>) target(%arg10 : memref<128x128xf32, #tpu.memory_space<vmem>>) offsets(%dma_start3A_108 : memref<128xi32, #tpu.memory_space<vmem>>) semaphore(%arg13 : memref<!tpu.dma_semaphore, #tpu.memory_space<semaphore_mem>>)
        } else {
        }
        %add3A_89 = arith.constant 2 : i32
        %add3A_90 = arith.addi %add3A_66, %add3A_89 : i32
        %ge3A = arith.cmpi sge, %add3A_90, %select_n3A_8 : i32
        %convert_element_type3A_91 = arith.extui %ge3A : i1 to i32
        %cond3A_92 = arith.constant 0 : i32
        %cond3A_93 = arith.cmpi ne, %convert_element_type3A_91, %cond3A_92 : i32
        scf.if %cond3A_93 {
          %dma_wait3A_94 = arith.constant 0 : i32
          %dma_wait3A_95 = arith.constant 0 : i32
          %dma_wait3A_96 = tpu.memref_slice %arg11[%dma_wait3A_94, %dma_wait3A_95] : memref<10112x128xf32, #tpu.memory_space<vmem_shared>> -> memref<10112x128xf32, #tpu.memory_space<vmem_shared>>
          tpu.wait_indirect_dma semaphore(%arg17 : memref<!tpu.dma_semaphore, #tpu.memory_space<semaphore_mem>>) src(%arg10 : memref<128x128xf32, #tpu.memory_space<vmem>>) dst(%dma_wait3A_96 : memref<10112x128xf32, #tpu.memory_space<vmem_shared>>)
        } else {
        }
      } else {
      }
    }
    %scan3A_49 = arith.constant 64 : i32
    %barrier3A_50 = arith.constant 0 : index
    tpu.barrier barrier_id(%barrier3A_50)
    %mul3A_51 = arith.constant 632 : i32
    %mul3A_52 = arith.muli %arg1, %mul3A_51 : i32
    %mul3A_53 = arith.constant 632 : i32
    %mul3A_54 = arith.muli %arg1, %mul3A_53 : i32
    "tpu.region"() ({
      %run_scoped3A = tpu.sem_alloc : memref<!tpu.dma_semaphore, #tpu.memory_space<semaphore_mem>>
      %dma_start3A = arith.constant 0 : i32
      %dma_start3A_55 = tpu.memref_slice %arg5[%arg0, %mul3A_54, %dma_start3A] : memref<2x10112x128xf32, #tpu.memory_space<hbm>> -> memref<1x632x128xf32, #tpu.memory_space<hbm>>
      %dma_start3A_56 = tpu.memref_squeeze %dma_start3A_55 : memref<1x632x128xf32, #tpu.memory_space<hbm>> -> memref<632x128xf32, #tpu.memory_space<hbm>>
      %dma_start3A_57 = arith.constant 0 : i32
      %dma_start3A_58 = tpu.memref_slice %arg11[%mul3A_52, %dma_start3A_57] : memref<10112x128xf32, #tpu.memory_space<vmem_shared>> -> memref<632x128xf32, #tpu.memory_space<vmem_shared>>
      tpu.enqueue_dma source(%dma_start3A_58 : memref<632x128xf32, #tpu.memory_space<vmem_shared>>) target(%dma_start3A_56 : memref<632x128xf32, #tpu.memory_space<hbm>>) target_semaphore(%run_scoped3A : memref<!tpu.dma_semaphore, #tpu.memory_space<semaphore_mem>>)
      %dma_wait3A = arith.constant 0 : i32
      %dma_wait3A_59 = tpu.memref_slice %arg5[%arg0, %mul3A_54, %dma_wait3A] : memref<2x10112x128xf32, #tpu.memory_space<hbm>> -> memref<1x632x128xf32, #tpu.memory_space<hbm>>
      %dma_wait3A_60 = tpu.memref_squeeze %dma_wait3A_59 : memref<1x632x128xf32, #tpu.memory_space<hbm>> -> memref<632x128xf32, #tpu.memory_space<hbm>>
      %dma_wait3A_61 = arith.constant 0 : i32
      %dma_wait3A_62 = tpu.memref_slice %arg11[%mul3A_52, %dma_wait3A_61] : memref<10112x128xf32, #tpu.memory_space<vmem_shared>> -> memref<632x128xf32, #tpu.memory_space<vmem_shared>>
      tpu.wait_dma2 semaphore(%run_scoped3A : memref<!tpu.dma_semaphore, #tpu.memory_space<semaphore_mem>>) src(%dma_wait3A_62 : memref<632x128xf32, #tpu.memory_space<vmem_shared>>) dst(%dma_wait3A_60 : memref<632x128xf32, #tpu.memory_space<hbm>>)
      tpu.yield
    }) : () -> ()
    return
  }
}

#map = affine_map<(d0, d1) -> (0)>
#map1 = affine_map<(d0, d1) -> (0, 0)>
#map2 = affine_map<(d0, d1) -> (0, 0, 0)>
module attributes {stable_mosaic.version = 14 : i64} {
  func.func @body(%arg0: i32, %arg1: i32, %arg2: memref<327680xi32, #tpu.memory_space<hbm>>, %arg3: memref<128x128xf32, #tpu.memory_space<hbm>>, %arg4: memref<2x10112x128xf32, #tpu.memory_space<hbm>>, %arg5: memref<128xi32, #tpu.memory_space<vmem>>, %arg6: memref<128xi32, #tpu.memory_space<vmem>>, %arg7: memref<128x128xf32, #tpu.memory_space<vmem>>, %arg8: memref<10112x128xf32, #tpu.memory_space<vmem_shared>>, %arg9: memref<!tpu.dma_semaphore, #tpu.memory_space<semaphore_mem>>, %arg10: memref<!tpu.dma_semaphore, #tpu.memory_space<semaphore_mem>>, %arg11: memref<!tpu.dma_semaphore, #tpu.memory_space<semaphore_mem>>, %arg12: memref<!tpu.dma_semaphore, #tpu.memory_space<semaphore_mem>>) attributes {dimension_semantics = [#tpu.dimension_semantics<core_parallel>, #tpu.dimension_semantics<subcore_parallel>], iteration_bounds = array<i64: 2, 16>, scalar_prefetch = 0 : i64, scratch_operands = 8 : i64, tpu.core_type = #tpu.core_type<sc_vector_subcore>, window_params = [{transform_indices = #map}, {transform_indices = #map1}, {transform_indices = #map2}]} {
    %mul3A = arith.constant 2 : i32
    %mul3A_0 = arith.muli %arg1, %mul3A : i32
    %add3A = arith.addi %mul3A_0, %arg0 : i32
    %broadcast_in_dim3A = arith.constant 0.000000e+00 : f32
    %broadcast_in_dim3A_1 = vector.broadcast %broadcast_in_dim3A : f32 to vector<16xf32>
    %scan3A = arith.constant 0 : i32
    %scan3A_2 = arith.constant 0 : i32
    %scan3A_3 = arith.constant 1024 : i32
    %scan3A_4 = arith.addi %scan3A_2, %scan3A_3 : i32
    %scan3A_5 = arith.constant 1 : i32
    scf.for %scan3A_53 = %scan3A_2 to %scan3A_4 step %scan3A_5  : i32 {
      %jit3A = arith.constant 8 : i32
      %div3A = arith.divsi %scan3A_53, %jit3A : i32
      %sign3A = arith.constant 0 : i32
      %sign3A_54 = arith.cmpi sgt, %scan3A_53, %sign3A : i32
      %sign3A_55 = arith.extui %sign3A_54 : i1 to i32
      %sign3A_56 = arith.constant 0 : i32
      %sign3A_57 = arith.cmpi slt, %scan3A_53, %sign3A_56 : i32
      %sign3A_58 = arith.extui %sign3A_57 : i1 to i32
      %sign3A_59 = arith.subi %sign3A_55, %sign3A_58 : i32
      %sign3A_60 = arith.constant 0 : i32
      %sign3A_61 = arith.cmpi sgt, %jit3A, %sign3A_60 : i32
      %sign3A_62 = arith.extui %sign3A_61 : i1 to i32
      %sign3A_63 = arith.constant 0 : i32
      %sign3A_64 = arith.cmpi slt, %jit3A, %sign3A_63 : i32
      %sign3A_65 = arith.extui %sign3A_64 : i1 to i32
      %sign3A_66 = arith.subi %sign3A_62, %sign3A_65 : i32
      %ne3A = arith.cmpi ne, %sign3A_59, %sign3A_66 : i32
      %rem3A = arith.remsi %scan3A_53, %jit3A : i32
      %ne3A_67 = arith.constant 0 : i32
      %ne3A_68 = arith.cmpi ne, %rem3A, %ne3A_67 : i32
      %and3A = arith.andi %ne3A, %ne3A_68 : i1
      %sub3A = arith.constant 1 : i32
      %sub3A_69 = arith.subi %div3A, %sub3A : i32
      %select_n3A = arith.select %and3A, %sub3A_69, %div3A : i32
      %jit3A_70 = arith.constant 8 : i32
      %eq3A = arith.constant 0 : i32
      %eq3A_71 = arith.cmpi eq, %jit3A_70, %eq3A : i32
      %jit3A_72 = arith.constant 1 : i32
      %select_n3A_73 = arith.select %eq3A_71, %jit3A_72, %jit3A_70 : i32
      %rem3A_74 = arith.remsi %scan3A_53, %select_n3A_73 : i32
      %ne3A_75 = arith.constant 0 : i32
      %ne3A_76 = arith.cmpi ne, %rem3A_74, %ne3A_75 : i32
      %lt3A = arith.constant 0 : i32
      %lt3A_77 = arith.cmpi slt, %rem3A_74, %lt3A : i32
      %lt3A_78 = arith.constant 0 : i32
      %lt3A_79 = arith.cmpi slt, %select_n3A_73, %lt3A_78 : i32
      %ne3A_80 = arith.xori %lt3A_77, %lt3A_79 : i1
      %and3A_81 = arith.andi %ne3A_80, %ne3A_76 : i1
      %add3A_82 = arith.addi %rem3A_74, %select_n3A_73 : i32
      %select_n3A_83 = arith.select %and3A_81, %add3A_82, %rem3A_74 : i32
      %mul3A_84 = arith.constant 16 : i32
      %mul3A_85 = arith.muli %select_n3A_83, %mul3A_84 : i32
      %swap3A = arith.index_cast %select_n3A : i32 to index
      %swap3A_86 = arith.index_cast %mul3A_85 : i32 to index
      %swap3A_87 = tpu.vector_load %arg7[%swap3A, %swap3A_86] {strides = array<i32>} : memref<128x128xf32, #tpu.memory_space<vmem>>, vector<1x16xf32>,
      %swap3A_88 = vector.shape_cast %swap3A_87 : vector<1x16xf32> to vector<16xf32>
      %swap3A_89 = vector.shape_cast %broadcast_in_dim3A_1 : vector<16xf32> to vector<1x16xf32>
      tpu.vector_store %arg7[%swap3A, %swap3A_86], %swap3A_89 {strides = array<i32>} : memref<128x128xf32, #tpu.memory_space<vmem>>, vector<1x16xf32>,
    }
    %scan3A_6 = arith.constant 1024 : i32
    %mul3A_7 = arith.constant 632 : i32
    %mul3A_8 = arith.muli %arg1, %mul3A_7 : i32
    %add3A_9 = arith.constant 0 : i32
    %add3A_10 = arith.addi %mul3A_8, %add3A_9 : i32
    "tpu.region"() ({
      %run_scoped3A = tpu.sem_alloc : memref<!tpu.dma_semaphore, #tpu.memory_space<semaphore_mem>>
      %dma_start3A_53 = arith.constant 0 : i32
      %dma_start3A_54 = tpu.memref_slice %arg8[%add3A_10, %dma_start3A_53] : memref<10112x128xf32, #tpu.memory_space<vmem_shared>> -> memref<128x128xf32, #tpu.memory_space<vmem_shared>>
      %dma_start3A_55 = arith.constant 0 : i32
      %dma_start3A_56 = tpu.memref_slice %arg8[%add3A_10, %dma_start3A_55] : memref<10112x128xf32, #tpu.memory_space<vmem_shared>> -> memref<128x128xf32, #tpu.memory_space<vmem_shared>>
      tpu.enqueue_dma source(%arg7 : memref<128x128xf32, #tpu.memory_space<vmem>>) target(%dma_start3A_56 : memref<128x128xf32, #tpu.memory_space<vmem_shared>>) target_semaphore(%run_scoped3A : memref<!tpu.dma_semaphore, #tpu.memory_space<semaphore_mem>>)
      %dma_wait3A = arith.constant 0 : i32
      %dma_wait3A_57 = tpu.memref_slice %arg8[%add3A_10, %dma_wait3A] : memref<10112x128xf32, #tpu.memory_space<vmem_shared>> -> memref<128x128xf32, #tpu.memory_space<vmem_shared>>
      %dma_wait3A_58 = arith.constant 0 : i32
      %dma_wait3A_59 = tpu.memref_slice %arg8[%add3A_10, %dma_wait3A_58] : memref<10112x128xf32, #tpu.memory_space<vmem_shared>> -> memref<128x128xf32, #tpu.memory_space<vmem_shared>>
      tpu.wait_dma2 semaphore(%run_scoped3A : memref<!tpu.dma_semaphore, #tpu.memory_space<semaphore_mem>>) src(%arg7 : memref<128x128xf32, #tpu.memory_space<vmem>>) dst(%dma_wait3A_59 : memref<128x128xf32, #tpu.memory_space<vmem_shared>>)
      tpu.yield
    }) : () -> ()
    %mul3A_11 = arith.constant 632 : i32
    %mul3A_12 = arith.muli %arg1, %mul3A_11 : i32
    %add3A_13 = arith.constant 128 : i32
    %add3A_14 = arith.addi %mul3A_12, %add3A_13 : i32
    "tpu.region"() ({
      %run_scoped3A = tpu.sem_alloc : memref<!tpu.dma_semaphore, #tpu.memory_space<semaphore_mem>>
      %dma_start3A_53 = arith.constant 0 : i32
      %dma_start3A_54 = tpu.memref_slice %arg8[%add3A_14, %dma_start3A_53] : memref<10112x128xf32, #tpu.memory_space<vmem_shared>> -> memref<128x128xf32, #tpu.memory_space<vmem_shared>>
      %dma_start3A_55 = arith.constant 0 : i32
      %dma_start3A_56 = tpu.memref_slice %arg8[%add3A_14, %dma_start3A_55] : memref<10112x128xf32, #tpu.memory_space<vmem_shared>> -> memref<128x128xf32, #tpu.memory_space<vmem_shared>>
      tpu.enqueue_dma source(%arg7 : memref<128x128xf32, #tpu.memory_space<vmem>>) target(%dma_start3A_56 : memref<128x128xf32, #tpu.memory_space<vmem_shared>>) target_semaphore(%run_scoped3A : memref<!tpu.dma_semaphore, #tpu.memory_space<semaphore_mem>>)
      %dma_wait3A = arith.constant 0 : i32
      %dma_wait3A_57 = tpu.memref_slice %arg8[%add3A_14, %dma_wait3A] : memref<10112x128xf32, #tpu.memory_space<vmem_shared>> -> memref<128x128xf32, #tpu.memory_space<vmem_shared>>
      %dma_wait3A_58 = arith.constant 0 : i32
      %dma_wait3A_59 = tpu.memref_slice %arg8[%add3A_14, %dma_wait3A_58] : memref<10112x128xf32, #tpu.memory_space<vmem_shared>> -> memref<128x128xf32, #tpu.memory_space<vmem_shared>>
      tpu.wait_dma2 semaphore(%run_scoped3A : memref<!tpu.dma_semaphore, #tpu.memory_space<semaphore_mem>>) src(%arg7 : memref<128x128xf32, #tpu.memory_space<vmem>>) dst(%dma_wait3A_59 : memref<128x128xf32, #tpu.memory_space<vmem_shared>>)
      tpu.yield
    }) : () -> ()
    %mul3A_15 = arith.constant 632 : i32
    %mul3A_16 = arith.muli %arg1, %mul3A_15 : i32
    %add3A_17 = arith.constant 256 : i32
    %add3A_18 = arith.addi %mul3A_16, %add3A_17 : i32
    "tpu.region"() ({
      %run_scoped3A = tpu.sem_alloc : memref<!tpu.dma_semaphore, #tpu.memory_space<semaphore_mem>>
      %dma_start3A_53 = arith.constant 0 : i32
      %dma_start3A_54 = tpu.memref_slice %arg8[%add3A_18, %dma_start3A_53] : memref<10112x128xf32, #tpu.memory_space<vmem_shared>> -> memref<128x128xf32, #tpu.memory_space<vmem_shared>>
      %dma_start3A_55 = arith.constant 0 : i32
      %dma_start3A_56 = tpu.memref_slice %arg8[%add3A_18, %dma_start3A_55] : memref<10112x128xf32, #tpu.memory_space<vmem_shared>> -> memref<128x128xf32, #tpu.memory_space<vmem_shared>>
      tpu.enqueue_dma source(%arg7 : memref<128x128xf32, #tpu.memory_space<vmem>>) target(%dma_start3A_56 : memref<128x128xf32, #tpu.memory_space<vmem_shared>>) target_semaphore(%run_scoped3A : memref<!tpu.dma_semaphore, #tpu.memory_space<semaphore_mem>>)
      %dma_wait3A = arith.constant 0 : i32
      %dma_wait3A_57 = tpu.memref_slice %arg8[%add3A_18, %dma_wait3A] : memref<10112x128xf32, #tpu.memory_space<vmem_shared>> -> memref<128x128xf32, #tpu.memory_space<vmem_shared>>
      %dma_wait3A_58 = arith.constant 0 : i32
      %dma_wait3A_59 = tpu.memref_slice %arg8[%add3A_18, %dma_wait3A_58] : memref<10112x128xf32, #tpu.memory_space<vmem_shared>> -> memref<128x128xf32, #tpu.memory_space<vmem_shared>>
      tpu.wait_dma2 semaphore(%run_scoped3A : memref<!tpu.dma_semaphore, #tpu.memory_space<semaphore_mem>>) src(%arg7 : memref<128x128xf32, #tpu.memory_space<vmem>>) dst(%dma_wait3A_59 : memref<128x128xf32, #tpu.memory_space<vmem_shared>>)
      tpu.yield
    }) : () -> ()
    %mul3A_19 = arith.constant 632 : i32
    %mul3A_20 = arith.muli %arg1, %mul3A_19 : i32
    %add3A_21 = arith.constant 384 : i32
    %add3A_22 = arith.addi %mul3A_20, %add3A_21 : i32
    "tpu.region"() ({
      %run_scoped3A = tpu.sem_alloc : memref<!tpu.dma_semaphore, #tpu.memory_space<semaphore_mem>>
      %dma_start3A_53 = arith.constant 0 : i32
      %dma_start3A_54 = tpu.memref_slice %arg8[%add3A_22, %dma_start3A_53] : memref<10112x128xf32, #tpu.memory_space<vmem_shared>> -> memref<128x128xf32, #tpu.memory_space<vmem_shared>>
      %dma_start3A_55 = arith.constant 0 : i32
      %dma_start3A_56 = tpu.memref_slice %arg8[%add3A_22, %dma_start3A_55] : memref<10112x128xf32, #tpu.memory_space<vmem_shared>> -> memref<128x128xf32, #tpu.memory_space<vmem_shared>>
      tpu.enqueue_dma source(%arg7 : memref<128x128xf32, #tpu.memory_space<vmem>>) target(%dma_start3A_56 : memref<128x128xf32, #tpu.memory_space<vmem_shared>>) target_semaphore(%run_scoped3A : memref<!tpu.dma_semaphore, #tpu.memory_space<semaphore_mem>>)
      %dma_wait3A = arith.constant 0 : i32
      %dma_wait3A_57 = tpu.memref_slice %arg8[%add3A_22, %dma_wait3A] : memref<10112x128xf32, #tpu.memory_space<vmem_shared>> -> memref<128x128xf32, #tpu.memory_space<vmem_shared>>
      %dma_wait3A_58 = arith.constant 0 : i32
      %dma_wait3A_59 = tpu.memref_slice %arg8[%add3A_22, %dma_wait3A_58] : memref<10112x128xf32, #tpu.memory_space<vmem_shared>> -> memref<128x128xf32, #tpu.memory_space<vmem_shared>>
      tpu.wait_dma2 semaphore(%run_scoped3A : memref<!tpu.dma_semaphore, #tpu.memory_space<semaphore_mem>>) src(%arg7 : memref<128x128xf32, #tpu.memory_space<vmem>>) dst(%dma_wait3A_59 : memref<128x128xf32, #tpu.memory_space<vmem_shared>>)
      tpu.yield
    }) : () -> ()
    %mul3A_23 = arith.constant 632 : i32
    %mul3A_24 = arith.muli %arg1, %mul3A_23 : i32
    %add3A_25 = arith.constant 512 : i32
    %add3A_26 = arith.addi %mul3A_24, %add3A_25 : i32
    "tpu.region"() ({
      %run_scoped3A = tpu.sem_alloc : memref<!tpu.dma_semaphore, #tpu.memory_space<semaphore_mem>>
      %dma_start3A_53 = arith.constant 0 : i32
      %dma_start3A_54 = arith.constant 0 : i32
      %dma_start3A_55 = tpu.memref_slice %arg7[%dma_start3A_53, %dma_start3A_54] : memref<128x128xf32, #tpu.memory_space<vmem>> -> memref<120x128xf32, #tpu.memory_space<vmem>>
      %dma_start3A_56 = arith.constant 0 : i32
      %dma_start3A_57 = tpu.memref_slice %arg8[%add3A_26, %dma_start3A_56] : memref<10112x128xf32, #tpu.memory_space<vmem_shared>> -> memref<120x128xf32, #tpu.memory_space<vmem_shared>>
      %dma_start3A_58 = arith.constant 0 : i32
      %dma_start3A_59 = tpu.memref_slice %arg8[%add3A_26, %dma_start3A_58] : memref<10112x128xf32, #tpu.memory_space<vmem_shared>> -> memref<120x128xf32, #tpu.memory_space<vmem_shared>>
      %dma_start3A_60 = arith.constant 0 : i32
      %dma_start3A_61 = arith.constant 0 : i32
      %dma_start3A_62 = tpu.memref_slice %arg7[%dma_start3A_60, %dma_start3A_61] : memref<128x128xf32, #tpu.memory_space<vmem>> -> memref<120x128xf32, #tpu.memory_space<vmem>>
      tpu.enqueue_dma source(%dma_start3A_62 : memref<120x128xf32, #tpu.memory_space<vmem>>) target(%dma_start3A_59 : memref<120x128xf32, #tpu.memory_space<vmem_shared>>) target_semaphore(%run_scoped3A : memref<!tpu.dma_semaphore, #tpu.memory_space<semaphore_mem>>)
      %dma_wait3A = arith.constant 0 : i32
      %dma_wait3A_63 = arith.constant 0 : i32
      %dma_wait3A_64 = tpu.memref_slice %arg7[%dma_wait3A, %dma_wait3A_63] : memref<128x128xf32, #tpu.memory_space<vmem>> -> memref<120x128xf32, #tpu.memory_space<vmem>>
      %dma_wait3A_65 = arith.constant 0 : i32
      %dma_wait3A_66 = tpu.memref_slice %arg8[%add3A_26, %dma_wait3A_65] : memref<10112x128xf32, #tpu.memory_space<vmem_shared>> -> memref<120x128xf32, #tpu.memory_space<vmem_shared>>
      %dma_wait3A_67 = arith.constant 0 : i32
      %dma_wait3A_68 = tpu.memref_slice %arg8[%add3A_26, %dma_wait3A_67] : memref<10112x128xf32, #tpu.memory_space<vmem_shared>> -> memref<120x128xf32, #tpu.memory_space<vmem_shared>>
      %dma_wait3A_69 = arith.constant 0 : i32
      %dma_wait3A_70 = arith.constant 0 : i32
      %dma_wait3A_71 = tpu.memref_slice %arg7[%dma_wait3A_69, %dma_wait3A_70] : memref<128x128xf32, #tpu.memory_space<vmem>> -> memref<120x128xf32, #tpu.memory_space<vmem>>
      tpu.wait_dma2 semaphore(%run_scoped3A : memref<!tpu.dma_semaphore, #tpu.memory_space<semaphore_mem>>) src(%dma_wait3A_71 : memref<120x128xf32, #tpu.memory_space<vmem>>) dst(%dma_wait3A_68 : memref<120x128xf32, #tpu.memory_space<vmem_shared>>)
      tpu.yield
    }) : () -> ()
    "tpu.region"() ({
      %run_scoped3A = tpu.sem_alloc : memref<!tpu.dma_semaphore, #tpu.memory_space<semaphore_mem>>
      tpu.enqueue_dma source(%arg3 : memref<128x128xf32, #tpu.memory_space<hbm>>) target(%arg7 : memref<128x128xf32, #tpu.memory_space<vmem>>) target_semaphore(%run_scoped3A : memref<!tpu.dma_semaphore, #tpu.memory_space<semaphore_mem>>)
      tpu.wait_dma2 semaphore(%run_scoped3A : memref<!tpu.dma_semaphore, #tpu.memory_space<semaphore_mem>>) src(%arg3 : memref<128x128xf32, #tpu.memory_space<hbm>>) dst(%arg7 : memref<128x128xf32, #tpu.memory_space<vmem>>)
      tpu.yield
    }) : () -> ()
    %barrier3A = arith.constant 0 : index
    tpu.barrier barrier_id(%barrier3A)
    %mul3A_27 = arith.constant 80 : i32
    %mul3A_28 = arith.muli %add3A, %mul3A_27 : i32
    %add3A_29 = arith.constant 0 : i32
    %add3A_30 = arith.addi %mul3A_28, %add3A_29 : i32
    %mul3A_31 = arith.constant 128 : i32
    %mul3A_32 = arith.muli %add3A_30, %mul3A_31 : i32
    %dma_start3A = tpu.memref_slice %arg2[%mul3A_32] : memref<327680xi32, #tpu.memory_space<hbm>> -> memref<128xi32, #tpu.memory_space<hbm>>
    %dma_start3A_33 = tpu.memref_slice %arg2[%mul3A_32] : memref<327680xi32, #tpu.memory_space<hbm>> -> memref<128xi32, #tpu.memory_space<hbm>>
    tpu.enqueue_dma source(%dma_start3A_33 : memref<128xi32, #tpu.memory_space<hbm>>) target(%arg5 : memref<128xi32, #tpu.memory_space<vmem>>) target_semaphore(%arg9 : memref<!tpu.dma_semaphore, #tpu.memory_space<semaphore_mem>>)
    %mul3A_34 = arith.constant 80 : i32
    %mul3A_35 = arith.muli %add3A, %mul3A_34 : i32
    %add3A_36 = arith.constant 1 : i32
    %add3A_37 = arith.addi %mul3A_35, %add3A_36 : i32
    %mul3A_38 = arith.constant 128 : i32
    %mul3A_39 = arith.muli %add3A_37, %mul3A_38 : i32
    %dma_start3A_40 = tpu.memref_slice %arg2[%mul3A_39] : memref<327680xi32, #tpu.memory_space<hbm>> -> memref<128xi32, #tpu.memory_space<hbm>>
    %dma_start3A_41 = tpu.memref_slice %arg2[%mul3A_39] : memref<327680xi32, #tpu.memory_space<hbm>> -> memref<128xi32, #tpu.memory_space<hbm>>
    tpu.enqueue_dma source(%dma_start3A_41 : memref<128xi32, #tpu.memory_space<hbm>>) target(%arg6 : memref<128xi32, #tpu.memory_space<vmem>>) target_semaphore(%arg10 : memref<!tpu.dma_semaphore, #tpu.memory_space<semaphore_mem>>)
    %scan3A_42 = arith.constant 0 : i32
    %scan3A_43 = arith.constant 0 : i32
    %scan3A_44 = arith.constant 40 : i32
    %scan3A_45 = arith.addi %scan3A_43, %scan3A_44 : i32
    %scan3A_46 = arith.constant 1 : i32
    scf.for %scan3A_53 = %scan3A_43 to %scan3A_45 step %scan3A_46  : i32 {
      %mul3A_54 = arith.constant 2 : i32
      %mul3A_55 = arith.muli %mul3A_54, %scan3A_53 : i32
      %add3A_56 = arith.constant 0 : i32
      %add3A_57 = arith.addi %mul3A_55, %add3A_56 : i32
      %lt3A = arith.constant 80 : i32
      %lt3A_58 = arith.cmpi slt, %add3A_57, %lt3A : i32
      %convert_element_type3A = arith.extui %lt3A_58 : i1 to i32
      %cond3A = arith.constant 0 : i32
      %cond3A_59 = arith.cmpi ne, %convert_element_type3A, %cond3A : i32
      scf.if %cond3A_59 {
        %mul3A_69 = arith.constant 80 : i32
        %mul3A_70 = arith.muli %add3A, %mul3A_69 : i32
        %add3A_71 = arith.addi %mul3A_70, %add3A_57 : i32
        %mul3A_72 = arith.constant 128 : i32
        %mul3A_73 = arith.muli %add3A_71, %mul3A_72 : i32
        %dma_wait3A = tpu.memref_slice %arg2[%mul3A_73] : memref<327680xi32, #tpu.memory_space<hbm>> -> memref<128xi32, #tpu.memory_space<hbm>>
        %dma_wait3A_74 = tpu.memref_slice %arg2[%mul3A_73] : memref<327680xi32, #tpu.memory_space<hbm>> -> memref<128xi32, #tpu.memory_space<hbm>>
        tpu.wait_dma2 semaphore(%arg9 : memref<!tpu.dma_semaphore, #tpu.memory_space<semaphore_mem>>) src(%dma_wait3A_74 : memref<128xi32, #tpu.memory_space<hbm>>) dst(%arg5 : memref<128xi32, #tpu.memory_space<vmem>>)
        %dma_start3A_75 = arith.constant 0 : i32
        %dma_start3A_76 = arith.constant 0 : i32
        %dma_start3A_77 = tpu.memref_slice %arg8[%dma_start3A_75, %dma_start3A_76] : memref<10112x128xf32, #tpu.memory_space<vmem_shared>> -> memref<10112x128xf32, #tpu.memory_space<vmem_shared>>
        tpu.enqueue_indirect_dma source(%arg7 : memref<128x128xf32, #tpu.memory_space<vmem>>) target(%dma_start3A_77 : memref<10112x128xf32, #tpu.memory_space<vmem_shared>>) offsets(%arg5 : memref<128xi32, #tpu.memory_space<vmem>>) semaphore(%arg11 : memref<!tpu.dma_semaphore, #tpu.memory_space<semaphore_mem>>) {add = true}
        %add3A_78 = arith.constant 2 : i32
        %add3A_79 = arith.addi %add3A_57, %add3A_78 : i32
        %lt3A_80 = arith.constant 80 : i32
        %lt3A_81 = arith.cmpi slt, %add3A_79, %lt3A_80 : i32
        %convert_element_type3A_82 = arith.extui %lt3A_81 : i1 to i32
        %cond3A_83 = arith.constant 0 : i32
        %cond3A_84 = arith.cmpi ne, %convert_element_type3A_82, %cond3A_83 : i32
        scf.if %cond3A_84 {
          %dma_wait3A_91 = arith.constant 0 : i32
          %dma_wait3A_92 = arith.constant 0 : i32
          %dma_wait3A_93 = tpu.memref_slice %arg8[%dma_wait3A_91, %dma_wait3A_92] : memref<10112x128xf32, #tpu.memory_space<vmem_shared>> -> memref<10112x128xf32, #tpu.memory_space<vmem_shared>>
          tpu.wait_indirect_dma semaphore(%arg11 : memref<!tpu.dma_semaphore, #tpu.memory_space<semaphore_mem>>) src(%arg7 : memref<128x128xf32, #tpu.memory_space<vmem>>) dst(%dma_wait3A_93 : memref<10112x128xf32, #tpu.memory_space<vmem_shared>>)
          %add3A_94 = arith.constant 2 : i32
          %add3A_95 = arith.addi %add3A_57, %add3A_94 : i32
          %mul3A_96 = arith.constant 80 : i32
          %mul3A_97 = arith.muli %add3A, %mul3A_96 : i32
          %add3A_98 = arith.addi %mul3A_97, %add3A_95 : i32
          %mul3A_99 = arith.constant 128 : i32
          %mul3A_100 = arith.muli %add3A_98, %mul3A_99 : i32
          %dma_start3A_101 = tpu.memref_slice %arg2[%mul3A_100] : memref<327680xi32, #tpu.memory_space<hbm>> -> memref<128xi32, #tpu.memory_space<hbm>>
          %dma_start3A_102 = tpu.memref_slice %arg2[%mul3A_100] : memref<327680xi32, #tpu.memory_space<hbm>> -> memref<128xi32, #tpu.memory_space<hbm>>
          tpu.enqueue_dma source(%dma_start3A_102 : memref<128xi32, #tpu.memory_space<hbm>>) target(%arg5 : memref<128xi32, #tpu.memory_space<vmem>>) target_semaphore(%arg9 : memref<!tpu.dma_semaphore, #tpu.memory_space<semaphore_mem>>)
        } else {
        }
        %add3A_85 = arith.constant 2 : i32
        %add3A_86 = arith.addi %add3A_57, %add3A_85 : i32
        %ge3A = arith.constant 80 : i32
        %ge3A_87 = arith.cmpi sge, %add3A_86, %ge3A : i32
        %convert_element_type3A_88 = arith.extui %ge3A_87 : i1 to i32
        %cond3A_89 = arith.constant 0 : i32
        %cond3A_90 = arith.cmpi ne, %convert_element_type3A_88, %cond3A_89 : i32
        scf.if %cond3A_90 {
          %dma_wait3A_91 = arith.constant 0 : i32
          %dma_wait3A_92 = arith.constant 0 : i32
          %dma_wait3A_93 = tpu.memref_slice %arg8[%dma_wait3A_91, %dma_wait3A_92] : memref<10112x128xf32, #tpu.memory_space<vmem_shared>> -> memref<10112x128xf32, #tpu.memory_space<vmem_shared>>
          tpu.wait_indirect_dma semaphore(%arg11 : memref<!tpu.dma_semaphore, #tpu.memory_space<semaphore_mem>>) src(%arg7 : memref<128x128xf32, #tpu.memory_space<vmem>>) dst(%dma_wait3A_93 : memref<10112x128xf32, #tpu.memory_space<vmem_shared>>)
        } else {
        }
      } else {
      }
      %mul3A_60 = arith.constant 2 : i32
      %mul3A_61 = arith.muli %mul3A_60, %scan3A_53 : i32
      %add3A_62 = arith.constant 1 : i32
      %add3A_63 = arith.addi %mul3A_61, %add3A_62 : i32
      %lt3A_64 = arith.constant 80 : i32
      %lt3A_65 = arith.cmpi slt, %add3A_63, %lt3A_64 : i32
      %convert_element_type3A_66 = arith.extui %lt3A_65 : i1 to i32
      %cond3A_67 = arith.constant 0 : i32
      %cond3A_68 = arith.cmpi ne, %convert_element_type3A_66, %cond3A_67 : i32
      scf.if %cond3A_68 {
        %mul3A_69 = arith.constant 80 : i32
        %mul3A_70 = arith.muli %add3A, %mul3A_69 : i32
        %add3A_71 = arith.addi %mul3A_70, %add3A_63 : i32
        %mul3A_72 = arith.constant 128 : i32
        %mul3A_73 = arith.muli %add3A_71, %mul3A_72 : i32
        %dma_wait3A = tpu.memref_slice %arg2[%mul3A_73] : memref<327680xi32, #tpu.memory_space<hbm>> -> memref<128xi32, #tpu.memory_space<hbm>>
        %dma_wait3A_74 = tpu.memref_slice %arg2[%mul3A_73] : memref<327680xi32, #tpu.memory_space<hbm>> -> memref<128xi32, #tpu.memory_space<hbm>>
        tpu.wait_dma2 semaphore(%arg10 : memref<!tpu.dma_semaphore, #tpu.memory_space<semaphore_mem>>) src(%dma_wait3A_74 : memref<128xi32, #tpu.memory_space<hbm>>) dst(%arg6 : memref<128xi32, #tpu.memory_space<vmem>>)
        %dma_start3A_75 = arith.constant 0 : i32
        %dma_start3A_76 = arith.constant 0 : i32
        %dma_start3A_77 = tpu.memref_slice %arg8[%dma_start3A_75, %dma_start3A_76] : memref<10112x128xf32, #tpu.memory_space<vmem_shared>> -> memref<10112x128xf32, #tpu.memory_space<vmem_shared>>
        tpu.enqueue_indirect_dma source(%arg7 : memref<128x128xf32, #tpu.memory_space<vmem>>) target(%dma_start3A_77 : memref<10112x128xf32, #tpu.memory_space<vmem_shared>>) offsets(%arg6 : memref<128xi32, #tpu.memory_space<vmem>>) semaphore(%arg12 : memref<!tpu.dma_semaphore, #tpu.memory_space<semaphore_mem>>) {add = true}
        %add3A_78 = arith.constant 2 : i32
        %add3A_79 = arith.addi %add3A_63, %add3A_78 : i32
        %lt3A_80 = arith.constant 80 : i32
        %lt3A_81 = arith.cmpi slt, %add3A_79, %lt3A_80 : i32
        %convert_element_type3A_82 = arith.extui %lt3A_81 : i1 to i32
        %cond3A_83 = arith.constant 0 : i32
        %cond3A_84 = arith.cmpi ne, %convert_element_type3A_82, %cond3A_83 : i32
        scf.if %cond3A_84 {
          %dma_wait3A_91 = arith.constant 0 : i32
          %dma_wait3A_92 = arith.constant 0 : i32
          %dma_wait3A_93 = tpu.memref_slice %arg8[%dma_wait3A_91, %dma_wait3A_92] : memref<10112x128xf32, #tpu.memory_space<vmem_shared>> -> memref<10112x128xf32, #tpu.memory_space<vmem_shared>>
          tpu.wait_indirect_dma semaphore(%arg12 : memref<!tpu.dma_semaphore, #tpu.memory_space<semaphore_mem>>) src(%arg7 : memref<128x128xf32, #tpu.memory_space<vmem>>) dst(%dma_wait3A_93 : memref<10112x128xf32, #tpu.memory_space<vmem_shared>>)
          %add3A_94 = arith.constant 2 : i32
          %add3A_95 = arith.addi %add3A_63, %add3A_94 : i32
          %mul3A_96 = arith.constant 80 : i32
          %mul3A_97 = arith.muli %add3A, %mul3A_96 : i32
          %add3A_98 = arith.addi %mul3A_97, %add3A_95 : i32
          %mul3A_99 = arith.constant 128 : i32
          %mul3A_100 = arith.muli %add3A_98, %mul3A_99 : i32
          %dma_start3A_101 = tpu.memref_slice %arg2[%mul3A_100] : memref<327680xi32, #tpu.memory_space<hbm>> -> memref<128xi32, #tpu.memory_space<hbm>>
          %dma_start3A_102 = tpu.memref_slice %arg2[%mul3A_100] : memref<327680xi32, #tpu.memory_space<hbm>> -> memref<128xi32, #tpu.memory_space<hbm>>
          tpu.enqueue_dma source(%dma_start3A_102 : memref<128xi32, #tpu.memory_space<hbm>>) target(%arg6 : memref<128xi32, #tpu.memory_space<vmem>>) target_semaphore(%arg10 : memref<!tpu.dma_semaphore, #tpu.memory_space<semaphore_mem>>)
        } else {
        }
        %add3A_85 = arith.constant 2 : i32
        %add3A_86 = arith.addi %add3A_63, %add3A_85 : i32
        %ge3A = arith.constant 80 : i32
        %ge3A_87 = arith.cmpi sge, %add3A_86, %ge3A : i32
        %convert_element_type3A_88 = arith.extui %ge3A_87 : i1 to i32
        %cond3A_89 = arith.constant 0 : i32
        %cond3A_90 = arith.cmpi ne, %convert_element_type3A_88, %cond3A_89 : i32
        scf.if %cond3A_90 {
          %dma_wait3A_91 = arith.constant 0 : i32
          %dma_wait3A_92 = arith.constant 0 : i32
          %dma_wait3A_93 = tpu.memref_slice %arg8[%dma_wait3A_91, %dma_wait3A_92] : memref<10112x128xf32, #tpu.memory_space<vmem_shared>> -> memref<10112x128xf32, #tpu.memory_space<vmem_shared>>
          tpu.wait_indirect_dma semaphore(%arg12 : memref<!tpu.dma_semaphore, #tpu.memory_space<semaphore_mem>>) src(%arg7 : memref<128x128xf32, #tpu.memory_space<vmem>>) dst(%dma_wait3A_93 : memref<10112x128xf32, #tpu.memory_space<vmem_shared>>)
        } else {
        }
      } else {
      }
    }
    %scan3A_47 = arith.constant 40 : i32
    %barrier3A_48 = arith.constant 0 : index
    tpu.barrier barrier_id(%barrier3A_48)
    %mul3A_49 = arith.constant 632 : i32
    %mul3A_50 = arith.muli %arg1, %mul3A_49 : i32
    %mul3A_51 = arith.constant 632 : i32
    %mul3A_52 = arith.muli %arg1, %mul3A_51 : i32
    "tpu.region"() ({
      %run_scoped3A = tpu.sem_alloc : memref<!tpu.dma_semaphore, #tpu.memory_space<semaphore_mem>>
      %dma_start3A_53 = arith.constant 0 : i32
      %dma_start3A_54 = tpu.memref_slice %arg4[%arg0, %mul3A_52, %dma_start3A_53] : memref<2x10112x128xf32, #tpu.memory_space<hbm>> -> memref<1x632x128xf32, #tpu.memory_space<hbm>>
      %dma_start3A_55 = tpu.memref_squeeze %dma_start3A_54 : memref<1x632x128xf32, #tpu.memory_space<hbm>> -> memref<632x128xf32, #tpu.memory_space<hbm>>
      %dma_start3A_56 = arith.constant 0 : i32
      %dma_start3A_57 = tpu.memref_slice %arg8[%mul3A_50, %dma_start3A_56] : memref<10112x128xf32, #tpu.memory_space<vmem_shared>> -> memref<632x128xf32, #tpu.memory_space<vmem_shared>>
      tpu.enqueue_dma source(%dma_start3A_57 : memref<632x128xf32, #tpu.memory_space<vmem_shared>>) target(%dma_start3A_55 : memref<632x128xf32, #tpu.memory_space<hbm>>) target_semaphore(%run_scoped3A : memref<!tpu.dma_semaphore, #tpu.memory_space<semaphore_mem>>)
      %dma_wait3A = arith.constant 0 : i32
      %dma_wait3A_58 = tpu.memref_slice %arg4[%arg0, %mul3A_52, %dma_wait3A] : memref<2x10112x128xf32, #tpu.memory_space<hbm>> -> memref<1x632x128xf32, #tpu.memory_space<hbm>>
      %dma_wait3A_59 = tpu.memref_squeeze %dma_wait3A_58 : memref<1x632x128xf32, #tpu.memory_space<hbm>> -> memref<632x128xf32, #tpu.memory_space<hbm>>
      %dma_wait3A_60 = arith.constant 0 : i32
      %dma_wait3A_61 = tpu.memref_slice %arg8[%mul3A_50, %dma_wait3A_60] : memref<10112x128xf32, #tpu.memory_space<vmem_shared>> -> memref<632x128xf32, #tpu.memory_space<vmem_shared>>
      tpu.wait_dma2 semaphore(%run_scoped3A : memref<!tpu.dma_semaphore, #tpu.memory_space<semaphore_mem>>) src(%dma_wait3A_61 : memref<632x128xf32, #tpu.memory_space<vmem_shared>>) dst(%dma_wait3A_59 : memref<632x128xf32, #tpu.memory_space<hbm>>)
      tpu.yield
    }) : () -> ()
    return
  }
}

module attributes {stable_mosaic.version = 14 : i64} {
  func.func @body(%arg0: i32, %arg1: memref<2x2000x128xf32, #tpu.memory_space<vmem>>, %arg2: memref<2x2000x128xf32, #tpu.memory_space<vmem>>, %arg3: memref<2000x128xf32, #tpu.memory_space<vmem>>, %arg4: memref<128x128xf32, #tpu.memory_space<vmem>>, %arg5: memref<1x128xf32, #tpu.memory_space<vmem>>, %arg6: memref<128x128xf32, #tpu.memory_space<vmem>>, %arg7: memref<1x128xf32, #tpu.memory_space<vmem>>, %arg8: memref<1x128xf32, #tpu.memory_space<vmem>>, %arg9: memref<10000x128xf32, #tpu.memory_space<vmem>>, %arg10: memref<10000x16xf32, #tpu.memory_space<vmem>>, %arg11: memref<10000x128xf32, #tpu.memory_space<vmem>>, %arg12: memref<8x128xf32, #tpu.memory_space<vmem>>, %arg13: memref<10000x16xf32, #tpu.memory_space<vmem>>) attributes {dimension_semantics = [#tpu.dimension_semantics<arbitrary>], iteration_bounds = array<i64: 6>, scalar_prefetch = 0 : i64, scratch_operands = 3 : i64, tpu.core_type = #tpu.core_type<tc>, window_params = [{transform_indices = @transform_0, window_bounds = array<i64: 2, 2000, 128>}, {transform_indices = @transform_1, window_bounds = array<i64: 2, 2000, 128>}, {transform_indices = @transform_2, window_bounds = array<i64: 2000, 128>}, {pipeline_mode = #tpu.pipeline_mode<synchronous>, transform_indices = @transform_3, window_bounds = array<i64: 128, 128>}, {pipeline_mode = #tpu.pipeline_mode<synchronous>, transform_indices = @transform_4, window_bounds = array<i64: 1, 128>}, {pipeline_mode = #tpu.pipeline_mode<synchronous>, transform_indices = @transform_5, window_bounds = array<i64: 128, 128>}, {pipeline_mode = #tpu.pipeline_mode<synchronous>, transform_indices = @transform_6, window_bounds = array<i64: 1, 128>}, {pipeline_mode = #tpu.pipeline_mode<synchronous>, transform_indices = @transform_7, window_bounds = array<i64: 1, 128>}, {pipeline_mode = #tpu.pipeline_mode<synchronous>, transform_indices = @transform_8, window_bounds = array<i64: 10000, 128>}, {pipeline_mode = #tpu.pipeline_mode<synchronous>, transform_indices = @transform_9, window_bounds = array<i64: 10000, 16>}]} {
    %lt3A = arith.constant 5 : i32
    %lt3A_0 = arith.cmpi slt, %arg0, %lt3A : i32
    %convert_element_type3A = arith.extui %lt3A_0 : i1 to i32
    %cond3A = arith.constant 0 : i32
    %cond3A_1 = arith.cmpi ne, %convert_element_type3A, %cond3A : i32
    scf.if %cond3A_1 {
      %get3A = arith.constant 0 : index
      %get3A_6 = arith.constant 0 : index
      %get3A_7 = arith.constant 0 : index
      %get3A_8 = vector.load %arg2[%get3A, %get3A_6, %get3A_7] : memref<2x2000x128xf32, #tpu.memory_space<vmem>>, vector<1x2000x128xf32>
      %get3A_9 = vector.shape_cast %get3A_8 : vector<1x2000x128xf32> to vector<2000x128xf32>
      %get3A_10 = arith.constant 1 : index
      %get3A_11 = arith.constant 0 : index
      %get3A_12 = arith.constant 0 : index
      %get3A_13 = vector.load %arg2[%get3A_10, %get3A_11, %get3A_12] : memref<2x2000x128xf32, #tpu.memory_space<vmem>>, vector<1x2000x128xf32>
      %get3A_14 = vector.shape_cast %get3A_13 : vector<1x2000x128xf32> to vector<2000x128xf32>
      %add3A = arith.addf %get3A_9, %get3A_14 : vector<2000x128xf32>
      %slice3A = vector.extract_strided_slice %add3A {offsets = [0, 0], sizes = [2000, 16], strides = [1, 1]} : vector<2000x128xf32> to vector<2000x16xf32>
      %max3A = arith.constant 1.000000e+00 : f32
      %max3A_15 = vector.broadcast %max3A : f32 to vector<2000x16xf32>
      %max3A_16 = arith.maximumf %slice3A, %max3A_15 : vector<2000x16xf32>
      %div3A = arith.constant 1.000000e+00 : f32
      %div3A_17 = vector.broadcast %div3A : f32 to vector<2000x16xf32>
      %div3A_18 = arith.divf %div3A_17, %max3A_16 : vector<2000x16xf32>
      %mul3A = arith.constant 2000 : i32
      %mul3A_19 = arith.muli %arg0, %mul3A : i32
      %swap3A = arith.index_cast %mul3A_19 : i32 to index
      %swap3A_20 = arith.constant 0 : index
      %swap3A_21 = vector.load %arg13[%swap3A, %swap3A_20] : memref<10000x16xf32, #tpu.memory_space<vmem>>, vector<2000x16xf32>
      tpu.vector_store %arg13[%swap3A, %swap3A_20], %div3A_18 {strides = array<i32>} : memref<10000x16xf32, #tpu.memory_space<vmem>>, vector<2000x16xf32>,
      %get3A_22 = arith.constant 0 : index
      %get3A_23 = arith.constant 0 : index
      %get3A_24 = arith.constant 0 : index
      %get3A_25 = vector.load %arg1[%get3A_22, %get3A_23, %get3A_24] : memref<2x2000x128xf32, #tpu.memory_space<vmem>>, vector<1x2000x128xf32>
      %get3A_26 = vector.shape_cast %get3A_25 : vector<1x2000x128xf32> to vector<2000x128xf32>
      %get3A_27 = arith.constant 1 : index
      %get3A_28 = arith.constant 0 : index
      %get3A_29 = arith.constant 0 : index
      %get3A_30 = vector.load %arg1[%get3A_27, %get3A_28, %get3A_29] : memref<2x2000x128xf32, #tpu.memory_space<vmem>>, vector<1x2000x128xf32>
      %get3A_31 = vector.shape_cast %get3A_30 : vector<1x2000x128xf32> to vector<2000x128xf32>
      %add3A_32 = arith.addf %get3A_26, %get3A_31 : vector<2000x128xf32>
      %slice3A_33 = vector.extract_strided_slice %div3A_18 {offsets = [0, 0], sizes = [2000, 1], strides = [1, 1]} : vector<2000x16xf32> to vector<2000x1xf32>
      %mul3A_34 = vector.broadcast %slice3A_33 : vector<2000x1xf32> to vector<2000x128xf32>
      %mul3A_35 = arith.mulf %add3A_32, %mul3A_34 : vector<2000x128xf32>
      %get3A_36 = arith.constant 0 : index
      %get3A_37 = arith.constant 0 : index
      %get3A_38 = vector.load %arg4[%get3A_36, %get3A_37] : memref<128x128xf32, #tpu.memory_space<vmem>>, vector<128x128xf32>
      %dot_general3A = arith.constant dense<0.000000e+00> : vector<2000x128xf32>
      %dot_general3A_39 = tpu.matmul %mul3A_35, %get3A_38, %dot_general3A {dimension_numbers = #tpu.dot_dimension_numbers<[1], [1], [0], [0], [0, 0, 1, 0], [], []>, precision = #tpu.contract_precision<fp32>, transpose_lhs_hint = false} : vector<2000x128xf32>, vector<128x128xf32>, vector<2000x128xf32> -> vector<2000x128xf32>
      %get3A_40 = arith.constant 0 : index
      %get3A_41 = arith.constant 0 : index
      %get3A_42 = vector.load %arg5[%get3A_40, %get3A_41] : memref<1x128xf32, #tpu.memory_space<vmem>>, vector<1x128xf32>
      %add3A_43 = vector.broadcast %get3A_42 : vector<1x128xf32> to vector<2000x128xf32>
      %add3A_44 = arith.addf %dot_general3A_39, %add3A_43 : vector<2000x128xf32>
      %get3A_45 = arith.constant 0 : index
      %get3A_46 = arith.constant 0 : index
      %get3A_47 = vector.load %arg3[%get3A_45, %get3A_46] : memref<2000x128xf32, #tpu.memory_space<vmem>>, vector<2000x128xf32>
      %get3A_48 = arith.constant 0 : index
      %get3A_49 = arith.constant 0 : index
      %get3A_50 = vector.load %arg6[%get3A_48, %get3A_49] : memref<128x128xf32, #tpu.memory_space<vmem>>, vector<128x128xf32>
      %dot_general3A_51 = arith.constant dense<0.000000e+00> : vector<2000x128xf32>
      %dot_general3A_52 = tpu.matmul %get3A_47, %get3A_50, %dot_general3A_51 {dimension_numbers = #tpu.dot_dimension_numbers<[1], [1], [0], [0], [0, 0, 1, 0], [], []>, precision = #tpu.contract_precision<fp32>, transpose_lhs_hint = false} : vector<2000x128xf32>, vector<128x128xf32>, vector<2000x128xf32> -> vector<2000x128xf32>
      %add3A_53 = arith.addf %add3A_44, %dot_general3A_52 : vector<2000x128xf32>
      %mul3A_54 = arith.constant 2000 : i32
      %mul3A_55 = arith.muli %arg0, %mul3A_54 : i32
      %swap3A_56 = arith.index_cast %mul3A_55 : i32 to index
      %swap3A_57 = arith.constant 0 : index
      %swap3A_58 = vector.load %arg11[%swap3A_56, %swap3A_57] : memref<10000x128xf32, #tpu.memory_space<vmem>>, vector<2000x128xf32>
      tpu.vector_store %arg11[%swap3A_56, %swap3A_57], %add3A_53 {strides = array<i32>} : memref<10000x128xf32, #tpu.memory_space<vmem>>, vector<2000x128xf32>,
      %reduce_sum3A = arith.constant dense<0.000000e+00> : vector<128xf32>
      %reduce_sum3A_59 = vector.multi_reduction <add>, %add3A_53, %reduce_sum3A [0] : vector<2000x128xf32> to vector<128xf32>
      %broadcast_in_dim3A = vector.shape_cast %reduce_sum3A_59 : vector<128xf32> to vector<1x128xf32>
      %eq3A_60 = arith.constant 0 : i32
      %eq3A_61 = arith.cmpi eq, %arg0, %eq3A_60 : i32
      %convert_element_type3A_62 = arith.extui %eq3A_61 : i1 to i32
      %cond3A_63 = arith.constant 0 : i32
      %cond3A_64 = arith.cmpi ne, %convert_element_type3A_62, %cond3A_63 : i32
      scf.if %cond3A_64 {
        %swap3A_69 = arith.constant 0 : index
        %swap3A_70 = arith.constant 0 : index
        %swap3A_71 = vector.load %arg12[%swap3A_69, %swap3A_70] : memref<8x128xf32, #tpu.memory_space<vmem>>, vector<1x128xf32>
        tpu.vector_store %arg12[%swap3A_69, %swap3A_70], %broadcast_in_dim3A {strides = array<i32>} : memref<8x128xf32, #tpu.memory_space<vmem>>, vector<1x128xf32>,
      } else {
      }
      %gt3A = arith.constant 0 : i32
      %gt3A_65 = arith.cmpi sgt, %arg0, %gt3A : i32
      %convert_element_type3A_66 = arith.extui %gt3A_65 : i1 to i32
      %cond3A_67 = arith.constant 0 : i32
      %cond3A_68 = arith.cmpi ne, %convert_element_type3A_66, %cond3A_67 : i32
      scf.if %cond3A_68 {
        %get3A_69 = arith.constant 0 : index
        %get3A_70 = arith.constant 0 : index
        %get3A_71 = vector.load %arg12[%get3A_69, %get3A_70] : memref<8x128xf32, #tpu.memory_space<vmem>>, vector<1x128xf32>
        %add3A_72 = arith.addf %get3A_71, %broadcast_in_dim3A : vector<1x128xf32>
        %swap3A_73 = arith.constant 0 : index
        %swap3A_74 = arith.constant 0 : index
        %swap3A_75 = vector.load %arg12[%swap3A_73, %swap3A_74] : memref<8x128xf32, #tpu.memory_space<vmem>>, vector<1x128xf32>
        tpu.vector_store %arg12[%swap3A_73, %swap3A_74], %add3A_72 {strides = array<i32>} : memref<8x128xf32, #tpu.memory_space<vmem>>, vector<1x128xf32>,
      } else {
      }
    } else {
    }
    %eq3A = arith.constant 5 : i32
    %eq3A_2 = arith.cmpi eq, %arg0, %eq3A : i32
    %convert_element_type3A_3 = arith.extui %eq3A_2 : i1 to i32
    %cond3A_4 = arith.constant 0 : i32
    %cond3A_5 = arith.cmpi ne, %convert_element_type3A_3, %cond3A_4 : i32
    scf.if %cond3A_5 {
      %get3A = arith.constant 0 : index
      %get3A_6 = arith.constant 0 : index
      %get3A_7 = vector.load %arg12[%get3A, %get3A_6] : memref<8x128xf32, #tpu.memory_space<vmem>>, vector<1x128xf32>
      %div3A = arith.constant 1.000000e+04 : f32
      %div3A_8 = vector.broadcast %div3A : f32 to vector<1x128xf32>
      %div3A_9 = arith.divf %get3A_7, %div3A_8 : vector<1x128xf32>
      %get3A_10 = arith.constant 0 : index
      %get3A_11 = arith.constant 0 : index
      %get3A_12 = vector.load %arg11[%get3A_10, %get3A_11] : memref<10000x128xf32, #tpu.memory_space<vmem>>, vector<10000x128xf32>
      %sub3A = vector.broadcast %div3A_9 : vector<1x128xf32> to vector<10000x128xf32>
      %sub3A_13 = arith.subf %get3A_12, %sub3A : vector<10000x128xf32>
      %mul3A = arith.mulf %sub3A_13, %sub3A_13 : vector<10000x128xf32>
      %reduce_sum3A = arith.constant dense<0.000000e+00> : vector<128xf32>
      %reduce_sum3A_14 = vector.multi_reduction <add>, %mul3A, %reduce_sum3A [0] : vector<10000x128xf32> to vector<128xf32>
      %broadcast_in_dim3A = vector.shape_cast %reduce_sum3A_14 : vector<128xf32> to vector<1x128xf32>
      %div3A_15 = arith.constant 1.000000e+04 : f32
      %div3A_16 = vector.broadcast %div3A_15 : f32 to vector<1x128xf32>
      %div3A_17 = arith.divf %broadcast_in_dim3A, %div3A_16 : vector<1x128xf32>
      %add3A = arith.constant 9.99999974E-6 : f32
      %add3A_18 = vector.broadcast %add3A : f32 to vector<1x128xf32>
      %add3A_19 = arith.addf %div3A_17, %add3A_18 : vector<1x128xf32>
      %rsqrt3A = math.rsqrt %add3A_19 : vector<1x128xf32>
      %get3A_20 = arith.constant 0 : index
      %get3A_21 = arith.constant 0 : index
      %get3A_22 = vector.load %arg7[%get3A_20, %get3A_21] : memref<1x128xf32, #tpu.memory_space<vmem>>, vector<1x128xf32>
      %mul3A_23 = arith.mulf %rsqrt3A, %get3A_22 : vector<1x128xf32>
      %mul3A_24 = vector.broadcast %mul3A_23 : vector<1x128xf32> to vector<10000x128xf32>
      %mul3A_25 = arith.mulf %sub3A_13, %mul3A_24 : vector<10000x128xf32>
      %get3A_26 = arith.constant 0 : index
      %get3A_27 = arith.constant 0 : index
      %get3A_28 = vector.load %arg8[%get3A_26, %get3A_27] : memref<1x128xf32, #tpu.memory_space<vmem>>, vector<1x128xf32>
      %add3A_29 = vector.broadcast %get3A_28 : vector<1x128xf32> to vector<10000x128xf32>
      %add3A_30 = arith.addf %mul3A_25, %add3A_29 : vector<10000x128xf32>
      %max3A = arith.constant 0.000000e+00 : f32
      %max3A_31 = vector.broadcast %max3A : f32 to vector<10000x128xf32>
      %max3A_32 = arith.maximumf %add3A_30, %max3A_31 : vector<10000x128xf32>
      %swap3A = arith.constant 0 : index
      %swap3A_33 = arith.constant 0 : index
      %swap3A_34 = vector.load %arg9[%swap3A, %swap3A_33] : memref<10000x128xf32, #tpu.memory_space<vmem>>, vector<10000x128xf32>
      tpu.vector_store %arg9[%swap3A, %swap3A_33], %max3A_32 {strides = array<i32>} : memref<10000x128xf32, #tpu.memory_space<vmem>>, vector<10000x128xf32>,
      %get3A_35 = arith.constant 0 : index
      %get3A_36 = arith.constant 0 : index
      %get3A_37 = vector.load %arg13[%get3A_35, %get3A_36] : memref<10000x16xf32, #tpu.memory_space<vmem>>, vector<10000x16xf32>
      %swap3A_38 = arith.constant 0 : index
      %swap3A_39 = arith.constant 0 : index
      %swap3A_40 = vector.load %arg10[%swap3A_38, %swap3A_39] : memref<10000x16xf32, #tpu.memory_space<vmem>>, vector<10000x16xf32>
      tpu.vector_store %arg10[%swap3A_38, %swap3A_39], %get3A_37 {strides = array<i32>} : memref<10000x16xf32, #tpu.memory_space<vmem>>, vector<10000x16xf32>,
    } else {
    }
    return
  }
  func.func @transform_0(%arg0: i32) -> (i32, i32, i32) {
    %min3A = arith.constant 4 : i32
    %min3A_0 = arith.minsi %arg0, %min3A : i32
    %c0_i32 = arith.constant 0 : i32
    %c0_i32_1 = arith.constant 0 : i32
    %c0_i32_2 = arith.constant 0 : i32
    return %c0_i32, %min3A_0, %c0_i32_1 : i32, i32, i32
  }
  func.func @transform_1(%arg0: i32) -> (i32, i32, i32) {
    %min3A = arith.constant 4 : i32
    %min3A_0 = arith.minsi %arg0, %min3A : i32
    %c0_i32 = arith.constant 0 : i32
    %c0_i32_1 = arith.constant 0 : i32
    %c0_i32_2 = arith.constant 0 : i32
    return %c0_i32, %min3A_0, %c0_i32_1 : i32, i32, i32
  }
  func.func @transform_2(%arg0: i32) -> (i32, i32) {
    %min3A = arith.constant 4 : i32
    %min3A_0 = arith.minsi %arg0, %min3A : i32
    %c0_i32 = arith.constant 0 : i32
    %c0_i32_1 = arith.constant 0 : i32
    return %min3A_0, %c0_i32 : i32, i32
  }
  func.func @transform_3(%arg0: i32) -> (i32, i32) {
    %c0_i32 = arith.constant 0 : i32
    %c0_i32_0 = arith.constant 0 : i32
    %c0_i32_1 = arith.constant 0 : i32
    return %c0_i32, %c0_i32_0 : i32, i32
  }
  func.func @transform_4(%arg0: i32) -> (i32, i32) {
    %c0_i32 = arith.constant 0 : i32
    %c0_i32_0 = arith.constant 0 : i32
    %c0_i32_1 = arith.constant 0 : i32
    return %c0_i32, %c0_i32_0 : i32, i32
  }
  func.func @transform_5(%arg0: i32) -> (i32, i32) {
    %c0_i32 = arith.constant 0 : i32
    %c0_i32_0 = arith.constant 0 : i32
    %c0_i32_1 = arith.constant 0 : i32
    return %c0_i32, %c0_i32_0 : i32, i32
  }
  func.func @transform_6(%arg0: i32) -> (i32, i32) {
    %c0_i32 = arith.constant 0 : i32
    %c0_i32_0 = arith.constant 0 : i32
    %c0_i32_1 = arith.constant 0 : i32
    return %c0_i32, %c0_i32_0 : i32, i32
  }
  func.func @transform_7(%arg0: i32) -> (i32, i32) {
    %c0_i32 = arith.constant 0 : i32
    %c0_i32_0 = arith.constant 0 : i32
    %c0_i32_1 = arith.constant 0 : i32
    return %c0_i32, %c0_i32_0 : i32, i32
  }
  func.func @transform_8(%arg0: i32) -> (i32, i32) {
    %c0_i32 = arith.constant 0 : i32
    %c0_i32_0 = arith.constant 0 : i32
    %c0_i32_1 = arith.constant 0 : i32
    return %c0_i32, %c0_i32_0 : i32, i32
  }
  func.func @transform_9(%arg0: i32) -> (i32, i32) {
    %c0_i32 = arith.constant 0 : i32
    %c0_i32_0 = arith.constant 0 : i32
    %c0_i32_1 = arith.constant 0 : i32
    return %c0_i32, %c0_i32_0 : i32, i32
  }
}

module attributes {stable_mosaic.version = 14 : i64} {
  func.func @body(%arg0: i32, %arg1: memref<2x2000x128xf32, #tpu.memory_space<vmem>>, %arg2: memref<2000x16xf32, #tpu.memory_space<vmem>>, %arg3: memref<2000x128xf32, #tpu.memory_space<vmem>>, %arg4: memref<128x128xf32, #tpu.memory_space<vmem>>, %arg5: memref<1x128xf32, #tpu.memory_space<vmem>>, %arg6: memref<128x128xf32, #tpu.memory_space<vmem>>, %arg7: memref<1x128xf32, #tpu.memory_space<vmem>>, %arg8: memref<1x128xf32, #tpu.memory_space<vmem>>, %arg9: memref<10000x128xf32, #tpu.memory_space<vmem>>, %arg10: memref<10000x128xf32, #tpu.memory_space<vmem>>, %arg11: memref<8x128xf32, #tpu.memory_space<vmem>>, %arg12: memref<10000x16xf32, #tpu.memory_space<vmem>>) attributes {dimension_semantics = [#tpu.dimension_semantics<arbitrary>], iteration_bounds = array<i64: 6>, scalar_prefetch = 0 : i64, scratch_operands = 3 : i64, tpu.core_type = #tpu.core_type<tc>, window_params = [{transform_indices = @transform_0, window_bounds = array<i64: 2, 2000, 128>}, {transform_indices = @transform_1, window_bounds = array<i64: 2000, 16>}, {transform_indices = @transform_2, window_bounds = array<i64: 2000, 128>}, {pipeline_mode = #tpu.pipeline_mode<synchronous>, transform_indices = @transform_3, window_bounds = array<i64: 128, 128>}, {pipeline_mode = #tpu.pipeline_mode<synchronous>, transform_indices = @transform_4, window_bounds = array<i64: 1, 128>}, {pipeline_mode = #tpu.pipeline_mode<synchronous>, transform_indices = @transform_5, window_bounds = array<i64: 128, 128>}, {pipeline_mode = #tpu.pipeline_mode<synchronous>, transform_indices = @transform_6, window_bounds = array<i64: 1, 128>}, {pipeline_mode = #tpu.pipeline_mode<synchronous>, transform_indices = @transform_7, window_bounds = array<i64: 1, 128>}, {pipeline_mode = #tpu.pipeline_mode<synchronous>, transform_indices = @transform_8, window_bounds = array<i64: 10000, 128>}]} {
    %lt3A = arith.constant 5 : i32
    %lt3A_0 = arith.cmpi slt, %arg0, %lt3A : i32
    %convert_element_type3A = arith.extui %lt3A_0 : i1 to i32
    %cond3A = arith.constant 0 : i32
    %cond3A_1 = arith.cmpi ne, %convert_element_type3A, %cond3A : i32
    scf.if %cond3A_1 {
      %get3A = arith.constant 0 : index
      %get3A_6 = arith.constant 0 : index
      %get3A_7 = vector.load %arg2[%get3A, %get3A_6] : memref<2000x16xf32, #tpu.memory_space<vmem>>, vector<2000x16xf32>
      %get3A_8 = arith.constant 0 : index
      %get3A_9 = arith.constant 0 : index
      %get3A_10 = arith.constant 0 : index
      %get3A_11 = vector.load %arg1[%get3A_8, %get3A_9, %get3A_10] : memref<2x2000x128xf32, #tpu.memory_space<vmem>>, vector<1x2000x128xf32>
      %get3A_12 = vector.shape_cast %get3A_11 : vector<1x2000x128xf32> to vector<2000x128xf32>
      %get3A_13 = arith.constant 1 : index
      %get3A_14 = arith.constant 0 : index
      %get3A_15 = arith.constant 0 : index
      %get3A_16 = vector.load %arg1[%get3A_13, %get3A_14, %get3A_15] : memref<2x2000x128xf32, #tpu.memory_space<vmem>>, vector<1x2000x128xf32>
      %get3A_17 = vector.shape_cast %get3A_16 : vector<1x2000x128xf32> to vector<2000x128xf32>
      %add3A = arith.addf %get3A_12, %get3A_17 : vector<2000x128xf32>
      %slice3A = vector.extract_strided_slice %get3A_7 {offsets = [0, 0], sizes = [2000, 1], strides = [1, 1]} : vector<2000x16xf32> to vector<2000x1xf32>
      %mul3A = vector.broadcast %slice3A : vector<2000x1xf32> to vector<2000x128xf32>
      %mul3A_18 = arith.mulf %add3A, %mul3A : vector<2000x128xf32>
      %get3A_19 = arith.constant 0 : index
      %get3A_20 = arith.constant 0 : index
      %get3A_21 = vector.load %arg4[%get3A_19, %get3A_20] : memref<128x128xf32, #tpu.memory_space<vmem>>, vector<128x128xf32>
      %dot_general3A = arith.constant dense<0.000000e+00> : vector<2000x128xf32>
      %dot_general3A_22 = tpu.matmul %mul3A_18, %get3A_21, %dot_general3A {dimension_numbers = #tpu.dot_dimension_numbers<[1], [1], [0], [0], [0, 0, 1, 0], [], []>, precision = #tpu.contract_precision<fp32>, transpose_lhs_hint = false} : vector<2000x128xf32>, vector<128x128xf32>, vector<2000x128xf32> -> vector<2000x128xf32>
      %get3A_23 = arith.constant 0 : index
      %get3A_24 = arith.constant 0 : index
      %get3A_25 = vector.load %arg5[%get3A_23, %get3A_24] : memref<1x128xf32, #tpu.memory_space<vmem>>, vector<1x128xf32>
      %add3A_26 = vector.broadcast %get3A_25 : vector<1x128xf32> to vector<2000x128xf32>
      %add3A_27 = arith.addf %dot_general3A_22, %add3A_26 : vector<2000x128xf32>
      %get3A_28 = arith.constant 0 : index
      %get3A_29 = arith.constant 0 : index
      %get3A_30 = vector.load %arg3[%get3A_28, %get3A_29] : memref<2000x128xf32, #tpu.memory_space<vmem>>, vector<2000x128xf32>
      %get3A_31 = arith.constant 0 : index
      %get3A_32 = arith.constant 0 : index
      %get3A_33 = vector.load %arg6[%get3A_31, %get3A_32] : memref<128x128xf32, #tpu.memory_space<vmem>>, vector<128x128xf32>
      %dot_general3A_34 = arith.constant dense<0.000000e+00> : vector<2000x128xf32>
      %dot_general3A_35 = tpu.matmul %get3A_30, %get3A_33, %dot_general3A_34 {dimension_numbers = #tpu.dot_dimension_numbers<[1], [1], [0], [0], [0, 0, 1, 0], [], []>, precision = #tpu.contract_precision<fp32>, transpose_lhs_hint = false} : vector<2000x128xf32>, vector<128x128xf32>, vector<2000x128xf32> -> vector<2000x128xf32>
      %add3A_36 = arith.addf %add3A_27, %dot_general3A_35 : vector<2000x128xf32>
      %mul3A_37 = arith.constant 2000 : i32
      %mul3A_38 = arith.muli %arg0, %mul3A_37 : i32
      %swap3A = arith.index_cast %mul3A_38 : i32 to index
      %swap3A_39 = arith.constant 0 : index
      %swap3A_40 = vector.load %arg10[%swap3A, %swap3A_39] : memref<10000x128xf32, #tpu.memory_space<vmem>>, vector<2000x128xf32>
      tpu.vector_store %arg10[%swap3A, %swap3A_39], %add3A_36 {strides = array<i32>} : memref<10000x128xf32, #tpu.memory_space<vmem>>, vector<2000x128xf32>,
      %reduce_sum3A = arith.constant dense<0.000000e+00> : vector<128xf32>
      %reduce_sum3A_41 = vector.multi_reduction <add>, %add3A_36, %reduce_sum3A [0] : vector<2000x128xf32> to vector<128xf32>
      %broadcast_in_dim3A = vector.shape_cast %reduce_sum3A_41 : vector<128xf32> to vector<1x128xf32>
      %eq3A_42 = arith.constant 0 : i32
      %eq3A_43 = arith.cmpi eq, %arg0, %eq3A_42 : i32
      %convert_element_type3A_44 = arith.extui %eq3A_43 : i1 to i32
      %cond3A_45 = arith.constant 0 : i32
      %cond3A_46 = arith.cmpi ne, %convert_element_type3A_44, %cond3A_45 : i32
      scf.if %cond3A_46 {
        %swap3A_51 = arith.constant 0 : index
        %swap3A_52 = arith.constant 0 : index
        %swap3A_53 = vector.load %arg11[%swap3A_51, %swap3A_52] : memref<8x128xf32, #tpu.memory_space<vmem>>, vector<1x128xf32>
        tpu.vector_store %arg11[%swap3A_51, %swap3A_52], %broadcast_in_dim3A {strides = array<i32>} : memref<8x128xf32, #tpu.memory_space<vmem>>, vector<1x128xf32>,
      } else {
      }
      %gt3A = arith.constant 0 : i32
      %gt3A_47 = arith.cmpi sgt, %arg0, %gt3A : i32
      %convert_element_type3A_48 = arith.extui %gt3A_47 : i1 to i32
      %cond3A_49 = arith.constant 0 : i32
      %cond3A_50 = arith.cmpi ne, %convert_element_type3A_48, %cond3A_49 : i32
      scf.if %cond3A_50 {
        %get3A_51 = arith.constant 0 : index
        %get3A_52 = arith.constant 0 : index
        %get3A_53 = vector.load %arg11[%get3A_51, %get3A_52] : memref<8x128xf32, #tpu.memory_space<vmem>>, vector<1x128xf32>
        %add3A_54 = arith.addf %get3A_53, %broadcast_in_dim3A : vector<1x128xf32>
        %swap3A_55 = arith.constant 0 : index
        %swap3A_56 = arith.constant 0 : index
        %swap3A_57 = vector.load %arg11[%swap3A_55, %swap3A_56] : memref<8x128xf32, #tpu.memory_space<vmem>>, vector<1x128xf32>
        tpu.vector_store %arg11[%swap3A_55, %swap3A_56], %add3A_54 {strides = array<i32>} : memref<8x128xf32, #tpu.memory_space<vmem>>, vector<1x128xf32>,
      } else {
      }
    } else {
    }
    %eq3A = arith.constant 5 : i32
    %eq3A_2 = arith.cmpi eq, %arg0, %eq3A : i32
    %convert_element_type3A_3 = arith.extui %eq3A_2 : i1 to i32
    %cond3A_4 = arith.constant 0 : i32
    %cond3A_5 = arith.cmpi ne, %convert_element_type3A_3, %cond3A_4 : i32
    scf.if %cond3A_5 {
      %get3A = arith.constant 0 : index
      %get3A_6 = arith.constant 0 : index
      %get3A_7 = vector.load %arg11[%get3A, %get3A_6] : memref<8x128xf32, #tpu.memory_space<vmem>>, vector<1x128xf32>
      %div3A = arith.constant 1.000000e+04 : f32
      %div3A_8 = vector.broadcast %div3A : f32 to vector<1x128xf32>
      %div3A_9 = arith.divf %get3A_7, %div3A_8 : vector<1x128xf32>
      %get3A_10 = arith.constant 0 : index
      %get3A_11 = arith.constant 0 : index
      %get3A_12 = vector.load %arg10[%get3A_10, %get3A_11] : memref<10000x128xf32, #tpu.memory_space<vmem>>, vector<10000x128xf32>
      %sub3A = vector.broadcast %div3A_9 : vector<1x128xf32> to vector<10000x128xf32>
      %sub3A_13 = arith.subf %get3A_12, %sub3A : vector<10000x128xf32>
      %mul3A = arith.mulf %sub3A_13, %sub3A_13 : vector<10000x128xf32>
      %reduce_sum3A = arith.constant dense<0.000000e+00> : vector<128xf32>
      %reduce_sum3A_14 = vector.multi_reduction <add>, %mul3A, %reduce_sum3A [0] : vector<10000x128xf32> to vector<128xf32>
      %broadcast_in_dim3A = vector.shape_cast %reduce_sum3A_14 : vector<128xf32> to vector<1x128xf32>
      %div3A_15 = arith.constant 1.000000e+04 : f32
      %div3A_16 = vector.broadcast %div3A_15 : f32 to vector<1x128xf32>
      %div3A_17 = arith.divf %broadcast_in_dim3A, %div3A_16 : vector<1x128xf32>
      %add3A = arith.constant 9.99999974E-6 : f32
      %add3A_18 = vector.broadcast %add3A : f32 to vector<1x128xf32>
      %add3A_19 = arith.addf %div3A_17, %add3A_18 : vector<1x128xf32>
      %rsqrt3A = math.rsqrt %add3A_19 : vector<1x128xf32>
      %get3A_20 = arith.constant 0 : index
      %get3A_21 = arith.constant 0 : index
      %get3A_22 = vector.load %arg7[%get3A_20, %get3A_21] : memref<1x128xf32, #tpu.memory_space<vmem>>, vector<1x128xf32>
      %mul3A_23 = arith.mulf %rsqrt3A, %get3A_22 : vector<1x128xf32>
      %mul3A_24 = vector.broadcast %mul3A_23 : vector<1x128xf32> to vector<10000x128xf32>
      %mul3A_25 = arith.mulf %sub3A_13, %mul3A_24 : vector<10000x128xf32>
      %get3A_26 = arith.constant 0 : index
      %get3A_27 = arith.constant 0 : index
      %get3A_28 = vector.load %arg8[%get3A_26, %get3A_27] : memref<1x128xf32, #tpu.memory_space<vmem>>, vector<1x128xf32>
      %add3A_29 = vector.broadcast %get3A_28 : vector<1x128xf32> to vector<10000x128xf32>
      %add3A_30 = arith.addf %mul3A_25, %add3A_29 : vector<10000x128xf32>
      %max3A = arith.constant 0.000000e+00 : f32
      %max3A_31 = vector.broadcast %max3A : f32 to vector<10000x128xf32>
      %max3A_32 = arith.maximumf %add3A_30, %max3A_31 : vector<10000x128xf32>
      %swap3A = arith.constant 0 : index
      %swap3A_33 = arith.constant 0 : index
      %swap3A_34 = vector.load %arg9[%swap3A, %swap3A_33] : memref<10000x128xf32, #tpu.memory_space<vmem>>, vector<10000x128xf32>
      tpu.vector_store %arg9[%swap3A, %swap3A_33], %max3A_32 {strides = array<i32>} : memref<10000x128xf32, #tpu.memory_space<vmem>>, vector<10000x128xf32>,
    } else {
    }
    return
  }
  func.func @transform_0(%arg0: i32) -> (i32, i32, i32) {
    %min3A = arith.constant 4 : i32
    %min3A_0 = arith.minsi %arg0, %min3A : i32
    %c0_i32 = arith.constant 0 : i32
    %c0_i32_1 = arith.constant 0 : i32
    %c0_i32_2 = arith.constant 0 : i32
    return %c0_i32, %min3A_0, %c0_i32_1 : i32, i32, i32
  }
  func.func @transform_1(%arg0: i32) -> (i32, i32) {
    %min3A = arith.constant 4 : i32
    %min3A_0 = arith.minsi %arg0, %min3A : i32
    %c0_i32 = arith.constant 0 : i32
    %c0_i32_1 = arith.constant 0 : i32
    return %min3A_0, %c0_i32 : i32, i32
  }
  func.func @transform_2(%arg0: i32) -> (i32, i32) {
    %min3A = arith.constant 4 : i32
    %min3A_0 = arith.minsi %arg0, %min3A : i32
    %c0_i32 = arith.constant 0 : i32
    %c0_i32_1 = arith.constant 0 : i32
    return %min3A_0, %c0_i32 : i32, i32
  }
  func.func @transform_3(%arg0: i32) -> (i32, i32) {
    %c0_i32 = arith.constant 0 : i32
    %c0_i32_0 = arith.constant 0 : i32
    %c0_i32_1 = arith.constant 0 : i32
    return %c0_i32, %c0_i32_0 : i32, i32
  }
  func.func @transform_4(%arg0: i32) -> (i32, i32) {
    %c0_i32 = arith.constant 0 : i32
    %c0_i32_0 = arith.constant 0 : i32
    %c0_i32_1 = arith.constant 0 : i32
    return %c0_i32, %c0_i32_0 : i32, i32
  }
  func.func @transform_5(%arg0: i32) -> (i32, i32) {
    %c0_i32 = arith.constant 0 : i32
    %c0_i32_0 = arith.constant 0 : i32
    %c0_i32_1 = arith.constant 0 : i32
    return %c0_i32, %c0_i32_0 : i32, i32
  }
  func.func @transform_6(%arg0: i32) -> (i32, i32) {
    %c0_i32 = arith.constant 0 : i32
    %c0_i32_0 = arith.constant 0 : i32
    %c0_i32_1 = arith.constant 0 : i32
    return %c0_i32, %c0_i32_0 : i32, i32
  }
  func.func @transform_7(%arg0: i32) -> (i32, i32) {
    %c0_i32 = arith.constant 0 : i32
    %c0_i32_0 = arith.constant 0 : i32
    %c0_i32_1 = arith.constant 0 : i32
    return %c0_i32, %c0_i32_0 : i32, i32
  }
  func.func @transform_8(%arg0: i32) -> (i32, i32) {
    %c0_i32 = arith.constant 0 : i32
    %c0_i32_0 = arith.constant 0 : i32
    %c0_i32_1 = arith.constant 0 : i32
    return %c0_i32, %c0_i32_0 : i32, i32
  }
}

module attributes {stable_mosaic.version = 14 : i64} {
  func.func @body(%arg0: i32, %arg1: memref<2x2000x128xf32, #tpu.memory_space<vmem>>, %arg2: memref<2000x16xf32, #tpu.memory_space<vmem>>, %arg3: memref<2000x128xf32, #tpu.memory_space<vmem>>, %arg4: memref<128x128xf32, #tpu.memory_space<vmem>>, %arg5: memref<1x128xf32, #tpu.memory_space<vmem>>, %arg6: memref<128x128xf32, #tpu.memory_space<vmem>>, %arg7: memref<1x128xf32, #tpu.memory_space<vmem>>, %arg8: memref<1x128xf32, #tpu.memory_space<vmem>>, %arg9: memref<10000x128xf32, #tpu.memory_space<vmem>>, %arg10: memref<10000x128xf32, #tpu.memory_space<vmem>>, %arg11: memref<8x128xf32, #tpu.memory_space<vmem>>, %arg12: memref<10000x16xf32, #tpu.memory_space<vmem>>) attributes {dimension_semantics = [#tpu.dimension_semantics<arbitrary>], iteration_bounds = array<i64: 6>, scalar_prefetch = 0 : i64, scratch_operands = 3 : i64, tpu.core_type = #tpu.core_type<tc>, window_params = [{transform_indices = @transform_0, window_bounds = array<i64: 2, 2000, 128>}, {transform_indices = @transform_1, window_bounds = array<i64: 2000, 16>}, {transform_indices = @transform_2, window_bounds = array<i64: 2000, 128>}, {pipeline_mode = #tpu.pipeline_mode<synchronous>, transform_indices = @transform_3, window_bounds = array<i64: 128, 128>}, {pipeline_mode = #tpu.pipeline_mode<synchronous>, transform_indices = @transform_4, window_bounds = array<i64: 1, 128>}, {pipeline_mode = #tpu.pipeline_mode<synchronous>, transform_indices = @transform_5, window_bounds = array<i64: 128, 128>}, {pipeline_mode = #tpu.pipeline_mode<synchronous>, transform_indices = @transform_6, window_bounds = array<i64: 1, 128>}, {pipeline_mode = #tpu.pipeline_mode<synchronous>, transform_indices = @transform_7, window_bounds = array<i64: 1, 128>}, {pipeline_mode = #tpu.pipeline_mode<synchronous>, transform_indices = @transform_8, window_bounds = array<i64: 10000, 128>}]} {
    %lt3A = arith.constant 5 : i32
    %lt3A_0 = arith.cmpi slt, %arg0, %lt3A : i32
    %convert_element_type3A = arith.extui %lt3A_0 : i1 to i32
    %cond3A = arith.constant 0 : i32
    %cond3A_1 = arith.cmpi ne, %convert_element_type3A, %cond3A : i32
    scf.if %cond3A_1 {
      %get3A = arith.constant 0 : index
      %get3A_6 = arith.constant 0 : index
      %get3A_7 = vector.load %arg2[%get3A, %get3A_6] : memref<2000x16xf32, #tpu.memory_space<vmem>>, vector<2000x16xf32>
      %get3A_8 = arith.constant 0 : index
      %get3A_9 = arith.constant 0 : index
      %get3A_10 = arith.constant 0 : index
      %get3A_11 = vector.load %arg1[%get3A_8, %get3A_9, %get3A_10] : memref<2x2000x128xf32, #tpu.memory_space<vmem>>, vector<1x2000x128xf32>
      %get3A_12 = vector.shape_cast %get3A_11 : vector<1x2000x128xf32> to vector<2000x128xf32>
      %get3A_13 = arith.constant 1 : index
      %get3A_14 = arith.constant 0 : index
      %get3A_15 = arith.constant 0 : index
      %get3A_16 = vector.load %arg1[%get3A_13, %get3A_14, %get3A_15] : memref<2x2000x128xf32, #tpu.memory_space<vmem>>, vector<1x2000x128xf32>
      %get3A_17 = vector.shape_cast %get3A_16 : vector<1x2000x128xf32> to vector<2000x128xf32>
      %add3A = arith.addf %get3A_12, %get3A_17 : vector<2000x128xf32>
      %slice3A = vector.extract_strided_slice %get3A_7 {offsets = [0, 0], sizes = [2000, 1], strides = [1, 1]} : vector<2000x16xf32> to vector<2000x1xf32>
      %mul3A = vector.broadcast %slice3A : vector<2000x1xf32> to vector<2000x128xf32>
      %mul3A_18 = arith.mulf %add3A, %mul3A : vector<2000x128xf32>
      %get3A_19 = arith.constant 0 : index
      %get3A_20 = arith.constant 0 : index
      %get3A_21 = vector.load %arg4[%get3A_19, %get3A_20] : memref<128x128xf32, #tpu.memory_space<vmem>>, vector<128x128xf32>
      %dot_general3A = arith.constant dense<0.000000e+00> : vector<2000x128xf32>
      %dot_general3A_22 = tpu.matmul %mul3A_18, %get3A_21, %dot_general3A {dimension_numbers = #tpu.dot_dimension_numbers<[1], [1], [0], [0], [0, 0, 1, 0], [], []>, precision = #tpu.contract_precision<fp32>, transpose_lhs_hint = false} : vector<2000x128xf32>, vector<128x128xf32>, vector<2000x128xf32> -> vector<2000x128xf32>
      %get3A_23 = arith.constant 0 : index
      %get3A_24 = arith.constant 0 : index
      %get3A_25 = vector.load %arg5[%get3A_23, %get3A_24] : memref<1x128xf32, #tpu.memory_space<vmem>>, vector<1x128xf32>
      %add3A_26 = vector.broadcast %get3A_25 : vector<1x128xf32> to vector<2000x128xf32>
      %add3A_27 = arith.addf %dot_general3A_22, %add3A_26 : vector<2000x128xf32>
      %get3A_28 = arith.constant 0 : index
      %get3A_29 = arith.constant 0 : index
      %get3A_30 = vector.load %arg3[%get3A_28, %get3A_29] : memref<2000x128xf32, #tpu.memory_space<vmem>>, vector<2000x128xf32>
      %get3A_31 = arith.constant 0 : index
      %get3A_32 = arith.constant 0 : index
      %get3A_33 = vector.load %arg6[%get3A_31, %get3A_32] : memref<128x128xf32, #tpu.memory_space<vmem>>, vector<128x128xf32>
      %dot_general3A_34 = arith.constant dense<0.000000e+00> : vector<2000x128xf32>
      %dot_general3A_35 = tpu.matmul %get3A_30, %get3A_33, %dot_general3A_34 {dimension_numbers = #tpu.dot_dimension_numbers<[1], [1], [0], [0], [0, 0, 1, 0], [], []>, precision = #tpu.contract_precision<fp32>, transpose_lhs_hint = false} : vector<2000x128xf32>, vector<128x128xf32>, vector<2000x128xf32> -> vector<2000x128xf32>
      %add3A_36 = arith.addf %add3A_27, %dot_general3A_35 : vector<2000x128xf32>
      %mul3A_37 = arith.constant 2000 : i32
      %mul3A_38 = arith.muli %arg0, %mul3A_37 : i32
      %swap3A = arith.index_cast %mul3A_38 : i32 to index
      %swap3A_39 = arith.constant 0 : index
      %swap3A_40 = vector.load %arg10[%swap3A, %swap3A_39] : memref<10000x128xf32, #tpu.memory_space<vmem>>, vector<2000x128xf32>
      tpu.vector_store %arg10[%swap3A, %swap3A_39], %add3A_36 {strides = array<i32>} : memref<10000x128xf32, #tpu.memory_space<vmem>>, vector<2000x128xf32>,
      %reduce_sum3A = arith.constant dense<0.000000e+00> : vector<128xf32>
      %reduce_sum3A_41 = vector.multi_reduction <add>, %add3A_36, %reduce_sum3A [0] : vector<2000x128xf32> to vector<128xf32>
      %broadcast_in_dim3A = vector.shape_cast %reduce_sum3A_41 : vector<128xf32> to vector<1x128xf32>
      %eq3A_42 = arith.constant 0 : i32
      %eq3A_43 = arith.cmpi eq, %arg0, %eq3A_42 : i32
      %convert_element_type3A_44 = arith.extui %eq3A_43 : i1 to i32
      %cond3A_45 = arith.constant 0 : i32
      %cond3A_46 = arith.cmpi ne, %convert_element_type3A_44, %cond3A_45 : i32
      scf.if %cond3A_46 {
        %swap3A_51 = arith.constant 0 : index
        %swap3A_52 = arith.constant 0 : index
        %swap3A_53 = vector.load %arg11[%swap3A_51, %swap3A_52] : memref<8x128xf32, #tpu.memory_space<vmem>>, vector<1x128xf32>
        tpu.vector_store %arg11[%swap3A_51, %swap3A_52], %broadcast_in_dim3A {strides = array<i32>} : memref<8x128xf32, #tpu.memory_space<vmem>>, vector<1x128xf32>,
      } else {
      }
      %gt3A = arith.constant 0 : i32
      %gt3A_47 = arith.cmpi sgt, %arg0, %gt3A : i32
      %convert_element_type3A_48 = arith.extui %gt3A_47 : i1 to i32
      %cond3A_49 = arith.constant 0 : i32
      %cond3A_50 = arith.cmpi ne, %convert_element_type3A_48, %cond3A_49 : i32
      scf.if %cond3A_50 {
        %get3A_51 = arith.constant 0 : index
        %get3A_52 = arith.constant 0 : index
        %get3A_53 = vector.load %arg11[%get3A_51, %get3A_52] : memref<8x128xf32, #tpu.memory_space<vmem>>, vector<1x128xf32>
        %add3A_54 = arith.addf %get3A_53, %broadcast_in_dim3A : vector<1x128xf32>
        %swap3A_55 = arith.constant 0 : index
        %swap3A_56 = arith.constant 0 : index
        %swap3A_57 = vector.load %arg11[%swap3A_55, %swap3A_56] : memref<8x128xf32, #tpu.memory_space<vmem>>, vector<1x128xf32>
        tpu.vector_store %arg11[%swap3A_55, %swap3A_56], %add3A_54 {strides = array<i32>} : memref<8x128xf32, #tpu.memory_space<vmem>>, vector<1x128xf32>,
      } else {
      }
    } else {
    }
    %eq3A = arith.constant 5 : i32
    %eq3A_2 = arith.cmpi eq, %arg0, %eq3A : i32
    %convert_element_type3A_3 = arith.extui %eq3A_2 : i1 to i32
    %cond3A_4 = arith.constant 0 : i32
    %cond3A_5 = arith.cmpi ne, %convert_element_type3A_3, %cond3A_4 : i32
    scf.if %cond3A_5 {
      %get3A = arith.constant 0 : index
      %get3A_6 = arith.constant 0 : index
      %get3A_7 = vector.load %arg11[%get3A, %get3A_6] : memref<8x128xf32, #tpu.memory_space<vmem>>, vector<1x128xf32>
      %div3A = arith.constant 1.000000e+04 : f32
      %div3A_8 = vector.broadcast %div3A : f32 to vector<1x128xf32>
      %div3A_9 = arith.divf %get3A_7, %div3A_8 : vector<1x128xf32>
      %get3A_10 = arith.constant 0 : index
      %get3A_11 = arith.constant 0 : index
      %get3A_12 = vector.load %arg10[%get3A_10, %get3A_11] : memref<10000x128xf32, #tpu.memory_space<vmem>>, vector<10000x128xf32>
      %sub3A = vector.broadcast %div3A_9 : vector<1x128xf32> to vector<10000x128xf32>
      %sub3A_13 = arith.subf %get3A_12, %sub3A : vector<10000x128xf32>
      %mul3A = arith.mulf %sub3A_13, %sub3A_13 : vector<10000x128xf32>
      %reduce_sum3A = arith.constant dense<0.000000e+00> : vector<128xf32>
      %reduce_sum3A_14 = vector.multi_reduction <add>, %mul3A, %reduce_sum3A [0] : vector<10000x128xf32> to vector<128xf32>
      %broadcast_in_dim3A = vector.shape_cast %reduce_sum3A_14 : vector<128xf32> to vector<1x128xf32>
      %div3A_15 = arith.constant 1.000000e+04 : f32
      %div3A_16 = vector.broadcast %div3A_15 : f32 to vector<1x128xf32>
      %div3A_17 = arith.divf %broadcast_in_dim3A, %div3A_16 : vector<1x128xf32>
      %add3A = arith.constant 9.99999974E-6 : f32
      %add3A_18 = vector.broadcast %add3A : f32 to vector<1x128xf32>
      %add3A_19 = arith.addf %div3A_17, %add3A_18 : vector<1x128xf32>
      %rsqrt3A = math.rsqrt %add3A_19 : vector<1x128xf32>
      %get3A_20 = arith.constant 0 : index
      %get3A_21 = arith.constant 0 : index
      %get3A_22 = vector.load %arg7[%get3A_20, %get3A_21] : memref<1x128xf32, #tpu.memory_space<vmem>>, vector<1x128xf32>
      %mul3A_23 = arith.mulf %rsqrt3A, %get3A_22 : vector<1x128xf32>
      %mul3A_24 = vector.broadcast %mul3A_23 : vector<1x128xf32> to vector<10000x128xf32>
      %mul3A_25 = arith.mulf %sub3A_13, %mul3A_24 : vector<10000x128xf32>
      %get3A_26 = arith.constant 0 : index
      %get3A_27 = arith.constant 0 : index
      %get3A_28 = vector.load %arg8[%get3A_26, %get3A_27] : memref<1x128xf32, #tpu.memory_space<vmem>>, vector<1x128xf32>
      %add3A_29 = vector.broadcast %get3A_28 : vector<1x128xf32> to vector<10000x128xf32>
      %add3A_30 = arith.addf %mul3A_25, %add3A_29 : vector<10000x128xf32>
      %swap3A = arith.constant 0 : index
      %swap3A_31 = arith.constant 0 : index
      %swap3A_32 = vector.load %arg9[%swap3A, %swap3A_31] : memref<10000x128xf32, #tpu.memory_space<vmem>>, vector<10000x128xf32>
      tpu.vector_store %arg9[%swap3A, %swap3A_31], %add3A_30 {strides = array<i32>} : memref<10000x128xf32, #tpu.memory_space<vmem>>, vector<10000x128xf32>,
    } else {
    }
    return
  }
  func.func @transform_0(%arg0: i32) -> (i32, i32, i32) {
    %min3A = arith.constant 4 : i32
    %min3A_0 = arith.minsi %arg0, %min3A : i32
    %c0_i32 = arith.constant 0 : i32
    %c0_i32_1 = arith.constant 0 : i32
    %c0_i32_2 = arith.constant 0 : i32
    return %c0_i32, %min3A_0, %c0_i32_1 : i32, i32, i32
  }
  func.func @transform_1(%arg0: i32) -> (i32, i32) {
    %min3A = arith.constant 4 : i32
    %min3A_0 = arith.minsi %arg0, %min3A : i32
    %c0_i32 = arith.constant 0 : i32
    %c0_i32_1 = arith.constant 0 : i32
    return %min3A_0, %c0_i32 : i32, i32
  }
  func.func @transform_2(%arg0: i32) -> (i32, i32) {
    %min3A = arith.constant 4 : i32
    %min3A_0 = arith.minsi %arg0, %min3A : i32
    %c0_i32 = arith.constant 0 : i32
    %c0_i32_1 = arith.constant 0 : i32
    return %min3A_0, %c0_i32 : i32, i32
  }
  func.func @transform_3(%arg0: i32) -> (i32, i32) {
    %c0_i32 = arith.constant 0 : i32
    %c0_i32_0 = arith.constant 0 : i32
    %c0_i32_1 = arith.constant 0 : i32
    return %c0_i32, %c0_i32_0 : i32, i32
  }
  func.func @transform_4(%arg0: i32) -> (i32, i32) {
    %c0_i32 = arith.constant 0 : i32
    %c0_i32_0 = arith.constant 0 : i32
    %c0_i32_1 = arith.constant 0 : i32
    return %c0_i32, %c0_i32_0 : i32, i32
  }
  func.func @transform_5(%arg0: i32) -> (i32, i32) {
    %c0_i32 = arith.constant 0 : i32
    %c0_i32_0 = arith.constant 0 : i32
    %c0_i32_1 = arith.constant 0 : i32
    return %c0_i32, %c0_i32_0 : i32, i32
  }
  func.func @transform_6(%arg0: i32) -> (i32, i32) {
    %c0_i32 = arith.constant 0 : i32
    %c0_i32_0 = arith.constant 0 : i32
    %c0_i32_1 = arith.constant 0 : i32
    return %c0_i32, %c0_i32_0 : i32, i32
  }
  func.func @transform_7(%arg0: i32) -> (i32, i32) {
    %c0_i32 = arith.constant 0 : i32
    %c0_i32_0 = arith.constant 0 : i32
    %c0_i32_1 = arith.constant 0 : i32
    return %c0_i32, %c0_i32_0 : i32, i32
  }
  func.func @transform_8(%arg0: i32) -> (i32, i32) {
    %c0_i32 = arith.constant 0 : i32
    %c0_i32_0 = arith.constant 0 : i32
    %c0_i32_1 = arith.constant 0 : i32
    return %c0_i32, %c0_i32_0 : i32, i32
  }
}

</mosaic_0001>

<sc_bundles>
// kernel: kernel.12.cloned.1.call-start
scs
__scs_entry_jumppad:
0x0: {  	(pc) =	sbr.rel $0x88, $3  }
0x1: {  	(tag) =	ssettag $0x0;
	lr =	simm.s32 $0x1  }
0x2: {  	[smem:$0x3F90] =	sst lr;
	_ =	strace $0xD0000000  }
0x3: {  	_ = 	snop  }
0x4: {  	_ = 	snop  }
0x5: {  	_ = 	snop  }
0x6: {  	_ = 	snop  }
0x7: {  	_ = 	snop  }
__scs_overlays_trampoline_lowered:
0x8: {  	[smem:$0x3F9F] =	sst s0  }
0x9: {  	[smem:$0x3FA0] =	sst s1  }
0xa: {  	[smem:$0x3FA1] =	sst s2  }
0xb: {  	[smem:$0x3FA2] =	sst s3  }
0xc: {  	[smem:$0x3FA3] =	sst s4  }
0xd: {  	[smem:$0x3FA4] =	sst s5  }
0xe: {  	[smem:$0x3FA5] =	sst s6  }
0xf: {  	[smem:$0x3FA6] =	sst s7  }
0x10: {  	[smem:$0x3FA7] =	sst s8  }
0x11: {  	[smem:$0x3FA8] =	sst s9;
	s0 =	simm.s32 @!p0 $0x0  }
0x12: {  	s1 =	sld [smem:$0x3F8E];
	s0 =	simm.s32 @p0 $0x1  }
0x13: {  	[smem:$0x3FA9] =	sst s0;
	s0 =	simm.s32 @!p1 $0x0  }
0x14: {  	s2 =	sld [smem:$0x3F8D];
	s0 =	simm.s32 @p1 $0x1  }
0x15: {  	[smem:$0x3FAA] =	sst s0;
	s0 =	simm.s32 @!p2 $0x0  }
0x16: {  	s3 =	sld [smem:$0x3FDB];
	s0 =	simm.s32 @p2 $0x1  }
0x17: {  	s4 =	simm.s32 $0x1BF5;
	[smem:$0x3FAC] =	sst s0  }
0x18: {  	s0 =	sld [smem:$0x3F8F];
	_ =	swait.ge [sflag:s4], $0x0  }
0x19: {  	s7 =	sld [smem:$0x3F90]  }
0x1a: {  	s8 =	sadd.s32 $0xFFFFE003, lr  }
0x1b: {  	s9 =	sadd.s32 $0xFFFFFEF7, lr;
	s5 =	simm.s32 $0xFFFFFFFF;
	p2 =	slt.u32 s8, $0xFFFFF086  }
0x1c: {  	p1 =	slt.u32 s9, $0xF7A;
	s5 =	simm.s32 @!p2 $0x0  }
0x1d: {  	s5 =	simm.s32 @p1 $0x1;
	p0 =	seq.s32 s7, s2  }
0x1e: {  	s7 =	smul.u32 @!p0 $0xF7A, s2;
	p2 =	seq.s32 @!p0 s5, $0x0  }
0x1f: {  	s9 =	smul.u32 $0xF7A, s1;
	s8 =	simm.s32 @!p0 $0x1BF5;
	p2 =	por !p2, p0  }
0x20: {  	[sflag:s8] =	ssyncset.s32 @!p0 $0xFFFFF086;
	s6 =	sadd.s32 @!p0 s3, s7;
	s7 =	simm.s32 @!p0 $0x108  }
0x21: {  	s3 =	sadd.s32 s3, s9;
	s6 =	sadd.s32 @!p0 $0x88, s6;
	s7 =	simm.s32 @p2 $0x1082  }
0x22: {  	[simem:s7], [sflag:s8] =	dma.local @!p0 [hbm:s6], $0xF7A  }
0x23: {  	s9 =	sor.u32 $0xD0000000, s2;
	s6 =	simm.s32 $0x108;
	_ =	swait.ge @!p0 [sflag:s8], $0x0  }
0x24: {  	s3 =	sadd.s32 $0x88, s3;
	s6 =	simm.s32 @!p1 $0x1082;
	[sflag:s4] =	ssyncset.s32 $0xFFFFF086  }
0x25: {  	[simem:s6], [sflag:s4] =	dma.local [hbm:s3], $0xF7A  }
0x26: {  	[smem:$0x3F90] =	sst s1;
	(tag) =	ssettag s2;
	_ =	strace s9  }
0x27: {  	s1 =	sld [smem:$0x3FA0]  }
0x28: {  	s2 =	sld [smem:$0x3FA1]  }
0x29: {  	s4 =	sld [smem:$0x3FA3]  }
0x2a: {  	p0 =	seq.s32 s5, $0x0;
	s5 =	sld [smem:$0x3FA4]  }
0x2b: {  	s6 =	sld [smem:$0x3FA5]  }
0x2c: {  	s7 =	sld [smem:$0x3FA6]  }
0x2d: {  	s3 =	simm.s32 $0x108;
	s8 =	sld [smem:$0x3FA7]  }
0x2e: {  	s3 =	simm.s32 @!p0 $0x1082;
	s9 =	sld [smem:$0x3FA8]  }
0x2f: {  	lr =	sadd.s32 s0, s3;
	s0 =	sld [smem:$0x3F9F]  }
0x30: {  	s3 =	sld [smem:$0x3FA2]  }
0x31: {  	[smem:$0x3FAB] =	sst s10  }
0x32: {  	s10 =	sld [smem:$0x3FA9];
	_ =	sdelay $0x3  }
0x33: {  	p0 =	seq.s32 s10, $0x1;
	s10 =	sld [smem:$0x3FAB];
	_ =	sdelay $0x3  }
0x34: {  	[smem:$0x3FAB] =	sst s10  }
0x35: {  	s10 =	sld [smem:$0x3FAA];
	_ =	sdelay $0x3  }
0x36: {  	p1 =	seq.s32 s10, $0x1;
	s10 =	sld [smem:$0x3FAB];
	_ =	sdelay $0x3  }
0x37: {  	[smem:$0x3FAB] =	sst s10  }
0x38: {  	s10 =	sld [smem:$0x3FAC]  }
0x39: {  	_ = 	snop;
	(pc) =	sbr.ind lr, $3  }
0x3a: {  	_ = 	snop  }
0x3b: {  	_ = 	snop  }
0x3c: {  	p2 =	seq.s32 s10, $0x1;
	s10 =	sld [smem:$0x3FAB]  }
0x3d: {  	_ =	shalt  }
0x3e: {  	_ =	shalt  }
0x3f: {  	_ =	shalt  }
0x40: {  	_ =	shalt  }
0x41: {  	_ =	shalt  }
0x42: {  	_ =	shalt  }
0x43: {  	_ =	shalt  }
0x44: {  	_ =	shalt  }
0x45: {  	_ =	shalt  }
0x46: {  	_ =	shalt  }
0x47: {  	_ =	shalt  }
0x48: {  	_ =	shalt  }
0x49: {  	_ =	shalt  }
0x4a: {  	_ =	shalt  }
0x4b: {  	_ =	shalt  }
0x4c: {  	_ =	shalt  }
0x4d: {  	_ =	shalt  }
0x4e: {  	_ =	shalt  }
0x4f: {  	_ =	shalt  }
0x50: {  	_ =	shalt  }
0x51: {  	_ =	shalt  }
0x52: {  	_ =	shalt  }
0x53: {  	_ =	shalt  }
0x54: {  	_ =	shalt  }
0x55: {  	_ =	shalt  }
0x56: {  	_ =	shalt  }
0x57: {  	_ =	shalt  }
0x58: {  	_ =	shalt  }
0x59: {  	_ =	shalt  }
0x5a: {  	_ =	shalt  }
0x5b: {  	_ =	shalt  }
0x5c: {  	_ =	shalt  }
0x5d: {  	_ =	shalt  }
0x5e: {  	_ =	shalt  }
0x5f: {  	_ =	shalt  }
0x60: {  	_ =	shalt  }
0x61: {  	_ =	shalt  }
0x62: {  	_ =	shalt  }
0x63: {  	_ =	shalt  }
0x64: {  	_ =	shalt  }
0x65: {  	_ =	shalt  }
0x66: {  	_ =	shalt  }
0x67: {  	_ =	shalt  }
0x68: {  	_ =	shalt  }
0x69: {  	_ =	shalt  }
0x6a: {  	_ =	shalt  }
0x6b: {  	_ =	shalt  }
0x6c: {  	_ =	shalt  }
0x6d: {  	_ =	shalt  }
0x6e: {  	_ =	shalt  }
0x6f: {  	_ =	shalt  }
0x70: {  	_ =	shalt  }
0x71: {  	_ =	shalt  }
0x72: {  	_ =	shalt  }
0x73: {  	_ =	shalt  }
0x74: {  	_ =	shalt  }
0x75: {  	_ =	shalt  }
0x76: {  	_ =	shalt  }
0x77: {  	_ =	shalt  }
0x78: {  	_ =	shalt  }
0x79: {  	_ =	shalt  }
0x7a: {  	_ =	shalt  }
0x7b: {  	_ =	shalt  }
0x7c: {  	_ =	shalt  }
0x7d: {  	_ =	shalt  }
0x7e: {  	_ =	shalt  }
0x7f: {  	_ =	shalt  }
0x80: {  	_ =	shalt  }
0x81: {  	_ =	shalt  }
0x82: {  	_ =	shalt  }
0x83: {  	_ =	shalt  }
0x84: {  	_ =	shalt  }
0x85: {  	_ =	shalt  }
0x86: {  	_ =	shalt  }
0x87: {  	_ =	shalt  }
.Lfunc_end0:
.L_simem_size_0:
called_computation.1_lowered:
.L_overlay_start_0:
0x88: {  	s2 =	sld [smem:$0x3FD9]  }
0x89: {  	s3 =	sld [smem:$0x3FFE];
	_ =	sdelay $0x1  }
0x8a: {  	s1 =	srdreg.scid  }
0x8b: {  	s0 =	sand.u32 $0x1, s1  }
0x8c: {  	s17 =	sshll.u32 s0, $0xA;
	s2 =	sadd.s32 s3, s2  }
0x8d: {  	s2 =	sadd.s32 s2, s17  }
0x8e: {  	[smem:$0x3FB7] =	sst s2  }
0x8f: {  	_ = 	snop  }
0x90: {  	s2 =	sld [smem:$0x3FC9];
	(tm) =	ssettm $0x1  }
0x91: {  	s18 =	sld [smem:$0x3FFB];
	_ =	sdelay $0x3  }
0x92: {  	_ =	strace s18  }
0x93: {  	s3 =	sld [smem:$0x3FFC];
	_ =	sdelay $0x3  }
0x94: {  	_ =	strace s3  }
0x95: {  	s3 =	sld [smem:$0x3FFD];
	_ =	sdelay $0x3  }
0x96: {  	_ =	strace s3  }
0x97: {  	_ =	strace $0x8FFFFFFF  }
0x98: {  	s19 =	sld [smem:$0x3FDB];
	_ =	sdelay $0x1  }
0x99: {  	s4 =	simm.s32 $_scs_section_size  }
0x9a: {  	s5 =	simm.s32 $_size__tile_overlayer_lowered;
	s6 =	simm.s32 $_tile_overlayer_lowered  }
0x9b: {  	s22 =	simm.s32 $0x1BFF;
	s21 =	sshll.u32 s6, $0x1;
	s3 =	sadd.s32 s4, s19  }
0x9c: {  	s7 =	simm.s32 $0x0;
	s20 =	sshll.u32 s5, $0x1;
	s5 =	sadd.s32 s21, s3  }
0x9d: {  	[timem:s7], [sflag:s22] =	dma.local [hbm:s5], s20  }
0x9e: {  	_ =	swait.ge [sflag:s22], s20  }
0x9f: {  	s4 =	ssub.s32 $0x0, s20;
	[sflag:s22] =	ssyncset.done $0x0  }
0xa0: {  	[sflag:s22] =	ssyncadd.s32 s4;
	_ =	sdelay $0x1  }
0xa1: {  	s23 =	simm.s32 $0x1B8B  }
0xa2: {  	_ =	swait.ge [sflag:s23], $0x1  }
0xa3: {  	[sflag:s23] =	ssyncset.done $0x0  }
0xa4: {  	s25 =	simm.s32 $0x1B8E;
	s24 =	sld [smem:$0x3FFE];
	[sflag:s23] =	ssyncadd.s32 $0xFFFFFFFF  }
0xa5: {  	s26 =	simm.s32 $execute0_lowered;
	[smem:$0x3FD2] =	sst s25  }
0xa6: {  	s5 =	sshll.u32 s26, $0x1;
	_ =	strace $0x80000046;
	[dreg:$0x1] =	wrdreg $0xFFFFFFFF  }
0xa7: {  	s28 =	simm.s32 $_size_execute0_lowered;
	s3 =	sadd.s32 s3, s5;
	[dreg:$0x0] =	wrdreg $0x0  }
0xa8: {  	s5 =	sshll.u32 s28, $0x1;
	[dreg:$0x2] =	wrdreg s3  }
0xa9: {  	[dreg:$0x3] =	wrdreg s5  }
0xaa: {  	[dreg:$0x4] =	wrdreg $0xC0  }
0xab: {  	_ =	task [dreg:s7], $0x5FFFF  }
0xac: {  	[dreg:$0x1] =	wrdreg $0xFFFFFFFF  }
0xad: {  	[dreg:$0x0] =	wrdreg $0x60  }
0xae: {  	[dreg:$0x2] =	wrdreg s2  }
0xaf: {  	[dreg:$0x3] =	wrdreg s24  }
0xb0: {  	[dreg:$0x4] =	wrdreg $0xC1000  }
0xb1: {  	[dreg:$0x5] =	wrdreg $0xA  }
0xb2: {  	_ =	task.clear_ibuf [dreg:s7], $0x6FFFF;
	_ =	strace $0x90000046  }
0xb3: {  	s29 =	simm.s32 $0xA;
	_ =	strace $0x80000048  }
0xb4: {  	_ =	swait.ge [sflag:s29], $0x1  }
0xb5: {  	[sflag:s29] =	ssyncadd.s32 $0xFFFFFFFF  }
0xb6: {  	_ =	strace $0x90000048  }
0xb7: {  	_ =	sfence  }
0xb8: {  	s30 =	sld [smem:$0x0];
	_ =	sdelay $0x2  }
0xb9: {  	s31 =	sshll.u32 s1, $0xD;
	s1 =	sshrl.u32 s1, $0x2  }
0xba: {  	s3 =	sand.u32 $0x4000, s31;
	s1 =	sadd.s32 s1, s30  }
0xbb: {  	s0 =	sor.u32 s3, s0;
	s1 =	sshll.u32 s1, $0x11  }
0xbc: {  	s0 =	sor.u32 s1, s0  }
0xbd: {  	s0 =	sadd.s32 $0x8F2B, s0  }
0xbe: {  	[sflag:s0] =	ssyncadd.remote.s32 $0x1  }
0xbf: {  	_ =	sfence.sel $0xFFFF  }
0xc0: {  	[dreg:$0x0] =	wrdreg $0xFFFFFFFF;
	(pc) =	sbr.abs _section_cstart, $3  }
0xc1: {  	[dreg:$0x1] =	wrdreg $0xFFFFFFFF  }
0xc2: {  	_ =	task.clear_ibuf [dreg:s7], $0x2FFFF;
	_ =	strace $0x9FFFFFFF  }
0xc3: {  	(tm) =	ssettm $0x7FFFFFFF  }
tec
execute0_lowered:
.L_overlay_start_1:
0x0: {  	(tag) =	ssettag $0x1  }
0x1: {  	s1 =	rddreg [dreg:$0x0]  }
0x2: {  	s0 =	rddreg [dreg:$0x1]  }
0x3: {  	s3 =	rddreg [dreg:$0x2];
	s5 =	srdreg.scid;
	s4 =	simm.s32 $0x0  }
0x4: {  	s2 =	stileid.u32;
	s19 =	simm.s32 $0x4100;
	s20 =	simm.s32 $0x7  }
0x5: {  	s24 =	simm.s32 $0x0;
	s5 =	sand.u32 $0x1, s5;
	[smem:$0x7FF] =	sst s4  }
0x6: {  	s6 =	sshll.u32 s2, $0x5;
	s7 =	sshll.u32 s2, $0x7;
	s25 =	smul.u32 $0x13C00, s2  }
0x7: {  	s26 =	smul.u32 $0x4F000, s2;
	p0 =	seq.s32 s5, $0x0;
	s6 =	sor.u32 $0x800, s6  }
0x8: {  	s8 =	smul.u32 $0x13C000, s5;
	_ =	strace $0x80000047;
	s5 =	ssub.s32 $0x2, s5  }
0x9: {  	s6 =	smov.u32 @p0 s7;
	s29 =	sshrl.u32 s5, $0x1;
	s30 =	sshrl.u32 s26, $0x2  }
0xa: {  	s6 =	sshll.u32 s6, $0x4;
	s7 =	sadd.s32 s25, s8;
	s17 =	ssub.s32 s5, s29  }
0xb: {  	s18 =	sadd.s32 s6, s0;
	s28 =	sshrl.u32 s7, $0x3;
	s6 =	simm.s32 $0x80  }
0xc: {  	s7 =	sadd.s32 s30, s3;
	s17 =	smax.u32 s17, $0x1;
	s0 =	sadd.s32 s28, s0  }
0xd: {  	s6 =	simm.s32 @!p0 $0x20;
	s31 =	sadd.s32 $0x4000, s7;
	s9 =	sadd.s32 $0x8000, s7  }
0xe: {  	s10 =	sadd.s32 $0xC000, s7;
	s11 =	sadd.s32 $0x10000, s7;
	s12 =	sadd.s32 $0xE000, s18  }
0xf: {  	s13 =	sadd.s32 $0x4000, s18;
	s14 =	sadd.s32 $0x4010, s18;
	[dreg:$0x4] =	wrdreg s31  }
0x10: {  	v0 =	vimm.f32 $0.0e+00;
	s15 =	sadd.s32 $0xFFFFFFFF, s6;
	s16 =	sadd.s32 $0x18A00, s0;
	s0 =	sadd.s32 $0x4030, s18  }
.LBB2_1:
0x11: {  	s18 =	sand.u32 $0xFE00, s4  }
0x12: {  	s21 =	sand.u32 $0x70, s4;
	s22 =	sshrl.u32 s18, $0x2  }
0x13: {  	s18 =	simm.s32 $0x40;
	s22 =	sor.u32 s21, s22;
	s21 =	simm.s32 $0x0  }
.LBB2_2:
0x14: {  	p0 =	sne.s32 s18, $0xFFC0  }
0x15: {  	[tilespmem:s22+$0x4100] =	vst v0;
	s21 =	sadd.s32 $0x10, s21;
	s22 =	smov.u32 s18;
	s18 =	sadd.s32 $0x40, s18  }
.Ltmp0:
0x16: {  	(pc) =	sbr.rel @p0 .LBB2_2-.Ltmp0, $4  }
0x17: {  	_ = 	snop  }
0x18: {  	s22 =	sand.u32 $0xFE00, s22  }
0x19: {  	s25 =	sand.u32 $0x70, s21;
	s22 =	sshrl.u32 s22, $0x2  }
0x1a: {  	s22 =	sor.u32 s25, s22  }
0x1b: {  	[tilespmem:s22+$0x4100] =	vst v0  }
0x1c: {  	[spmem:s7] =	stream.linear.scatter [tilespmem:s19], [sflag:$0x7], $0x4000, $0x38;
	[tilespmem:$0x1FD00] =	vst v63  }
0x1d: {  	_ =	swait.ge [sflag:s20], $0x4000  }
0x1e: {  	[sflag:s20] =	ssyncset.done $0x0  }
0x1f: {  	s2 =	rddreg [dreg:$0x4];
	[sflag:s20] =	ssyncadd.s32 $0xFFFFC000  }
0x20: {  	[spmem:s2] =	stream.linear.scatter [tilespmem:s19], [sflag:$0x7], $0x4000, $0x38;
	[tilespmem:$0x1FD00] =	vst v63  }
0x21: {  	_ =	swait.ge [sflag:s20], $0x4000  }
0x22: {  	[sflag:s20] =	ssyncset.done $0x0  }
0x23: {  	[sflag:s20] =	ssyncadd.s32 $0xFFFFC000  }
0x24: {  	[spmem:s9] =	stream.linear.scatter [tilespmem:s19], [sflag:$0x7], $0x4000, $0x38;
	[tilespmem:$0x1FD00] =	vst v63  }
0x25: {  	_ =	swait.ge [sflag:s20], $0x4000  }
0x26: {  	[sflag:s20] =	ssyncset.done $0x0  }
0x27: {  	[sflag:s20] =	ssyncadd.s32 $0xFFFFC000  }
0x28: {  	[spmem:s10] =	stream.linear.scatter [tilespmem:s19], [sflag:$0x7], $0x4000, $0x38;
	[tilespmem:$0x1FD00] =	vst v63  }
0x29: {  	_ =	swait.ge [sflag:s20], $0x4000  }
0x2a: {  	[sflag:s20] =	ssyncset.done $0x0  }
0x2b: {  	[sflag:s20] =	ssyncadd.s32 $0xFFFFC000  }
0x2c: {  	[spmem:s11] =	stream.linear.scatter [tilespmem:s19], [sflag:$0x7], $0x3C00, $0x38;
	[tilespmem:$0x1FD00] =	vst v63  }
0x2d: {  	_ =	swait.ge [sflag:s20], $0x3C00  }
0x2e: {  	[sflag:s20] =	ssyncset.done $0x0  }
0x2f: {  	[sflag:s20] =	ssyncadd.s32 $0xFFFFC400  }
0x30: {  	[tilespmem:s4], [sflag:$0x7] =	stream.linear.gather [hbm4b:s12+s4], $0x4000, $0x38;
	[tilespmem:$0x1FD00] =	vst v63  }
0x31: {  	_ =	swait.ge [sflag:s20], $0x4000  }
0x32: {  	[sflag:s20] =	ssyncset.done $0x0  }
0x33: {  	[sflag:s20] =	ssyncadd.s32 $0xFFFFC000  }
0x34: {  	s23 =	simm.s32 $0x4000;
	[bflag:$0x0] =	sbarrier.arrive $0xFFFF  }
0x35: {  	[tilespmem:s23], [sflag:$0x3] =	stream.linear.gather [hbm4b:s13+s4], $0x80, $0x38;
	[tilespmem:$0x1FD00] =	vst v63  }
0x36: {  	s25 =	simm.s32 $0x80  }
0x37: {  	[tilespmem:s19], [sflag:$0x1] =	stream.indirect.gather [hbm4b:s1+s25], $0x80, s4, s25, $0xb8;
	[tilespmem:$0x1FD00] =	vst v63  }
0x38: {  	s5 =	simm.s32 $0x4080;
	p1 =	sle.u32 s6, $0x0  }
0x39: {  	[tilespmem:s5], [sflag:$0x4] =	stream.linear.gather [hbm4b:s14+s4], $0x80, $0x38;
	[tilespmem:$0x1FD00] =	vst v63  }
0x3a: {  	s26 =	simm.s32 $0x8100;
	s18 =	simm.s32 @!p1 $0x1  }
0x3b: {  	[tilespmem:s26], [sflag:$0x2] =	stream.indirect.gather [hbm4b:s1+s25], $0x80, s25, s25, $0xb8;
	[tilespmem:$0x1FD00] =	vst v63  }
0x3c: {  	_ =	swait.ge @!p1 [sflag:s18], $0x4000  }
0x3d: {  	[sflag:s18] =	ssyncset.done @!p1 $0x0  }
0x3e: {  	s21 =	simm.s32 @!p1 $0x3;
	[sflag:s18] =	ssyncadd.s32 @!p1 $0xFFFFC000  }
0x3f: {  	s22 =	simm.s32 @!p1 $0x5;
	_ =	swait.ge @!p1 [sflag:s21], $0x80  }
0x40: {  	p0 =	sle.u32 @!p1 s6, $0x2;
	s25 =	simm.s32 @!p1 $0x80;
	[sflag:s21] =	ssyncset.done @!p1 $0x0  }
0x41: {  	s26 =	simm.s32 @!p1 $0x4000;
	s18 =	simm.s32 @!p1 $0x4100;
	[sflag:s21] =	ssyncadd.s32 @!p1 $0xFFFFFF80  }
0x42: {  	[spmem:s3] =	stream.indirect.scatter.add.f32 @!p1 [tilespmem:s18], [sflag:$0x5], $0x80, s26, s25, $0xb8;
	[tilespmem:$0x1FD00] =	vst v63  }
0x43: {  	p2 =	por p0, p1;
	p0 =	sle.u32 s15, $0x0;
	_ =	swait.ge @!p1 [sflag:s22], $0x4000  }
0x44: {  	s21 =	simm.s32 @!p2 $0x0;
	s18 =	sadd.s32 @!p2 $0xFFFFFFF0, s0;
	[sflag:s22] =	ssyncset.done @!p1 $0x0  }
0x45: {  	s25 =	simm.s32 @!p2 $0x4000;
	s26 =	simm.s32 @!p2 $0x4100;
	[sflag:s22] =	ssyncadd.s32 @!p1 $0xFFFFC000  }
0x46: {  	[tilespmem:s25], [sflag:$0x3] =	stream.linear.gather @!p2 [hbm4b:s18+s21], $0x80, $0x38;
	[tilespmem:$0x1FD00] =	vst v63  }
0x47: {  	s22 =	simm.s32 @!p0 $0x2;
	s18 =	simm.s32 @!p2 $0x100;
	s21 =	simm.s32 @!p2 $0x80  }
0x48: {  	[tilespmem:s26], [sflag:$0x1] =	stream.indirect.gather @!p2 [hbm4b:s1+s21], $0x80, s18, s21, $0xb8;
	[tilespmem:$0x1FD00] =	vst v63  }
0x49: {  	_ =	swait.ge @!p0 [sflag:s22], $0x4000  }
0x4a: {  	s29 =	simm.s32 $0x180;
	[sflag:s22] =	ssyncset.done @!p0 $0x0  }
0x4b: {  	s30 =	simm.s32 $0x7;
	s18 =	simm.s32 @!p0 $0x4;
	[sflag:s22] =	ssyncadd.s32 @!p0 $0xFFFFC000  }
0x4c: {  	s31 =	simm.s32 $0x2;
	s28 =	simm.s32 @!p0 $0x4080;
	_ =	swait.ge @!p0 [sflag:s18], $0x80  }
0x4d: {  	p1 =	sle.u32 @!p0 s6, $0x3;
	s25 =	simm.s32 $0x280;
	[sflag:s18] =	ssyncset.done @!p0 $0x0  }
0x4e: {  	s21 =	simm.s32 @!p0 $0x8100;
	s22 =	simm.s32 @!p0 $0x80;
	[sflag:s18] =	ssyncadd.s32 @!p0 $0xFFFFFF80  }
0x4f: {  	[spmem:s3] =	stream.indirect.scatter.add.f32 @!p0 [tilespmem:s21], [sflag:$0x6], $0x80, s28, s22, $0xb8;
	[tilespmem:$0x1FD00] =	vst v63  }
0x50: {  	p3 =	por p1, p0;
	s26 =	simm.s32 $0x5;
	s22 =	simm.s32 @!p0 $0x6  }
0x51: {  	s18 =	smov.u32 s0;
	s28 =	sadd.s32 $0x20, s0;
	_ =	swait.ge @!p0 [sflag:s22], $0x4000  }
.LBB2_4:
0x52: {  	p2 =	sge.u32 s31, s6;
	[sflag:s22] =	ssyncset.done @!p0 $0x0  }
0x53: {  	s23 =	simm.s32 @!p3 $0x0;
	s21 =	smov.u32 s26;
	s26 =	smov.u32 s30  }
0x54: {  	s2 =	simm.s32 @!p3 $0x80;
	[sflag:s22] =	ssyncadd.s32 @!p0 $0xFFFFC000;
	s22 =	simm.s32 @!p3 $0x4080  }
0x55: {  	[tilespmem:s22], [sflag:$0x4] =	stream.linear.gather @!p3 [hbm4b:s18+s23], $0x80, $0x38;
	[tilespmem:$0x1FD00] =	vst v63  }
0x56: {  	s18 =	simm.s32 @!p2 $0x1;
	s22 =	sadd.s32 @!p2 $0xFFFFFFFF, s21;
	s23 =	simm.s32 @!p3 $0x8100  }
0x57: {  	[tilespmem:s23], [sflag:$0x2] =	stream.indirect.gather @!p3 [hbm4b:s1+s2], $0x80, s29, s2, $0xb8;
	[tilespmem:$0x1FD00] =	vst v63  }
0x58: {  	s30 =	sadd.s32 $0x2, s30;
	p0 =	sge.u32 @!p2 s22, s6;
	_ =	swait.ge @!p2 [sflag:s18], $0x4000  }
0x59: {  	p1 =	sne.s32 s30, $0x83;
	s2 =	simm.s32 @!p2 $0x3;
	[sflag:s18] =	ssyncset.done @!p2 $0x0  }
0x5a: {  	s29 =	smov.u32 s25;
	[sflag:s18] =	ssyncadd.s32 @!p2 $0xFFFFC000;
	s18 =	smov.u32 s28  }
0x5b: {  	s22 =	simm.s32 @!p2 $0x4100;
	s23 =	simm.s32 @!p2 $0x5;
	_ =	swait.ge @!p2 [sflag:s2], $0x80  }
0x5c: {  	s5 =	simm.s32 @!p2 $0x80;
	s8 =	simm.s32 @!p2 $0x4000;
	[sflag:s2] =	ssyncset.done @!p2 $0x0  }
0x5d: {  	[sflag:s2] =	ssyncadd.s32 @!p2 $0xFFFFFF80  }
0x5e: {  	[spmem:s3] =	stream.indirect.scatter.add.f32 @!p2 [tilespmem:s22], [sflag:$0x5], $0x80, s8, s5, $0xb8;
	[tilespmem:$0x1FD00] =	vst v63  }
0x5f: {  	p3 =	por p0, p2;
	_ =	swait.ge @!p2 [sflag:s23], $0x4000  }
0x60: {  	s2 =	sadd.s32 @!p3 $0xFFFFFFF0, s28;
	s5 =	simm.s32 @!p3 $0x0;
	[sflag:s23] =	ssyncset.done @!p2 $0x0  }
0x61: {  	p0 =	sge.u32 s31, s15;
	s8 =	simm.s32 @!p3 $0x4000;
	s22 =	simm.s32 @!p3 $0x4100  }
0x62: {  	[sflag:s23] =	ssyncadd.s32 @!p2 $0xFFFFC000  }
0x63: {  	[tilespmem:s8], [sflag:$0x3] =	stream.linear.gather @!p3 [hbm4b:s2+s5], $0x80, $0x38;
	[tilespmem:$0x1FD00] =	vst v63  }
0x64: {  	s2 =	sadd.s32 @!p3 $0xFFFFFF80, s25;
	s5 =	simm.s32 @!p3 $0x80;
	s8 =	simm.s32 @!p0 $0x2  }
0x65: {  	[tilespmem:s22], [sflag:$0x1] =	stream.indirect.gather @!p3 [hbm4b:s1+s5], $0x80, s2, s5, $0xb8;
	[tilespmem:$0x1FD00] =	vst v63  }
0x66: {  	_ =	swait.ge @!p0 [sflag:s8], $0x4000  }
0x67: {  	s2 =	simm.s32 @!p0 $0x4;
	[sflag:s8] =	ssyncset.done @!p0 $0x0  }
0x68: {  	s25 =	sadd.s32 $0x100, s25;
	s5 =	simm.s32 @!p0 $0x8100;
	[sflag:s8] =	ssyncadd.s32 @!p0 $0xFFFFC000  }
.Ltmp1:
0x69: {  	s22 =	simm.s32 @!p0 $0x6;
	_ =	swait.ge @!p0 [sflag:s2], $0x80;
	(pc) =	sbr.rel @p1 .LBB2_4-.Ltmp1, $4  }
0x6a: {  	s23 =	simm.s32 @!p0 $0x4080;
	s8 =	simm.s32 @!p0 $0x80;
	[sflag:s2] =	ssyncset.done @!p0 $0x0  }
0x6b: {  	s28 =	sadd.s32 $0x20, s28;
	p2 =	sge.u32 @!p0 s21, s6;
	[sflag:s2] =	ssyncadd.s32 @!p0 $0xFFFFFF80  }
0x6c: {  	[spmem:s3] =	stream.indirect.scatter.add.f32 @!p0 [tilespmem:s5], [sflag:$0x6], $0x80, s23, s8, $0xb8;
	[tilespmem:$0x1FD00] =	vst v63  }
0x6d: {  	s31 =	sadd.s32 $0xFFFFFFFD, s26;
	p3 =	por p2, p0;
	_ =	swait.ge @!p0 [sflag:s22], $0x4000  }
0x6e: {  	p1 =	sge.u32 s31, s6;
	[sflag:s22] =	ssyncset.done @!p0 $0x0  }
0x6f: {  	s2 =	simm.s32 @!p3 $0x0;
	s5 =	simm.s32 @!p3 $0x4080;
	[sflag:s22] =	ssyncadd.s32 @!p0 $0xFFFFC000  }
0x70: {  	[tilespmem:s5], [sflag:$0x4] =	stream.linear.gather @!p3 [hbm4b:s18+s2], $0x80, $0x38;
	[tilespmem:$0x1FD00] =	vst v63  }
0x71: {  	s8 =	simm.s32 @!p3 $0x8100;
	s2 =	simm.s32 @!p3 $0x80;
	s5 =	simm.s32 @!p1 $0x1  }
0x72: {  	[tilespmem:s8], [sflag:$0x2] =	stream.indirect.gather @!p3 [hbm4b:s1+s2], $0x80, s29, s2, $0xb8;
	[tilespmem:$0x1FD00] =	vst v63  }
0x73: {  	_ =	swait.ge @!p1 [sflag:s5], $0x4000  }
0x74: {  	[sflag:s5] =	ssyncset.done @!p1 $0x0  }
0x75: {  	s2 =	simm.s32 @!p1 $0x3;
	[sflag:s5] =	ssyncadd.s32 @!p1 $0xFFFFC000  }
0x76: {  	s21 =	simm.s32 @!p1 $0x80;
	s18 =	simm.s32 @!p1 $0x5;
	_ =	swait.ge @!p1 [sflag:s2], $0x80  }
0x77: {  	s8 =	simm.s32 @!p1 $0x4100;
	s5 =	sadd.s32 @!p1 $0xFFFFFFFF, s26;
	[sflag:s2] =	ssyncset.done @!p1 $0x0  }
0x78: {  	p0 =	sge.u32 @!p1 s5, s6;
	[sflag:s2] =	ssyncadd.s32 @!p1 $0xFFFFFF80;
	s2 =	simm.s32 @!p1 $0x4000  }
0x79: {  	[spmem:s3] =	stream.indirect.scatter.add.f32 @!p1 [tilespmem:s8], [sflag:$0x5], $0x80, s2, s21, $0xb8;
	[tilespmem:$0x1FD00] =	vst v63  }
0x7a: {  	p2 =	por p0, p1;
	p0 =	sge.u32 s31, s15;
	_ =	swait.ge @!p1 [sflag:s18], $0x4000  }
0x7b: {  	s5 =	simm.s32 @!p2 $0x0;
	s2 =	sadd.s32 @!p2 $0xFFFFFFF0, s28;
	[sflag:s18] =	ssyncset.done @!p1 $0x0  }
0x7c: {  	s8 =	simm.s32 @!p2 $0x4000;
	s21 =	simm.s32 @!p2 $0x4100;
	[sflag:s18] =	ssyncadd.s32 @!p1 $0xFFFFC000  }
0x7d: {  	[tilespmem:s8], [sflag:$0x3] =	stream.linear.gather @!p2 [hbm4b:s2+s5], $0x80, $0x38;
	[tilespmem:$0x1FD00] =	vst v63  }
0x7e: {  	s2 =	sadd.s32 @!p2 $0xFFFFFF80, s25;
	s5 =	simm.s32 @!p2 $0x80;
	s8 =	simm.s32 @!p0 $0x2  }
0x7f: {  	[tilespmem:s21], [sflag:$0x1] =	stream.indirect.gather @!p2 [hbm4b:s1+s5], $0x80, s2, s5, $0xb8;
	[tilespmem:$0x1FD00] =	vst v63  }
0x80: {  	_ =	swait.ge @!p0 [sflag:s8], $0x4000  }
0x81: {  	[sflag:s8] =	ssyncset.done @!p0 $0x0  }
0x82: {  	s2 =	simm.s32 @!p0 $0x4;
	[sflag:s8] =	ssyncadd.s32 @!p0 $0xFFFFC000  }
0x83: {  	_ =	swait.ge @!p0 [sflag:s2], $0x80  }
0x84: {  	s18 =	simm.s32 @!p0 $0x80;
	s5 =	simm.s32 @!p0 $0x8100;
	[sflag:s2] =	ssyncset.done @!p0 $0x0  }
0x85: {  	s21 =	simm.s32 @!p0 $0x4080;
	s8 =	simm.s32 @!p0 $0x6;
	[sflag:s2] =	ssyncadd.s32 @!p0 $0xFFFFFF80  }
0x86: {  	[spmem:s3] =	stream.indirect.scatter.add.f32 @!p0 [tilespmem:s5], [sflag:$0x6], $0x80, s21, s18, $0xb8;
	[tilespmem:$0x1FD00] =	vst v63  }
0x87: {  	p1 =	sge.u32 @!p0 s26, s6;
	_ =	swait.ge @!p0 [sflag:s8], $0x4000  }
0x88: {  	s30 =	stileid.u32;
	p1 =	por p1, p0;
	[sflag:s8] =	ssyncset.done @!p0 $0x0  }
0x89: {  	s2 =	simm.s32 @!p1 $0x0;
	s5 =	simm.s32 @!p1 $0x4080;
	[sflag:s8] =	ssyncadd.s32 @!p0 $0xFFFFC000  }
0x8a: {  	[tilespmem:s5], [sflag:$0x4] =	stream.linear.gather @!p1 [hbm4b:s28+s2], $0x80, $0x38;
	[tilespmem:$0x1FD00] =	vst v63  }
0x8b: {  	s24 =	sadd.s32 $0x1, s24;
	s2 =	simm.s32 @!p1 $0x80;
	s5 =	simm.s32 @!p1 $0x8100  }
0x8c: {  	[tilespmem:s5], [sflag:$0x2] =	stream.indirect.gather @!p1 [hbm4b:s1+s2], $0x80, s25, s2, $0xb8;
	[tilespmem:$0x1FD00] =	vst v63  }
0x8d: {  	s31 =	sshrl.u32 s7, $0x3;
	p0 =	sne.s32 s24, s17;
	s2 =	sshll.u32 s30, $0x6  }
.Ltmp2:
0x8e: {  	[bflag:$0x0] =	sbarrier.arrive $0xFFFF;
	s2 =	sor.u32 $0x1C07, s2;
	(pc) =	sbr.rel @p0 .LBB2_1-.Ltmp2, $4  }
0x8f: {  	[hbm:s16], [sflag:s2] =	dma.local [spmem:s31], $0x2780  }
0x90: {  	_ =	swait.ge [sflag:s20], $0x2780  }
0x91: {  	[sflag:s20] =	ssyncset.done $0x0  }
0x92: {  	[sflag:s20] =	ssyncadd.s32 $0xFFFFD880  }
0x93: {  	_ =	sfence.sel $0x180000  }
0x94: {  	[bflag:$0x0] =	sbarrier.arrive $0xFFFF  }
0x95: {  	_ =	strace $0x90000047  }
0x96: {  	s0 =	stileid.u32;
	[bflag:$0x2] =	sbarrier.arrive $0xFFFF  }
0x97: {  	p0 =	sne.s32 s0, $0x0;
	s0 =	rddreg [dreg:$0x3]  }
0x98: {  	s0 =	sadd.s32 @!p0 $0x100000, s0  }
0x99: {  	[sflag:s0] =	ssyncadd.tile.s32 @!p0 $0x1;
	_ =	shalt  }
.Lfunc_end2:
_tile_overlayer_lowered:
.L_overlay_start_2:
0x9a: {  	(tag) =	ssettag $0x2  }
0x9b: {  	s0 =	rddreg [dreg:$0x0];
	s2 =	stileid.u32  }
0x9c: {  	s1 =	rddreg [dreg:$0x1];
	p0 =	sne.s32 s2, $0x0  }
0x9d: {  	s3 =	rddreg [dreg:$0x2];
	[bflag:$0x3] =	sbarrier.arrive $0xFFFF;
	s2 =	simm.s32 @!p0 $0x1C07  }
0x9e: {  	[timem:s3], [sflag:s2] =	dma.local @!p0 [hbm:s0], s1  }
0x9f: {  	s0 =	simm.s32 @!p0 $0x7  }
0xa0: {  	_ =	swait.ge @!p0 [sflag:s0], s1  }
0xa1: {  	s1 =	ssub.s32 @!p0 $0x0, s1;
	[sflag:s0] =	ssyncset.done @!p0 $0x0  }
0xa2: {  	[sflag:s0] =	ssyncadd.s32 @!p0 s1  }
0xa3: {  	[bflag:$0x3] =	sbarrier.arrive $0xFFFF  }
0xa4: {  	_ =	shalt  }

// kernel: kernel.15.cloned.1.call-start
scs
__scs_entry_jumppad:
0x0: {  	(pc) =	sbr.rel $0x88, $3  }
0x1: {  	(tag) =	ssettag $0x0;
	lr =	simm.s32 $0x1  }
0x2: {  	[smem:$0x3F90] =	sst lr;
	_ =	strace $0xD0000000  }
0x3: {  	_ = 	snop  }
0x4: {  	_ = 	snop  }
0x5: {  	_ = 	snop  }
0x6: {  	_ = 	snop  }
0x7: {  	_ = 	snop  }
__scs_overlays_trampoline_lowered:
0x8: {  	[smem:$0x3F9F] =	sst s0  }
0x9: {  	[smem:$0x3FA0] =	sst s1  }
0xa: {  	[smem:$0x3FA1] =	sst s2  }
0xb: {  	[smem:$0x3FA2] =	sst s3  }
0xc: {  	[smem:$0x3FA3] =	sst s4  }
0xd: {  	[smem:$0x3FA4] =	sst s5  }
0xe: {  	[smem:$0x3FA5] =	sst s6  }
0xf: {  	[smem:$0x3FA6] =	sst s7  }
0x10: {  	[smem:$0x3FA7] =	sst s8  }
0x11: {  	[smem:$0x3FA8] =	sst s9;
	s0 =	simm.s32 @!p0 $0x0  }
0x12: {  	s1 =	sld [smem:$0x3F8E];
	s0 =	simm.s32 @p0 $0x1  }
0x13: {  	[smem:$0x3FA9] =	sst s0;
	s0 =	simm.s32 @!p1 $0x0  }
0x14: {  	s2 =	sld [smem:$0x3F8D];
	s0 =	simm.s32 @p1 $0x1  }
0x15: {  	[smem:$0x3FAA] =	sst s0;
	s0 =	simm.s32 @!p2 $0x0  }
0x16: {  	s3 =	sld [smem:$0x3FDB];
	s0 =	simm.s32 @p2 $0x1  }
0x17: {  	s4 =	simm.s32 $0x1BF5;
	[smem:$0x3FAC] =	sst s0  }
0x18: {  	s0 =	sld [smem:$0x3F8F];
	_ =	swait.ge [sflag:s4], $0x0  }
0x19: {  	s7 =	sld [smem:$0x3F90]  }
0x1a: {  	s8 =	sadd.s32 $0xFFFFE003, lr  }
0x1b: {  	s9 =	sadd.s32 $0xFFFFFEF7, lr;
	s5 =	simm.s32 $0xFFFFFFFF;
	p2 =	slt.u32 s8, $0xFFFFF086  }
0x1c: {  	p1 =	slt.u32 s9, $0xF7A;
	s5 =	simm.s32 @!p2 $0x0  }
0x1d: {  	s5 =	simm.s32 @p1 $0x1;
	p0 =	seq.s32 s7, s2  }
0x1e: {  	s7 =	smul.u32 @!p0 $0xF7A, s2;
	p2 =	seq.s32 @!p0 s5, $0x0  }
0x1f: {  	s9 =	smul.u32 $0xF7A, s1;
	s8 =	simm.s32 @!p0 $0x1BF5;
	p2 =	por !p2, p0  }
0x20: {  	[sflag:s8] =	ssyncset.s32 @!p0 $0xFFFFF086;
	s6 =	sadd.s32 @!p0 s3, s7;
	s7 =	simm.s32 @!p0 $0x108  }
0x21: {  	s3 =	sadd.s32 s3, s9;
	s6 =	sadd.s32 @!p0 $0x88, s6;
	s7 =	simm.s32 @p2 $0x1082  }
0x22: {  	[simem:s7], [sflag:s8] =	dma.local @!p0 [hbm:s6], $0xF7A  }
0x23: {  	s9 =	sor.u32 $0xD0000000, s2;
	s6 =	simm.s32 $0x108;
	_ =	swait.ge @!p0 [sflag:s8], $0x0  }
0x24: {  	s3 =	sadd.s32 $0x88, s3;
	s6 =	simm.s32 @!p1 $0x1082;
	[sflag:s4] =	ssyncset.s32 $0xFFFFF086  }
0x25: {  	[simem:s6], [sflag:s4] =	dma.local [hbm:s3], $0xF7A  }
0x26: {  	[smem:$0x3F90] =	sst s1;
	(tag) =	ssettag s2;
	_ =	strace s9  }
0x27: {  	s1 =	sld [smem:$0x3FA0]  }
0x28: {  	s2 =	sld [smem:$0x3FA1]  }
0x29: {  	s4 =	sld [smem:$0x3FA3]  }
0x2a: {  	p0 =	seq.s32 s5, $0x0;
	s5 =	sld [smem:$0x3FA4]  }
0x2b: {  	s6 =	sld [smem:$0x3FA5]  }
0x2c: {  	s7 =	sld [smem:$0x3FA6]  }
0x2d: {  	s3 =	simm.s32 $0x108;
	s8 =	sld [smem:$0x3FA7]  }
0x2e: {  	s3 =	simm.s32 @!p0 $0x1082;
	s9 =	sld [smem:$0x3FA8]  }
0x2f: {  	lr =	sadd.s32 s0, s3;
	s0 =	sld [smem:$0x3F9F]  }
0x30: {  	s3 =	sld [smem:$0x3FA2]  }
0x31: {  	[smem:$0x3FAB] =	sst s10  }
0x32: {  	s10 =	sld [smem:$0x3FA9];
	_ =	sdelay $0x3  }
0x33: {  	p0 =	seq.s32 s10, $0x1;
	s10 =	sld [smem:$0x3FAB];
	_ =	sdelay $0x3  }
0x34: {  	[smem:$0x3FAB] =	sst s10  }
0x35: {  	s10 =	sld [smem:$0x3FAA];
	_ =	sdelay $0x3  }
0x36: {  	p1 =	seq.s32 s10, $0x1;
	s10 =	sld [smem:$0x3FAB];
	_ =	sdelay $0x3  }
0x37: {  	[smem:$0x3FAB] =	sst s10  }
0x38: {  	s10 =	sld [smem:$0x3FAC]  }
0x39: {  	_ = 	snop;
	(pc) =	sbr.ind lr, $3  }
0x3a: {  	_ = 	snop  }
0x3b: {  	_ = 	snop  }
0x3c: {  	p2 =	seq.s32 s10, $0x1;
	s10 =	sld [smem:$0x3FAB]  }
0x3d: {  	_ =	shalt  }
0x3e: {  	_ =	shalt  }
0x3f: {  	_ =	shalt  }
0x40: {  	_ =	shalt  }
0x41: {  	_ =	shalt  }
0x42: {  	_ =	shalt  }
0x43: {  	_ =	shalt  }
0x44: {  	_ =	shalt  }
0x45: {  	_ =	shalt  }
0x46: {  	_ =	shalt  }
0x47: {  	_ =	shalt  }
0x48: {  	_ =	shalt  }
0x49: {  	_ =	shalt  }
0x4a: {  	_ =	shalt  }
0x4b: {  	_ =	shalt  }
0x4c: {  	_ =	shalt  }
0x4d: {  	_ =	shalt  }
0x4e: {  	_ =	shalt  }
0x4f: {  	_ =	shalt  }
0x50: {  	_ =	shalt  }
0x51: {  	_ =	shalt  }
0x52: {  	_ =	shalt  }
0x53: {  	_ =	shalt  }
0x54: {  	_ =	shalt  }
0x55: {  	_ =	shalt  }
0x56: {  	_ =	shalt  }
0x57: {  	_ =	shalt  }
0x58: {  	_ =	shalt  }
0x59: {  	_ =	shalt  }
0x5a: {  	_ =	shalt  }
0x5b: {  	_ =	shalt  }
0x5c: {  	_ =	shalt  }
0x5d: {  	_ =	shalt  }
0x5e: {  	_ =	shalt  }
0x5f: {  	_ =	shalt  }
0x60: {  	_ =	shalt  }
0x61: {  	_ =	shalt  }
0x62: {  	_ =	shalt  }
0x63: {  	_ =	shalt  }
0x64: {  	_ =	shalt  }
0x65: {  	_ =	shalt  }
0x66: {  	_ =	shalt  }
0x67: {  	_ =	shalt  }
0x68: {  	_ =	shalt  }
0x69: {  	_ =	shalt  }
0x6a: {  	_ =	shalt  }
0x6b: {  	_ =	shalt  }
0x6c: {  	_ =	shalt  }
0x6d: {  	_ =	shalt  }
0x6e: {  	_ =	shalt  }
0x6f: {  	_ =	shalt  }
0x70: {  	_ =	shalt  }
0x71: {  	_ =	shalt  }
0x72: {  	_ =	shalt  }
0x73: {  	_ =	shalt  }
0x74: {  	_ =	shalt  }
0x75: {  	_ =	shalt  }
0x76: {  	_ =	shalt  }
0x77: {  	_ =	shalt  }
0x78: {  	_ =	shalt  }
0x79: {  	_ =	shalt  }
0x7a: {  	_ =	shalt  }
0x7b: {  	_ =	shalt  }
0x7c: {  	_ =	shalt  }
0x7d: {  	_ =	shalt  }
0x7e: {  	_ =	shalt  }
0x7f: {  	_ =	shalt  }
0x80: {  	_ =	shalt  }
0x81: {  	_ =	shalt  }
0x82: {  	_ =	shalt  }
0x83: {  	_ =	shalt  }
0x84: {  	_ =	shalt  }
0x85: {  	_ =	shalt  }
0x86: {  	_ =	shalt  }
0x87: {  	_ =	shalt  }
.Lfunc_end0:
.L_simem_size_0:
called_computation.2_lowered:
.L_overlay_start_0:
0x88: {  	s2 =	sld [smem:$0x3FD9]  }
0x89: {  	s3 =	sld [smem:$0x3FFE];
	_ =	sdelay $0x1  }
0x8a: {  	s1 =	srdreg.scid  }
0x8b: {  	s0 =	sand.u32 $0x1, s1  }
0x8c: {  	s17 =	sshll.u32 s0, $0xA;
	s2 =	sadd.s32 s3, s2  }
0x8d: {  	s2 =	sadd.s32 s2, s17  }
0x8e: {  	[smem:$0x3FB7] =	sst s2  }
0x8f: {  	_ = 	snop  }
0x90: {  	s2 =	sld [smem:$0x3FD0];
	(tm) =	ssettm $0x1  }
0x91: {  	s18 =	sld [smem:$0x3FFB];
	_ =	sdelay $0x3  }
0x92: {  	_ =	strace s18  }
0x93: {  	s3 =	sld [smem:$0x3FFC];
	_ =	sdelay $0x3  }
0x94: {  	_ =	strace s3  }
0x95: {  	s3 =	sld [smem:$0x3FFD];
	_ =	sdelay $0x3  }
0x96: {  	_ =	strace s3  }
0x97: {  	_ =	strace $0x8FFFFFFF  }
0x98: {  	s19 =	sld [smem:$0x3FDB];
	_ =	sdelay $0x1  }
0x99: {  	s4 =	simm.s32 $_scs_section_size  }
0x9a: {  	s5 =	simm.s32 $_size__tile_overlayer_lowered;
	s6 =	simm.s32 $_tile_overlayer_lowered  }
0x9b: {  	s22 =	simm.s32 $0x1BFF;
	s21 =	sshll.u32 s6, $0x1;
	s3 =	sadd.s32 s4, s19  }
0x9c: {  	s7 =	simm.s32 $0x0;
	s20 =	sshll.u32 s5, $0x1;
	s5 =	sadd.s32 s21, s3  }
0x9d: {  	[timem:s7], [sflag:s22] =	dma.local [hbm:s5], s20  }
0x9e: {  	_ =	swait.ge [sflag:s22], s20  }
0x9f: {  	s4 =	ssub.s32 $0x0, s20;
	[sflag:s22] =	ssyncset.done $0x0  }
0xa0: {  	[sflag:s22] =	ssyncadd.s32 s4;
	_ =	sdelay $0x1  }
0xa1: {  	s23 =	simm.s32 $0x1B8B  }
0xa2: {  	_ =	swait.ge [sflag:s23], $0x1  }
0xa3: {  	[sflag:s23] =	ssyncset.done $0x0  }
0xa4: {  	s25 =	simm.s32 $0x1B8E;
	s24 =	sld [smem:$0x3FFE];
	[sflag:s23] =	ssyncadd.s32 $0xFFFFFFFF  }
0xa5: {  	s26 =	simm.s32 $execute0_lowered;
	[smem:$0x3FD2] =	sst s25  }
0xa6: {  	s5 =	sshll.u32 s26, $0x1;
	_ =	strace $0x8000004C;
	[dreg:$0x1] =	wrdreg $0xFFFFFFFF  }
0xa7: {  	s28 =	simm.s32 $_size_execute0_lowered;
	s3 =	sadd.s32 s3, s5;
	[dreg:$0x0] =	wrdreg $0x0  }
0xa8: {  	s5 =	sshll.u32 s28, $0x1;
	[dreg:$0x2] =	wrdreg s3  }
0xa9: {  	[dreg:$0x3] =	wrdreg s5  }
0xaa: {  	[dreg:$0x4] =	wrdreg $0xC0  }
0xab: {  	_ =	task [dreg:s7], $0x5FFFF  }
0xac: {  	[dreg:$0x1] =	wrdreg $0xFFFFFFFF  }
0xad: {  	[dreg:$0x0] =	wrdreg $0x60  }
0xae: {  	[dreg:$0x2] =	wrdreg s2  }
0xaf: {  	[dreg:$0x3] =	wrdreg s24  }
0xb0: {  	[dreg:$0x4] =	wrdreg $0xC1000  }
0xb1: {  	[dreg:$0x5] =	wrdreg $0x9  }
0xb2: {  	_ =	task.clear_ibuf [dreg:s7], $0x6FFFF;
	_ =	strace $0x9000004C  }
0xb3: {  	s29 =	simm.s32 $0x9;
	_ =	strace $0x8000004E  }
0xb4: {  	_ =	swait.ge [sflag:s29], $0x1  }
0xb5: {  	[sflag:s29] =	ssyncadd.s32 $0xFFFFFFFF  }
0xb6: {  	_ =	strace $0x9000004E  }
0xb7: {  	_ =	sfence  }
0xb8: {  	s30 =	sld [smem:$0x0];
	_ =	sdelay $0x2  }
0xb9: {  	s31 =	sshll.u32 s1, $0xD;
	s1 =	sshrl.u32 s1, $0x2  }
0xba: {  	s3 =	sand.u32 $0x4000, s31;
	s1 =	sadd.s32 s1, s30  }
0xbb: {  	s0 =	sor.u32 s3, s0;
	s1 =	sshll.u32 s1, $0x11  }
0xbc: {  	s0 =	sor.u32 s1, s0  }
0xbd: {  	s0 =	sadd.s32 $0x8F2B, s0  }
0xbe: {  	[sflag:s0] =	ssyncadd.remote.s32 $0x1  }
0xbf: {  	_ =	sfence.sel $0xFFFF  }
0xc0: {  	[dreg:$0x0] =	wrdreg $0xFFFFFFFF;
	(pc) =	sbr.abs _section_cstart, $3  }
0xc1: {  	[dreg:$0x1] =	wrdreg $0xFFFFFFFF  }
0xc2: {  	_ =	task.clear_ibuf [dreg:s7], $0x2FFFF;
	_ =	strace $0x9FFFFFFF  }
0xc3: {  	(tm) =	ssettm $0x7FFFFFFF  }
tec
execute0_lowered:
.L_overlay_start_1:
0x0: {  	(tag) =	ssettag $0x1  }
0x1: {  	s1 =	rddreg [dreg:$0x0]  }
0x2: {  	s0 =	rddreg [dreg:$0x1]  }
0x3: {  	s3 =	rddreg [dreg:$0x2];
	s5 =	srdreg.scid;
	s4 =	simm.s32 $0x0  }
0x4: {  	s2 =	stileid.u32;
	s19 =	simm.s32 $0x4100;
	s20 =	simm.s32 $0x7  }
0x5: {  	s24 =	simm.s32 $0x0;
	s5 =	sand.u32 $0x1, s5;
	[smem:$0x7FF] =	sst s4  }
0x6: {  	s6 =	sshll.u32 s2, $0x5;
	s7 =	sshll.u32 s2, $0x7;
	s25 =	smul.u32 $0x13C00, s2  }
0x7: {  	s26 =	smul.u32 $0x4F000, s2;
	p0 =	seq.s32 s5, $0x0;
	s6 =	sor.u32 $0x800, s6  }
0x8: {  	s8 =	smul.u32 $0x13C000, s5;
	_ =	strace $0x8000004D;
	s5 =	ssub.s32 $0x2, s5  }
0x9: {  	s6 =	smov.u32 @p0 s7;
	s29 =	sshrl.u32 s5, $0x1;
	s30 =	sshrl.u32 s26, $0x2  }
0xa: {  	s6 =	sshll.u32 s6, $0x4;
	s7 =	sadd.s32 s25, s8;
	s17 =	ssub.s32 s5, s29  }
0xb: {  	s18 =	sadd.s32 s6, s0;
	s28 =	sshrl.u32 s7, $0x3;
	s6 =	simm.s32 $0x80  }
0xc: {  	s7 =	sadd.s32 s30, s3;
	s17 =	smax.u32 s17, $0x1;
	s0 =	sadd.s32 s28, s0  }
0xd: {  	s6 =	simm.s32 @!p0 $0x20;
	s31 =	sadd.s32 $0x4000, s7;
	s9 =	sadd.s32 $0x8000, s7  }
0xe: {  	s10 =	sadd.s32 $0xC000, s7;
	s11 =	sadd.s32 $0x10000, s7;
	s12 =	sadd.s32 $0xE000, s18  }
0xf: {  	s13 =	sadd.s32 $0x4000, s18;
	s14 =	sadd.s32 $0x4010, s18;
	[dreg:$0x4] =	wrdreg s31  }
0x10: {  	v0 =	vimm.f32 $0.0e+00;
	s15 =	sadd.s32 $0xFFFFFFFF, s6;
	s16 =	sadd.s32 $0x18A00, s0;
	s0 =	sadd.s32 $0x4030, s18  }
.LBB2_1:
0x11: {  	s18 =	sand.u32 $0xFE00, s4  }
0x12: {  	s21 =	sand.u32 $0x70, s4;
	s22 =	sshrl.u32 s18, $0x2  }
0x13: {  	s18 =	simm.s32 $0x40;
	s22 =	sor.u32 s21, s22;
	s21 =	simm.s32 $0x0  }
.LBB2_2:
0x14: {  	p0 =	sne.s32 s18, $0xFFC0  }
0x15: {  	[tilespmem:s22+$0x4100] =	vst v0;
	s21 =	sadd.s32 $0x10, s21;
	s22 =	smov.u32 s18;
	s18 =	sadd.s32 $0x40, s18  }
.Ltmp0:
0x16: {  	(pc) =	sbr.rel @p0 .LBB2_2-.Ltmp0, $4  }
0x17: {  	_ = 	snop  }
0x18: {  	s22 =	sand.u32 $0xFE00, s22  }
0x19: {  	s25 =	sand.u32 $0x70, s21;
	s22 =	sshrl.u32 s22, $0x2  }
0x1a: {  	s22 =	sor.u32 s25, s22  }
0x1b: {  	[tilespmem:s22+$0x4100] =	vst v0  }
0x1c: {  	[spmem:s7] =	stream.linear.scatter [tilespmem:s19], [sflag:$0x7], $0x4000, $0x38;
	[tilespmem:$0x1FD00] =	vst v63  }
0x1d: {  	_ =	swait.ge [sflag:s20], $0x4000  }
0x1e: {  	[sflag:s20] =	ssyncset.done $0x0  }
0x1f: {  	s2 =	rddreg [dreg:$0x4];
	[sflag:s20] =	ssyncadd.s32 $0xFFFFC000  }
0x20: {  	[spmem:s2] =	stream.linear.scatter [tilespmem:s19], [sflag:$0x7], $0x4000, $0x38;
	[tilespmem:$0x1FD00] =	vst v63  }
0x21: {  	_ =	swait.ge [sflag:s20], $0x4000  }
0x22: {  	[sflag:s20] =	ssyncset.done $0x0  }
0x23: {  	[sflag:s20] =	ssyncadd.s32 $0xFFFFC000  }
0x24: {  	[spmem:s9] =	stream.linear.scatter [tilespmem:s19], [sflag:$0x7], $0x4000, $0x38;
	[tilespmem:$0x1FD00] =	vst v63  }
0x25: {  	_ =	swait.ge [sflag:s20], $0x4000  }
0x26: {  	[sflag:s20] =	ssyncset.done $0x0  }
0x27: {  	[sflag:s20] =	ssyncadd.s32 $0xFFFFC000  }
0x28: {  	[spmem:s10] =	stream.linear.scatter [tilespmem:s19], [sflag:$0x7], $0x4000, $0x38;
	[tilespmem:$0x1FD00] =	vst v63  }
0x29: {  	_ =	swait.ge [sflag:s20], $0x4000  }
0x2a: {  	[sflag:s20] =	ssyncset.done $0x0  }
0x2b: {  	[sflag:s20] =	ssyncadd.s32 $0xFFFFC000  }
0x2c: {  	[spmem:s11] =	stream.linear.scatter [tilespmem:s19], [sflag:$0x7], $0x3C00, $0x38;
	[tilespmem:$0x1FD00] =	vst v63  }
0x2d: {  	_ =	swait.ge [sflag:s20], $0x3C00  }
0x2e: {  	[sflag:s20] =	ssyncset.done $0x0  }
0x2f: {  	[sflag:s20] =	ssyncadd.s32 $0xFFFFC400  }
0x30: {  	[tilespmem:s4], [sflag:$0x7] =	stream.linear.gather [hbm4b:s12+s4], $0x4000, $0x38;
	[tilespmem:$0x1FD00] =	vst v63  }
0x31: {  	_ =	swait.ge [sflag:s20], $0x4000  }
0x32: {  	[sflag:s20] =	ssyncset.done $0x0  }
0x33: {  	[sflag:s20] =	ssyncadd.s32 $0xFFFFC000  }
0x34: {  	s23 =	simm.s32 $0x4000;
	[bflag:$0x0] =	sbarrier.arrive $0xFFFF  }
0x35: {  	[tilespmem:s23], [sflag:$0x3] =	stream.linear.gather [hbm4b:s13+s4], $0x80, $0x38;
	[tilespmem:$0x1FD00] =	vst v63  }
0x36: {  	s25 =	simm.s32 $0x80  }
0x37: {  	[tilespmem:s19], [sflag:$0x1] =	stream.indirect.gather [hbm4b:s1+s25], $0x80, s4, s25, $0xb8;
	[tilespmem:$0x1FD00] =	vst v63  }
0x38: {  	s5 =	simm.s32 $0x4080;
	p1 =	sle.u32 s6, $0x0  }
0x39: {  	[tilespmem:s5], [sflag:$0x4] =	stream.linear.gather [hbm4b:s14+s4], $0x80, $0x38;
	[tilespmem:$0x1FD00] =	vst v63  }
0x3a: {  	s26 =	simm.s32 $0x8100;
	s18 =	simm.s32 @!p1 $0x1  }
0x3b: {  	[tilespmem:s26], [sflag:$0x2] =	stream.indirect.gather [hbm4b:s1+s25], $0x80, s25, s25, $0xb8;
	[tilespmem:$0x1FD00] =	vst v63  }
0x3c: {  	_ =	swait.ge @!p1 [sflag:s18], $0x4000  }
0x3d: {  	[sflag:s18] =	ssyncset.done @!p1 $0x0  }
0x3e: {  	s21 =	simm.s32 @!p1 $0x3;
	[sflag:s18] =	ssyncadd.s32 @!p1 $0xFFFFC000  }
0x3f: {  	s22 =	simm.s32 @!p1 $0x5;
	_ =	swait.ge @!p1 [sflag:s21], $0x80  }
0x40: {  	p0 =	sle.u32 @!p1 s6, $0x2;
	s25 =	simm.s32 @!p1 $0x80;
	[sflag:s21] =	ssyncset.done @!p1 $0x0  }
0x41: {  	s26 =	simm.s32 @!p1 $0x4000;
	s18 =	simm.s32 @!p1 $0x4100;
	[sflag:s21] =	ssyncadd.s32 @!p1 $0xFFFFFF80  }
0x42: {  	[spmem:s3] =	stream.indirect.scatter.add.f32 @!p1 [tilespmem:s18], [sflag:$0x5], $0x80, s26, s25, $0xb8;
	[tilespmem:$0x1FD00] =	vst v63  }
0x43: {  	p2 =	por p0, p1;
	p0 =	sle.u32 s15, $0x0;
	_ =	swait.ge @!p1 [sflag:s22], $0x4000  }
0x44: {  	s21 =	simm.s32 @!p2 $0x0;
	s18 =	sadd.s32 @!p2 $0xFFFFFFF0, s0;
	[sflag:s22] =	ssyncset.done @!p1 $0x0  }
0x45: {  	s25 =	simm.s32 @!p2 $0x4000;
	s26 =	simm.s32 @!p2 $0x4100;
	[sflag:s22] =	ssyncadd.s32 @!p1 $0xFFFFC000  }
0x46: {  	[tilespmem:s25], [sflag:$0x3] =	stream.linear.gather @!p2 [hbm4b:s18+s21], $0x80, $0x38;
	[tilespmem:$0x1FD00] =	vst v63  }
0x47: {  	s22 =	simm.s32 @!p0 $0x2;
	s18 =	simm.s32 @!p2 $0x100;
	s21 =	simm.s32 @!p2 $0x80  }
0x48: {  	[tilespmem:s26], [sflag:$0x1] =	stream.indirect.gather @!p2 [hbm4b:s1+s21], $0x80, s18, s21, $0xb8;
	[tilespmem:$0x1FD00] =	vst v63  }
0x49: {  	_ =	swait.ge @!p0 [sflag:s22], $0x4000  }
0x4a: {  	s29 =	simm.s32 $0x180;
	[sflag:s22] =	ssyncset.done @!p0 $0x0  }
0x4b: {  	s30 =	simm.s32 $0x7;
	s18 =	simm.s32 @!p0 $0x4;
	[sflag:s22] =	ssyncadd.s32 @!p0 $0xFFFFC000  }
0x4c: {  	s31 =	simm.s32 $0x2;
	s28 =	simm.s32 @!p0 $0x4080;
	_ =	swait.ge @!p0 [sflag:s18], $0x80  }
0x4d: {  	p1 =	sle.u32 @!p0 s6, $0x3;
	s25 =	simm.s32 $0x280;
	[sflag:s18] =	ssyncset.done @!p0 $0x0  }
0x4e: {  	s21 =	simm.s32 @!p0 $0x8100;
	s22 =	simm.s32 @!p0 $0x80;
	[sflag:s18] =	ssyncadd.s32 @!p0 $0xFFFFFF80  }
0x4f: {  	[spmem:s3] =	stream.indirect.scatter.add.f32 @!p0 [tilespmem:s21], [sflag:$0x6], $0x80, s28, s22, $0xb8;
	[tilespmem:$0x1FD00] =	vst v63  }
0x50: {  	p3 =	por p1, p0;
	s26 =	simm.s32 $0x5;
	s22 =	simm.s32 @!p0 $0x6  }
0x51: {  	s18 =	smov.u32 s0;
	s28 =	sadd.s32 $0x20, s0;
	_ =	swait.ge @!p0 [sflag:s22], $0x4000  }
.LBB2_4:
0x52: {  	p2 =	sge.u32 s31, s6;
	[sflag:s22] =	ssyncset.done @!p0 $0x0  }
0x53: {  	s23 =	simm.s32 @!p3 $0x0;
	s21 =	smov.u32 s26;
	s26 =	smov.u32 s30  }
0x54: {  	s2 =	simm.s32 @!p3 $0x80;
	[sflag:s22] =	ssyncadd.s32 @!p0 $0xFFFFC000;
	s22 =	simm.s32 @!p3 $0x4080  }
0x55: {  	[tilespmem:s22], [sflag:$0x4] =	stream.linear.gather @!p3 [hbm4b:s18+s23], $0x80, $0x38;
	[tilespmem:$0x1FD00] =	vst v63  }
0x56: {  	s18 =	simm.s32 @!p2 $0x1;
	s22 =	sadd.s32 @!p2 $0xFFFFFFFF, s21;
	s23 =	simm.s32 @!p3 $0x8100  }
0x57: {  	[tilespmem:s23], [sflag:$0x2] =	stream.indirect.gather @!p3 [hbm4b:s1+s2], $0x80, s29, s2, $0xb8;
	[tilespmem:$0x1FD00] =	vst v63  }
0x58: {  	s30 =	sadd.s32 $0x2, s30;
	p0 =	sge.u32 @!p2 s22, s6;
	_ =	swait.ge @!p2 [sflag:s18], $0x4000  }
0x59: {  	p1 =	sne.s32 s30, $0x83;
	s2 =	simm.s32 @!p2 $0x3;
	[sflag:s18] =	ssyncset.done @!p2 $0x0  }
0x5a: {  	s29 =	smov.u32 s25;
	[sflag:s18] =	ssyncadd.s32 @!p2 $0xFFFFC000;
	s18 =	smov.u32 s28  }
0x5b: {  	s22 =	simm.s32 @!p2 $0x4100;
	s23 =	simm.s32 @!p2 $0x5;
	_ =	swait.ge @!p2 [sflag:s2], $0x80  }
0x5c: {  	s5 =	simm.s32 @!p2 $0x80;
	s8 =	simm.s32 @!p2 $0x4000;
	[sflag:s2] =	ssyncset.done @!p2 $0x0  }
0x5d: {  	[sflag:s2] =	ssyncadd.s32 @!p2 $0xFFFFFF80  }
0x5e: {  	[spmem:s3] =	stream.indirect.scatter.add.f32 @!p2 [tilespmem:s22], [sflag:$0x5], $0x80, s8, s5, $0xb8;
	[tilespmem:$0x1FD00] =	vst v63  }
0x5f: {  	p3 =	por p0, p2;
	_ =	swait.ge @!p2 [sflag:s23], $0x4000  }
0x60: {  	s2 =	sadd.s32 @!p3 $0xFFFFFFF0, s28;
	s5 =	simm.s32 @!p3 $0x0;
	[sflag:s23] =	ssyncset.done @!p2 $0x0  }
0x61: {  	p0 =	sge.u32 s31, s15;
	s8 =	simm.s32 @!p3 $0x4000;
	s22 =	simm.s32 @!p3 $0x4100  }
0x62: {  	[sflag:s23] =	ssyncadd.s32 @!p2 $0xFFFFC000  }
0x63: {  	[tilespmem:s8], [sflag:$0x3] =	stream.linear.gather @!p3 [hbm4b:s2+s5], $0x80, $0x38;
	[tilespmem:$0x1FD00] =	vst v63  }
0x64: {  	s2 =	sadd.s32 @!p3 $0xFFFFFF80, s25;
	s5 =	simm.s32 @!p3 $0x80;
	s8 =	simm.s32 @!p0 $0x2  }
0x65: {  	[tilespmem:s22], [sflag:$0x1] =	stream.indirect.gather @!p3 [hbm4b:s1+s5], $0x80, s2, s5, $0xb8;
	[tilespmem:$0x1FD00] =	vst v63  }
0x66: {  	_ =	swait.ge @!p0 [sflag:s8], $0x4000  }
0x67: {  	s2 =	simm.s32 @!p0 $0x4;
	[sflag:s8] =	ssyncset.done @!p0 $0x0  }
0x68: {  	s25 =	sadd.s32 $0x100, s25;
	s5 =	simm.s32 @!p0 $0x8100;
	[sflag:s8] =	ssyncadd.s32 @!p0 $0xFFFFC000  }
.Ltmp1:
0x69: {  	s22 =	simm.s32 @!p0 $0x6;
	_ =	swait.ge @!p0 [sflag:s2], $0x80;
	(pc) =	sbr.rel @p1 .LBB2_4-.Ltmp1, $4  }
0x6a: {  	s23 =	simm.s32 @!p0 $0x4080;
	s8 =	simm.s32 @!p0 $0x80;
	[sflag:s2] =	ssyncset.done @!p0 $0x0  }
0x6b: {  	s28 =	sadd.s32 $0x20, s28;
	p2 =	sge.u32 @!p0 s21, s6;
	[sflag:s2] =	ssyncadd.s32 @!p0 $0xFFFFFF80  }
0x6c: {  	[spmem:s3] =	stream.indirect.scatter.add.f32 @!p0 [tilespmem:s5], [sflag:$0x6], $0x80, s23, s8, $0xb8;
	[tilespmem:$0x1FD00] =	vst v63  }
0x6d: {  	s31 =	sadd.s32 $0xFFFFFFFD, s26;
	p3 =	por p2, p0;
	_ =	swait.ge @!p0 [sflag:s22], $0x4000  }
0x6e: {  	p1 =	sge.u32 s31, s6;
	[sflag:s22] =	ssyncset.done @!p0 $0x0  }
0x6f: {  	s2 =	simm.s32 @!p3 $0x0;
	s5 =	simm.s32 @!p3 $0x4080;
	[sflag:s22] =	ssyncadd.s32 @!p0 $0xFFFFC000  }
0x70: {  	[tilespmem:s5], [sflag:$0x4] =	stream.linear.gather @!p3 [hbm4b:s18+s2], $0x80, $0x38;
	[tilespmem:$0x1FD00] =	vst v63  }
0x71: {  	s8 =	simm.s32 @!p3 $0x8100;
	s2 =	simm.s32 @!p3 $0x80;
	s5 =	simm.s32 @!p1 $0x1  }
0x72: {  	[tilespmem:s8], [sflag:$0x2] =	stream.indirect.gather @!p3 [hbm4b:s1+s2], $0x80, s29, s2, $0xb8;
	[tilespmem:$0x1FD00] =	vst v63  }
0x73: {  	_ =	swait.ge @!p1 [sflag:s5], $0x4000  }
0x74: {  	[sflag:s5] =	ssyncset.done @!p1 $0x0  }
0x75: {  	s2 =	simm.s32 @!p1 $0x3;
	[sflag:s5] =	ssyncadd.s32 @!p1 $0xFFFFC000  }
0x76: {  	s21 =	simm.s32 @!p1 $0x80;
	s18 =	simm.s32 @!p1 $0x5;
	_ =	swait.ge @!p1 [sflag:s2], $0x80  }
0x77: {  	s8 =	simm.s32 @!p1 $0x4100;
	s5 =	sadd.s32 @!p1 $0xFFFFFFFF, s26;
	[sflag:s2] =	ssyncset.done @!p1 $0x0  }
0x78: {  	p0 =	sge.u32 @!p1 s5, s6;
	[sflag:s2] =	ssyncadd.s32 @!p1 $0xFFFFFF80;
	s2 =	simm.s32 @!p1 $0x4000  }
0x79: {  	[spmem:s3] =	stream.indirect.scatter.add.f32 @!p1 [tilespmem:s8], [sflag:$0x5], $0x80, s2, s21, $0xb8;
	[tilespmem:$0x1FD00] =	vst v63  }
0x7a: {  	p2 =	por p0, p1;
	p0 =	sge.u32 s31, s15;
	_ =	swait.ge @!p1 [sflag:s18], $0x4000  }
0x7b: {  	s5 =	simm.s32 @!p2 $0x0;
	s2 =	sadd.s32 @!p2 $0xFFFFFFF0, s28;
	[sflag:s18] =	ssyncset.done @!p1 $0x0  }
0x7c: {  	s8 =	simm.s32 @!p2 $0x4000;
	s21 =	simm.s32 @!p2 $0x4100;
	[sflag:s18] =	ssyncadd.s32 @!p1 $0xFFFFC000  }
0x7d: {  	[tilespmem:s8], [sflag:$0x3] =	stream.linear.gather @!p2 [hbm4b:s2+s5], $0x80, $0x38;
	[tilespmem:$0x1FD00] =	vst v63  }
0x7e: {  	s2 =	sadd.s32 @!p2 $0xFFFFFF80, s25;
	s5 =	simm.s32 @!p2 $0x80;
	s8 =	simm.s32 @!p0 $0x2  }
0x7f: {  	[tilespmem:s21], [sflag:$0x1] =	stream.indirect.gather @!p2 [hbm4b:s1+s5], $0x80, s2, s5, $0xb8;
	[tilespmem:$0x1FD00] =	vst v63  }
0x80: {  	_ =	swait.ge @!p0 [sflag:s8], $0x4000  }
0x81: {  	[sflag:s8] =	ssyncset.done @!p0 $0x0  }
0x82: {  	s2 =	simm.s32 @!p0 $0x4;
	[sflag:s8] =	ssyncadd.s32 @!p0 $0xFFFFC000  }
0x83: {  	_ =	swait.ge @!p0 [sflag:s2], $0x80  }
0x84: {  	s18 =	simm.s32 @!p0 $0x80;
	s5 =	simm.s32 @!p0 $0x8100;
	[sflag:s2] =	ssyncset.done @!p0 $0x0  }
0x85: {  	s21 =	simm.s32 @!p0 $0x4080;
	s8 =	simm.s32 @!p0 $0x6;
	[sflag:s2] =	ssyncadd.s32 @!p0 $0xFFFFFF80  }
0x86: {  	[spmem:s3] =	stream.indirect.scatter.add.f32 @!p0 [tilespmem:s5], [sflag:$0x6], $0x80, s21, s18, $0xb8;
	[tilespmem:$0x1FD00] =	vst v63  }
0x87: {  	p1 =	sge.u32 @!p0 s26, s6;
	_ =	swait.ge @!p0 [sflag:s8], $0x4000  }
0x88: {  	s30 =	stileid.u32;
	p1 =	por p1, p0;
	[sflag:s8] =	ssyncset.done @!p0 $0x0  }
0x89: {  	s2 =	simm.s32 @!p1 $0x0;
	s5 =	simm.s32 @!p1 $0x4080;
	[sflag:s8] =	ssyncadd.s32 @!p0 $0xFFFFC000  }
0x8a: {  	[tilespmem:s5], [sflag:$0x4] =	stream.linear.gather @!p1 [hbm4b:s28+s2], $0x80, $0x38;
	[tilespmem:$0x1FD00] =	vst v63  }
0x8b: {  	s24 =	sadd.s32 $0x1, s24;
	s2 =	simm.s32 @!p1 $0x80;
	s5 =	simm.s32 @!p1 $0x8100  }
0x8c: {  	[tilespmem:s5], [sflag:$0x2] =	stream.indirect.gather @!p1 [hbm4b:s1+s2], $0x80, s25, s2, $0xb8;
	[tilespmem:$0x1FD00] =	vst v63  }
0x8d: {  	s31 =	sshrl.u32 s7, $0x3;
	p0 =	sne.s32 s24, s17;
	s2 =	sshll.u32 s30, $0x6  }
.Ltmp2:
0x8e: {  	[bflag:$0x0] =	sbarrier.arrive $0xFFFF;
	s2 =	sor.u32 $0x1C07, s2;
	(pc) =	sbr.rel @p0 .LBB2_1-.Ltmp2, $4  }
0x8f: {  	[hbm:s16], [sflag:s2] =	dma.local [spmem:s31], $0x2780  }
0x90: {  	_ =	swait.ge [sflag:s20], $0x2780  }
0x91: {  	[sflag:s20] =	ssyncset.done $0x0  }
0x92: {  	[sflag:s20] =	ssyncadd.s32 $0xFFFFD880  }
0x93: {  	_ =	sfence.sel $0x180000  }
0x94: {  	[bflag:$0x0] =	sbarrier.arrive $0xFFFF  }
0x95: {  	_ =	strace $0x9000004D  }
0x96: {  	s0 =	stileid.u32;
	[bflag:$0x2] =	sbarrier.arrive $0xFFFF  }
0x97: {  	p0 =	sne.s32 s0, $0x0;
	s0 =	rddreg [dreg:$0x3]  }
0x98: {  	s0 =	sadd.s32 @!p0 $0x100000, s0  }
0x99: {  	[sflag:s0] =	ssyncadd.tile.s32 @!p0 $0x1;
	_ =	shalt  }
.Lfunc_end2:
_tile_overlayer_lowered:
.L_overlay_start_2:
0x9a: {  	(tag) =	ssettag $0x2  }
0x9b: {  	s0 =	rddreg [dreg:$0x0];
	s2 =	stileid.u32  }
0x9c: {  	s1 =	rddreg [dreg:$0x1];
	p0 =	sne.s32 s2, $0x0  }
0x9d: {  	s3 =	rddreg [dreg:$0x2];
	[bflag:$0x3] =	sbarrier.arrive $0xFFFF;
	s2 =	simm.s32 @!p0 $0x1C07  }
0x9e: {  	[timem:s3], [sflag:s2] =	dma.local @!p0 [hbm:s0], s1  }
0x9f: {  	s0 =	simm.s32 @!p0 $0x7  }
0xa0: {  	_ =	swait.ge @!p0 [sflag:s0], s1  }
0xa1: {  	s1 =	ssub.s32 @!p0 $0x0, s1;
	[sflag:s0] =	ssyncset.done @!p0 $0x0  }
0xa2: {  	[sflag:s0] =	ssyncadd.s32 @!p0 s1  }
0xa3: {  	[bflag:$0x3] =	sbarrier.arrive $0xFFFF  }
0xa4: {  	_ =	shalt  }

// kernel: kernel.18.cloned.1.call-start
scs
__scs_entry_jumppad:
0x0: {  	(pc) =	sbr.rel $0x88, $3  }
0x1: {  	(tag) =	ssettag $0x0;
	lr =	simm.s32 $0x1  }
0x2: {  	[smem:$0x3F90] =	sst lr;
	_ =	strace $0xD0000000  }
0x3: {  	_ = 	snop  }
0x4: {  	_ = 	snop  }
0x5: {  	_ = 	snop  }
0x6: {  	_ = 	snop  }
0x7: {  	_ = 	snop  }
__scs_overlays_trampoline_lowered:
0x8: {  	[smem:$0x3F9F] =	sst s0  }
0x9: {  	[smem:$0x3FA0] =	sst s1  }
0xa: {  	[smem:$0x3FA1] =	sst s2  }
0xb: {  	[smem:$0x3FA2] =	sst s3  }
0xc: {  	[smem:$0x3FA3] =	sst s4  }
0xd: {  	[smem:$0x3FA4] =	sst s5  }
0xe: {  	[smem:$0x3FA5] =	sst s6  }
0xf: {  	[smem:$0x3FA6] =	sst s7  }
0x10: {  	[smem:$0x3FA7] =	sst s8  }
0x11: {  	[smem:$0x3FA8] =	sst s9;
	s0 =	simm.s32 @!p0 $0x0  }
0x12: {  	s1 =	sld [smem:$0x3F8E];
	s0 =	simm.s32 @p0 $0x1  }
0x13: {  	[smem:$0x3FA9] =	sst s0;
	s0 =	simm.s32 @!p1 $0x0  }
0x14: {  	s2 =	sld [smem:$0x3F8D];
	s0 =	simm.s32 @p1 $0x1  }
0x15: {  	[smem:$0x3FAA] =	sst s0;
	s0 =	simm.s32 @!p2 $0x0  }
0x16: {  	s3 =	sld [smem:$0x3FDB];
	s0 =	simm.s32 @p2 $0x1  }
0x17: {  	s4 =	simm.s32 $0x1BF5;
	[smem:$0x3FAC] =	sst s0  }
0x18: {  	s0 =	sld [smem:$0x3F8F];
	_ =	swait.ge [sflag:s4], $0x0  }
0x19: {  	s7 =	sld [smem:$0x3F90]  }
0x1a: {  	s8 =	sadd.s32 $0xFFFFE003, lr  }
0x1b: {  	s9 =	sadd.s32 $0xFFFFFEF7, lr;
	s5 =	simm.s32 $0xFFFFFFFF;
	p2 =	slt.u32 s8, $0xFFFFF086  }
0x1c: {  	p1 =	slt.u32 s9, $0xF7A;
	s5 =	simm.s32 @!p2 $0x0  }
0x1d: {  	s5 =	simm.s32 @p1 $0x1;
	p0 =	seq.s32 s7, s2  }
0x1e: {  	s7 =	smul.u32 @!p0 $0xF7A, s2;
	p2 =	seq.s32 @!p0 s5, $0x0  }
0x1f: {  	s9 =	smul.u32 $0xF7A, s1;
	s8 =	simm.s32 @!p0 $0x1BF5;
	p2 =	por !p2, p0  }
0x20: {  	[sflag:s8] =	ssyncset.s32 @!p0 $0xFFFFF086;
	s6 =	sadd.s32 @!p0 s3, s7;
	s7 =	simm.s32 @!p0 $0x108  }
0x21: {  	s3 =	sadd.s32 s3, s9;
	s6 =	sadd.s32 @!p0 $0x88, s6;
	s7 =	simm.s32 @p2 $0x1082  }
0x22: {  	[simem:s7], [sflag:s8] =	dma.local @!p0 [hbm:s6], $0xF7A  }
0x23: {  	s9 =	sor.u32 $0xD0000000, s2;
	s6 =	simm.s32 $0x108;
	_ =	swait.ge @!p0 [sflag:s8], $0x0  }
0x24: {  	s3 =	sadd.s32 $0x88, s3;
	s6 =	simm.s32 @!p1 $0x1082;
	[sflag:s4] =	ssyncset.s32 $0xFFFFF086  }
0x25: {  	[simem:s6], [sflag:s4] =	dma.local [hbm:s3], $0xF7A  }
0x26: {  	[smem:$0x3F90] =	sst s1;
	(tag) =	ssettag s2;
	_ =	strace s9  }
0x27: {  	s1 =	sld [smem:$0x3FA0]  }
0x28: {  	s2 =	sld [smem:$0x3FA1]  }
0x29: {  	s4 =	sld [smem:$0x3FA3]  }
0x2a: {  	p0 =	seq.s32 s5, $0x0;
	s5 =	sld [smem:$0x3FA4]  }
0x2b: {  	s6 =	sld [smem:$0x3FA5]  }
0x2c: {  	s7 =	sld [smem:$0x3FA6]  }
0x2d: {  	s3 =	simm.s32 $0x108;
	s8 =	sld [smem:$0x3FA7]  }
0x2e: {  	s3 =	simm.s32 @!p0 $0x1082;
	s9 =	sld [smem:$0x3FA8]  }
0x2f: {  	lr =	sadd.s32 s0, s3;
	s0 =	sld [smem:$0x3F9F]  }
0x30: {  	s3 =	sld [smem:$0x3FA2]  }
0x31: {  	[smem:$0x3FAB] =	sst s10  }
0x32: {  	s10 =	sld [smem:$0x3FA9];
	_ =	sdelay $0x3  }
0x33: {  	p0 =	seq.s32 s10, $0x1;
	s10 =	sld [smem:$0x3FAB];
	_ =	sdelay $0x3  }
0x34: {  	[smem:$0x3FAB] =	sst s10  }
0x35: {  	s10 =	sld [smem:$0x3FAA];
	_ =	sdelay $0x3  }
0x36: {  	p1 =	seq.s32 s10, $0x1;
	s10 =	sld [smem:$0x3FAB];
	_ =	sdelay $0x3  }
0x37: {  	[smem:$0x3FAB] =	sst s10  }
0x38: {  	s10 =	sld [smem:$0x3FAC]  }
0x39: {  	_ = 	snop;
	(pc) =	sbr.ind lr, $3  }
0x3a: {  	_ = 	snop  }
0x3b: {  	_ = 	snop  }
0x3c: {  	p2 =	seq.s32 s10, $0x1;
	s10 =	sld [smem:$0x3FAB]  }
0x3d: {  	_ =	shalt  }
0x3e: {  	_ =	shalt  }
0x3f: {  	_ =	shalt  }
0x40: {  	_ =	shalt  }
0x41: {  	_ =	shalt  }
0x42: {  	_ =	shalt  }
0x43: {  	_ =	shalt  }
0x44: {  	_ =	shalt  }
0x45: {  	_ =	shalt  }
0x46: {  	_ =	shalt  }
0x47: {  	_ =	shalt  }
0x48: {  	_ =	shalt  }
0x49: {  	_ =	shalt  }
0x4a: {  	_ =	shalt  }
0x4b: {  	_ =	shalt  }
0x4c: {  	_ =	shalt  }
0x4d: {  	_ =	shalt  }
0x4e: {  	_ =	shalt  }
0x4f: {  	_ =	shalt  }
0x50: {  	_ =	shalt  }
0x51: {  	_ =	shalt  }
0x52: {  	_ =	shalt  }
0x53: {  	_ =	shalt  }
0x54: {  	_ =	shalt  }
0x55: {  	_ =	shalt  }
0x56: {  	_ =	shalt  }
0x57: {  	_ =	shalt  }
0x58: {  	_ =	shalt  }
0x59: {  	_ =	shalt  }
0x5a: {  	_ =	shalt  }
0x5b: {  	_ =	shalt  }
0x5c: {  	_ =	shalt  }
0x5d: {  	_ =	shalt  }
0x5e: {  	_ =	shalt  }
0x5f: {  	_ =	shalt  }
0x60: {  	_ =	shalt  }
0x61: {  	_ =	shalt  }
0x62: {  	_ =	shalt  }
0x63: {  	_ =	shalt  }
0x64: {  	_ =	shalt  }
0x65: {  	_ =	shalt  }
0x66: {  	_ =	shalt  }
0x67: {  	_ =	shalt  }
0x68: {  	_ =	shalt  }
0x69: {  	_ =	shalt  }
0x6a: {  	_ =	shalt  }
0x6b: {  	_ =	shalt  }
0x6c: {  	_ =	shalt  }
0x6d: {  	_ =	shalt  }
0x6e: {  	_ =	shalt  }
0x6f: {  	_ =	shalt  }
0x70: {  	_ =	shalt  }
0x71: {  	_ =	shalt  }
0x72: {  	_ =	shalt  }
0x73: {  	_ =	shalt  }
0x74: {  	_ =	shalt  }
0x75: {  	_ =	shalt  }
0x76: {  	_ =	shalt  }
0x77: {  	_ =	shalt  }
0x78: {  	_ =	shalt  }
0x79: {  	_ =	shalt  }
0x7a: {  	_ =	shalt  }
0x7b: {  	_ =	shalt  }
0x7c: {  	_ =	shalt  }
0x7d: {  	_ =	shalt  }
0x7e: {  	_ =	shalt  }
0x7f: {  	_ =	shalt  }
0x80: {  	_ =	shalt  }
0x81: {  	_ =	shalt  }
0x82: {  	_ =	shalt  }
0x83: {  	_ =	shalt  }
0x84: {  	_ =	shalt  }
0x85: {  	_ =	shalt  }
0x86: {  	_ =	shalt  }
0x87: {  	_ =	shalt  }
.Lfunc_end0:
.L_simem_size_0:
called_computation.3_lowered:
.L_overlay_start_0:
0x88: {  	s2 =	sld [smem:$0x3FD9]  }
0x89: {  	s3 =	sld [smem:$0x3FFE];
	_ =	sdelay $0x1  }
0x8a: {  	s1 =	srdreg.scid  }
0x8b: {  	s0 =	sand.u32 $0x1, s1  }
0x8c: {  	s17 =	sshll.u32 s0, $0xA;
	s2 =	sadd.s32 s3, s2  }
0x8d: {  	s2 =	sadd.s32 s2, s17  }
0x8e: {  	[smem:$0x3FB7] =	sst s2  }
0x8f: {  	_ = 	snop  }
0x90: {  	s2 =	sld [smem:$0x3FD0];
	(tm) =	ssettm $0x1  }
0x91: {  	s18 =	sld [smem:$0x3FFB];
	_ =	sdelay $0x3  }
0x92: {  	_ =	strace s18  }
0x93: {  	s3 =	sld [smem:$0x3FFC];
	_ =	sdelay $0x3  }
0x94: {  	_ =	strace s3  }
0x95: {  	s3 =	sld [smem:$0x3FFD];
	_ =	sdelay $0x3  }
0x96: {  	_ =	strace s3  }
0x97: {  	_ =	strace $0x8FFFFFFF  }
0x98: {  	s19 =	sld [smem:$0x3FDB];
	_ =	sdelay $0x1  }
0x99: {  	s4 =	simm.s32 $_scs_section_size  }
0x9a: {  	s5 =	simm.s32 $_size__tile_overlayer_lowered;
	s6 =	simm.s32 $_tile_overlayer_lowered  }
0x9b: {  	s22 =	simm.s32 $0x1BFF;
	s21 =	sshll.u32 s6, $0x1;
	s3 =	sadd.s32 s4, s19  }
0x9c: {  	s7 =	simm.s32 $0x0;
	s20 =	sshll.u32 s5, $0x1;
	s5 =	sadd.s32 s21, s3  }
0x9d: {  	[timem:s7], [sflag:s22] =	dma.local [hbm:s5], s20  }
0x9e: {  	_ =	swait.ge [sflag:s22], s20  }
0x9f: {  	s4 =	ssub.s32 $0x0, s20;
	[sflag:s22] =	ssyncset.done $0x0  }
0xa0: {  	[sflag:s22] =	ssyncadd.s32 s4;
	_ =	sdelay $0x1  }
0xa1: {  	s23 =	simm.s32 $0x1B8B  }
0xa2: {  	_ =	swait.ge [sflag:s23], $0x1  }
0xa3: {  	[sflag:s23] =	ssyncset.done $0x0  }
0xa4: {  	s25 =	simm.s32 $0x1B8E;
	s24 =	sld [smem:$0x3FFE];
	[sflag:s23] =	ssyncadd.s32 $0xFFFFFFFF  }
0xa5: {  	s26 =	simm.s32 $execute0_lowered;
	[smem:$0x3FD2] =	sst s25  }
0xa6: {  	s5 =	sshll.u32 s26, $0x1;
	_ =	strace $0x8000004F;
	[dreg:$0x1] =	wrdreg $0xFFFFFFFF  }
0xa7: {  	s28 =	simm.s32 $_size_execute0_lowered;
	s3 =	sadd.s32 s3, s5;
	[dreg:$0x0] =	wrdreg $0x0  }
0xa8: {  	s5 =	sshll.u32 s28, $0x1;
	[dreg:$0x2] =	wrdreg s3  }
0xa9: {  	[dreg:$0x3] =	wrdreg s5  }
0xaa: {  	[dreg:$0x4] =	wrdreg $0xC0  }
0xab: {  	_ =	task [dreg:s7], $0x5FFFF  }
0xac: {  	[dreg:$0x1] =	wrdreg $0xFFFFFFFF  }
0xad: {  	[dreg:$0x0] =	wrdreg $0x60  }
0xae: {  	[dreg:$0x2] =	wrdreg s2  }
0xaf: {  	[dreg:$0x3] =	wrdreg s24  }
0xb0: {  	[dreg:$0x4] =	wrdreg $0xC1000  }
0xb1: {  	[dreg:$0x5] =	wrdreg $0x9  }
0xb2: {  	_ =	task.clear_ibuf [dreg:s7], $0x6FFFF;
	_ =	strace $0x9000004F  }
0xb3: {  	s29 =	simm.s32 $0x9;
	_ =	strace $0x80000051  }
0xb4: {  	_ =	swait.ge [sflag:s29], $0x1  }
0xb5: {  	[sflag:s29] =	ssyncadd.s32 $0xFFFFFFFF  }
0xb6: {  	_ =	strace $0x90000051  }
0xb7: {  	_ =	sfence  }
0xb8: {  	s30 =	sld [smem:$0x0];
	_ =	sdelay $0x2  }
0xb9: {  	s31 =	sshll.u32 s1, $0xD;
	s1 =	sshrl.u32 s1, $0x2  }
0xba: {  	s3 =	sand.u32 $0x4000, s31;
	s1 =	sadd.s32 s1, s30  }
0xbb: {  	s0 =	sor.u32 s3, s0;
	s1 =	sshll.u32 s1, $0x11  }
0xbc: {  	s0 =	sor.u32 s1, s0  }
0xbd: {  	s0 =	sadd.s32 $0x8F2B, s0  }
0xbe: {  	[sflag:s0] =	ssyncadd.remote.s32 $0x1  }
0xbf: {  	_ =	sfence.sel $0xFFFF  }
0xc0: {  	[dreg:$0x0] =	wrdreg $0xFFFFFFFF;
	(pc) =	sbr.abs _section_cstart, $3  }
0xc1: {  	[dreg:$0x1] =	wrdreg $0xFFFFFFFF  }
0xc2: {  	_ =	task.clear_ibuf [dreg:s7], $0x2FFFF;
	_ =	strace $0x9FFFFFFF  }
0xc3: {  	(tm) =	ssettm $0x7FFFFFFF  }
tec
execute0_lowered:
.L_overlay_start_1:
0x0: {  	(tag) =	ssettag $0x1  }
0x1: {  	s1 =	rddreg [dreg:$0x0]  }
0x2: {  	s0 =	rddreg [dreg:$0x1]  }
0x3: {  	s3 =	rddreg [dreg:$0x2];
	s5 =	srdreg.scid;
	s4 =	simm.s32 $0x0  }
0x4: {  	s2 =	stileid.u32;
	s19 =	simm.s32 $0x4100;
	s20 =	simm.s32 $0x7  }
0x5: {  	s24 =	simm.s32 $0x0;
	s5 =	sand.u32 $0x1, s5;
	[smem:$0x7FF] =	sst s4  }
0x6: {  	s6 =	sshll.u32 s2, $0x5;
	s7 =	sshll.u32 s2, $0x7;
	s25 =	smul.u32 $0x13C00, s2  }
0x7: {  	s26 =	smul.u32 $0x4F000, s2;
	p0 =	seq.s32 s5, $0x0;
	s6 =	sor.u32 $0x800, s6  }
0x8: {  	s8 =	smul.u32 $0x13C000, s5;
	_ =	strace $0x80000050;
	s5 =	ssub.s32 $0x2, s5  }
0x9: {  	s6 =	smov.u32 @p0 s7;
	s29 =	sshrl.u32 s5, $0x1;
	s30 =	sshrl.u32 s26, $0x2  }
0xa: {  	s6 =	sshll.u32 s6, $0x4;
	s7 =	sadd.s32 s25, s8;
	s17 =	ssub.s32 s5, s29  }
0xb: {  	s18 =	sadd.s32 s6, s0;
	s28 =	sshrl.u32 s7, $0x3;
	s6 =	simm.s32 $0x80  }
0xc: {  	s7 =	sadd.s32 s30, s3;
	s17 =	smax.u32 s17, $0x1;
	s0 =	sadd.s32 s28, s0  }
0xd: {  	s6 =	simm.s32 @!p0 $0x20;
	s31 =	sadd.s32 $0x4000, s7;
	s9 =	sadd.s32 $0x8000, s7  }
0xe: {  	s10 =	sadd.s32 $0xC000, s7;
	s11 =	sadd.s32 $0x10000, s7;
	s12 =	sadd.s32 $0xE000, s18  }
0xf: {  	s13 =	sadd.s32 $0x4000, s18;
	s14 =	sadd.s32 $0x4010, s18;
	[dreg:$0x4] =	wrdreg s31  }
0x10: {  	v0 =	vimm.f32 $0.0e+00;
	s15 =	sadd.s32 $0xFFFFFFFF, s6;
	s16 =	sadd.s32 $0x18A00, s0;
	s0 =	sadd.s32 $0x4030, s18  }
.LBB2_1:
0x11: {  	s18 =	sand.u32 $0xFE00, s4  }
0x12: {  	s21 =	sand.u32 $0x70, s4;
	s22 =	sshrl.u32 s18, $0x2  }
0x13: {  	s18 =	simm.s32 $0x40;
	s22 =	sor.u32 s21, s22;
	s21 =	simm.s32 $0x0  }
.LBB2_2:
0x14: {  	p0 =	sne.s32 s18, $0xFFC0  }
0x15: {  	[tilespmem:s22+$0x4100] =	vst v0;
	s21 =	sadd.s32 $0x10, s21;
	s22 =	smov.u32 s18;
	s18 =	sadd.s32 $0x40, s18  }
.Ltmp0:
0x16: {  	(pc) =	sbr.rel @p0 .LBB2_2-.Ltmp0, $4  }
0x17: {  	_ = 	snop  }
0x18: {  	s22 =	sand.u32 $0xFE00, s22  }
0x19: {  	s25 =	sand.u32 $0x70, s21;
	s22 =	sshrl.u32 s22, $0x2  }
0x1a: {  	s22 =	sor.u32 s25, s22  }
0x1b: {  	[tilespmem:s22+$0x4100] =	vst v0  }
0x1c: {  	[spmem:s7] =	stream.linear.scatter [tilespmem:s19], [sflag:$0x7], $0x4000, $0x38;
	[tilespmem:$0x1FD00] =	vst v63  }
0x1d: {  	_ =	swait.ge [sflag:s20], $0x4000  }
0x1e: {  	[sflag:s20] =	ssyncset.done $0x0  }
0x1f: {  	s2 =	rddreg [dreg:$0x4];
	[sflag:s20] =	ssyncadd.s32 $0xFFFFC000  }
0x20: {  	[spmem:s2] =	stream.linear.scatter [tilespmem:s19], [sflag:$0x7], $0x4000, $0x38;
	[tilespmem:$0x1FD00] =	vst v63  }
0x21: {  	_ =	swait.ge [sflag:s20], $0x4000  }
0x22: {  	[sflag:s20] =	ssyncset.done $0x0  }
0x23: {  	[sflag:s20] =	ssyncadd.s32 $0xFFFFC000  }
0x24: {  	[spmem:s9] =	stream.linear.scatter [tilespmem:s19], [sflag:$0x7], $0x4000, $0x38;
	[tilespmem:$0x1FD00] =	vst v63  }
0x25: {  	_ =	swait.ge [sflag:s20], $0x4000  }
0x26: {  	[sflag:s20] =	ssyncset.done $0x0  }
0x27: {  	[sflag:s20] =	ssyncadd.s32 $0xFFFFC000  }
0x28: {  	[spmem:s10] =	stream.linear.scatter [tilespmem:s19], [sflag:$0x7], $0x4000, $0x38;
	[tilespmem:$0x1FD00] =	vst v63  }
0x29: {  	_ =	swait.ge [sflag:s20], $0x4000  }
0x2a: {  	[sflag:s20] =	ssyncset.done $0x0  }
0x2b: {  	[sflag:s20] =	ssyncadd.s32 $0xFFFFC000  }
0x2c: {  	[spmem:s11] =	stream.linear.scatter [tilespmem:s19], [sflag:$0x7], $0x3C00, $0x38;
	[tilespmem:$0x1FD00] =	vst v63  }
0x2d: {  	_ =	swait.ge [sflag:s20], $0x3C00  }
0x2e: {  	[sflag:s20] =	ssyncset.done $0x0  }
0x2f: {  	[sflag:s20] =	ssyncadd.s32 $0xFFFFC400  }
0x30: {  	[tilespmem:s4], [sflag:$0x7] =	stream.linear.gather [hbm4b:s12+s4], $0x4000, $0x38;
	[tilespmem:$0x1FD00] =	vst v63  }
0x31: {  	_ =	swait.ge [sflag:s20], $0x4000  }
0x32: {  	[sflag:s20] =	ssyncset.done $0x0  }
0x33: {  	[sflag:s20] =	ssyncadd.s32 $0xFFFFC000  }
0x34: {  	s23 =	simm.s32 $0x4000;
	[bflag:$0x0] =	sbarrier.arrive $0xFFFF  }
0x35: {  	[tilespmem:s23], [sflag:$0x3] =	stream.linear.gather [hbm4b:s13+s4], $0x80, $0x38;
	[tilespmem:$0x1FD00] =	vst v63  }
0x36: {  	s25 =	simm.s32 $0x80  }
0x37: {  	[tilespmem:s19], [sflag:$0x1] =	stream.indirect.gather [hbm4b:s1+s25], $0x80, s4, s25, $0xb8;
	[tilespmem:$0x1FD00] =	vst v63  }
0x38: {  	s5 =	simm.s32 $0x4080;
	p1 =	sle.u32 s6, $0x0  }
0x39: {  	[tilespmem:s5], [sflag:$0x4] =	stream.linear.gather [hbm4b:s14+s4], $0x80, $0x38;
	[tilespmem:$0x1FD00] =	vst v63  }
0x3a: {  	s26 =	simm.s32 $0x8100;
	s18 =	simm.s32 @!p1 $0x1  }
0x3b: {  	[tilespmem:s26], [sflag:$0x2] =	stream.indirect.gather [hbm4b:s1+s25], $0x80, s25, s25, $0xb8;
	[tilespmem:$0x1FD00] =	vst v63  }
0x3c: {  	_ =	swait.ge @!p1 [sflag:s18], $0x4000  }
0x3d: {  	[sflag:s18] =	ssyncset.done @!p1 $0x0  }
0x3e: {  	s21 =	simm.s32 @!p1 $0x3;
	[sflag:s18] =	ssyncadd.s32 @!p1 $0xFFFFC000  }
0x3f: {  	s22 =	simm.s32 @!p1 $0x5;
	_ =	swait.ge @!p1 [sflag:s21], $0x80  }
0x40: {  	p0 =	sle.u32 @!p1 s6, $0x2;
	s25 =	simm.s32 @!p1 $0x80;
	[sflag:s21] =	ssyncset.done @!p1 $0x0  }
0x41: {  	s26 =	simm.s32 @!p1 $0x4000;
	s18 =	simm.s32 @!p1 $0x4100;
	[sflag:s21] =	ssyncadd.s32 @!p1 $0xFFFFFF80  }
0x42: {  	[spmem:s3] =	stream.indirect.scatter.add.f32 @!p1 [tilespmem:s18], [sflag:$0x5], $0x80, s26, s25, $0xb8;
	[tilespmem:$0x1FD00] =	vst v63  }
0x43: {  	p2 =	por p0, p1;
	p0 =	sle.u32 s15, $0x0;
	_ =	swait.ge @!p1 [sflag:s22], $0x4000  }
0x44: {  	s21 =	simm.s32 @!p2 $0x0;
	s18 =	sadd.s32 @!p2 $0xFFFFFFF0, s0;
	[sflag:s22] =	ssyncset.done @!p1 $0x0  }
0x45: {  	s25 =	simm.s32 @!p2 $0x4000;
	s26 =	simm.s32 @!p2 $0x4100;
	[sflag:s22] =	ssyncadd.s32 @!p1 $0xFFFFC000  }
0x46: {  	[tilespmem:s25], [sflag:$0x3] =	stream.linear.gather @!p2 [hbm4b:s18+s21], $0x80, $0x38;
	[tilespmem:$0x1FD00] =	vst v63  }
0x47: {  	s22 =	simm.s32 @!p0 $0x2;
	s18 =	simm.s32 @!p2 $0x100;
	s21 =	simm.s32 @!p2 $0x80  }
0x48: {  	[tilespmem:s26], [sflag:$0x1] =	stream.indirect.gather @!p2 [hbm4b:s1+s21], $0x80, s18, s21, $0xb8;
	[tilespmem:$0x1FD00] =	vst v63  }
0x49: {  	_ =	swait.ge @!p0 [sflag:s22], $0x4000  }
0x4a: {  	s29 =	simm.s32 $0x180;
	[sflag:s22] =	ssyncset.done @!p0 $0x0  }
0x4b: {  	s30 =	simm.s32 $0x7;
	s18 =	simm.s32 @!p0 $0x4;
	[sflag:s22] =	ssyncadd.s32 @!p0 $0xFFFFC000  }
0x4c: {  	s31 =	simm.s32 $0x2;
	s28 =	simm.s32 @!p0 $0x4080;
	_ =	swait.ge @!p0 [sflag:s18], $0x80  }
0x4d: {  	p1 =	sle.u32 @!p0 s6, $0x3;
	s25 =	simm.s32 $0x280;
	[sflag:s18] =	ssyncset.done @!p0 $0x0  }
0x4e: {  	s21 =	simm.s32 @!p0 $0x8100;
	s22 =	simm.s32 @!p0 $0x80;
	[sflag:s18] =	ssyncadd.s32 @!p0 $0xFFFFFF80  }
0x4f: {  	[spmem:s3] =	stream.indirect.scatter.add.f32 @!p0 [tilespmem:s21], [sflag:$0x6], $0x80, s28, s22, $0xb8;
	[tilespmem:$0x1FD00] =	vst v63  }
0x50: {  	p3 =	por p1, p0;
	s26 =	simm.s32 $0x5;
	s22 =	simm.s32 @!p0 $0x6  }
0x51: {  	s18 =	smov.u32 s0;
	s28 =	sadd.s32 $0x20, s0;
	_ =	swait.ge @!p0 [sflag:s22], $0x4000  }
.LBB2_4:
0x52: {  	p2 =	sge.u32 s31, s6;
	[sflag:s22] =	ssyncset.done @!p0 $0x0  }
0x53: {  	s23 =	simm.s32 @!p3 $0x0;
	s21 =	smov.u32 s26;
	s26 =	smov.u32 s30  }
0x54: {  	s2 =	simm.s32 @!p3 $0x80;
	[sflag:s22] =	ssyncadd.s32 @!p0 $0xFFFFC000;
	s22 =	simm.s32 @!p3 $0x4080  }
0x55: {  	[tilespmem:s22], [sflag:$0x4] =	stream.linear.gather @!p3 [hbm4b:s18+s23], $0x80, $0x38;
	[tilespmem:$0x1FD00] =	vst v63  }
0x56: {  	s18 =	simm.s32 @!p2 $0x1;
	s22 =	sadd.s32 @!p2 $0xFFFFFFFF, s21;
	s23 =	simm.s32 @!p3 $0x8100  }
0x57: {  	[tilespmem:s23], [sflag:$0x2] =	stream.indirect.gather @!p3 [hbm4b:s1+s2], $0x80, s29, s2, $0xb8;
	[tilespmem:$0x1FD00] =	vst v63  }
0x58: {  	s30 =	sadd.s32 $0x2, s30;
	p0 =	sge.u32 @!p2 s22, s6;
	_ =	swait.ge @!p2 [sflag:s18], $0x4000  }
0x59: {  	p1 =	sne.s32 s30, $0x83;
	s2 =	simm.s32 @!p2 $0x3;
	[sflag:s18] =	ssyncset.done @!p2 $0x0  }
0x5a: {  	s29 =	smov.u32 s25;
	[sflag:s18] =	ssyncadd.s32 @!p2 $0xFFFFC000;
	s18 =	smov.u32 s28  }
0x5b: {  	s22 =	simm.s32 @!p2 $0x4100;
	s23 =	simm.s32 @!p2 $0x5;
	_ =	swait.ge @!p2 [sflag:s2], $0x80  }
0x5c: {  	s5 =	simm.s32 @!p2 $0x80;
	s8 =	simm.s32 @!p2 $0x4000;
	[sflag:s2] =	ssyncset.done @!p2 $0x0  }
0x5d: {  	[sflag:s2] =	ssyncadd.s32 @!p2 $0xFFFFFF80  }
0x5e: {  	[spmem:s3] =	stream.indirect.scatter.add.f32 @!p2 [tilespmem:s22], [sflag:$0x5], $0x80, s8, s5, $0xb8;
	[tilespmem:$0x1FD00] =	vst v63  }
0x5f: {  	p3 =	por p0, p2;
	_ =	swait.ge @!p2 [sflag:s23], $0x4000  }
0x60: {  	s2 =	sadd.s32 @!p3 $0xFFFFFFF0, s28;
	s5 =	simm.s32 @!p3 $0x0;
	[sflag:s23] =	ssyncset.done @!p2 $0x0  }
0x61: {  	p0 =	sge.u32 s31, s15;
	s8 =	simm.s32 @!p3 $0x4000;
	s22 =	simm.s32 @!p3 $0x4100  }
0x62: {  	[sflag:s23] =	ssyncadd.s32 @!p2 $0xFFFFC000  }
0x63: {  	[tilespmem:s8], [sflag:$0x3] =	stream.linear.gather @!p3 [hbm4b:s2+s5], $0x80, $0x38;
	[tilespmem:$0x1FD00] =	vst v63  }
0x64: {  	s2 =	sadd.s32 @!p3 $0xFFFFFF80, s25;
	s5 =	simm.s32 @!p3 $0x80;
	s8 =	simm.s32 @!p0 $0x2  }
0x65: {  	[tilespmem:s22], [sflag:$0x1] =	stream.indirect.gather @!p3 [hbm4b:s1+s5], $0x80, s2, s5, $0xb8;
	[tilespmem:$0x1FD00] =	vst v63  }
0x66: {  	_ =	swait.ge @!p0 [sflag:s8], $0x4000  }
0x67: {  	s2 =	simm.s32 @!p0 $0x4;
	[sflag:s8] =	ssyncset.done @!p0 $0x0  }
0x68: {  	s25 =	sadd.s32 $0x100, s25;
	s5 =	simm.s32 @!p0 $0x8100;
	[sflag:s8] =	ssyncadd.s32 @!p0 $0xFFFFC000  }
.Ltmp1:
0x69: {  	s22 =	simm.s32 @!p0 $0x6;
	_ =	swait.ge @!p0 [sflag:s2], $0x80;
	(pc) =	sbr.rel @p1 .LBB2_4-.Ltmp1, $4  }
0x6a: {  	s23 =	simm.s32 @!p0 $0x4080;
	s8 =	simm.s32 @!p0 $0x80;
	[sflag:s2] =	ssyncset.done @!p0 $0x0  }
0x6b: {  	s28 =	sadd.s32 $0x20, s28;
	p2 =	sge.u32 @!p0 s21, s6;
	[sflag:s2] =	ssyncadd.s32 @!p0 $0xFFFFFF80  }
0x6c: {  	[spmem:s3] =	stream.indirect.scatter.add.f32 @!p0 [tilespmem:s5], [sflag:$0x6], $0x80, s23, s8, $0xb8;
	[tilespmem:$0x1FD00] =	vst v63  }
0x6d: {  	s31 =	sadd.s32 $0xFFFFFFFD, s26;
	p3 =	por p2, p0;
	_ =	swait.ge @!p0 [sflag:s22], $0x4000  }
0x6e: {  	p1 =	sge.u32 s31, s6;
	[sflag:s22] =	ssyncset.done @!p0 $0x0  }
0x6f: {  	s2 =	simm.s32 @!p3 $0x0;
	s5 =	simm.s32 @!p3 $0x4080;
	[sflag:s22] =	ssyncadd.s32 @!p0 $0xFFFFC000  }
0x70: {  	[tilespmem:s5], [sflag:$0x4] =	stream.linear.gather @!p3 [hbm4b:s18+s2], $0x80, $0x38;
	[tilespmem:$0x1FD00] =	vst v63  }
0x71: {  	s8 =	simm.s32 @!p3 $0x8100;
	s2 =	simm.s32 @!p3 $0x80;
	s5 =	simm.s32 @!p1 $0x1  }
0x72: {  	[tilespmem:s8], [sflag:$0x2] =	stream.indirect.gather @!p3 [hbm4b:s1+s2], $0x80, s29, s2, $0xb8;
	[tilespmem:$0x1FD00] =	vst v63  }
0x73: {  	_ =	swait.ge @!p1 [sflag:s5], $0x4000  }
0x74: {  	[sflag:s5] =	ssyncset.done @!p1 $0x0  }
0x75: {  	s2 =	simm.s32 @!p1 $0x3;
	[sflag:s5] =	ssyncadd.s32 @!p1 $0xFFFFC000  }
0x76: {  	s21 =	simm.s32 @!p1 $0x80;
	s18 =	simm.s32 @!p1 $0x5;
	_ =	swait.ge @!p1 [sflag:s2], $0x80  }
0x77: {  	s8 =	simm.s32 @!p1 $0x4100;
	s5 =	sadd.s32 @!p1 $0xFFFFFFFF, s26;
	[sflag:s2] =	ssyncset.done @!p1 $0x0  }
0x78: {  	p0 =	sge.u32 @!p1 s5, s6;
	[sflag:s2] =	ssyncadd.s32 @!p1 $0xFFFFFF80;
	s2 =	simm.s32 @!p1 $0x4000  }
0x79: {  	[spmem:s3] =	stream.indirect.scatter.add.f32 @!p1 [tilespmem:s8], [sflag:$0x5], $0x80, s2, s21, $0xb8;
	[tilespmem:$0x1FD00] =	vst v63  }
0x7a: {  	p2 =	por p0, p1;
	p0 =	sge.u32 s31, s15;
	_ =	swait.ge @!p1 [sflag:s18], $0x4000  }
0x7b: {  	s5 =	simm.s32 @!p2 $0x0;
	s2 =	sadd.s32 @!p2 $0xFFFFFFF0, s28;
	[sflag:s18] =	ssyncset.done @!p1 $0x0  }
0x7c: {  	s8 =	simm.s32 @!p2 $0x4000;
	s21 =	simm.s32 @!p2 $0x4100;
	[sflag:s18] =	ssyncadd.s32 @!p1 $0xFFFFC000  }
0x7d: {  	[tilespmem:s8], [sflag:$0x3] =	stream.linear.gather @!p2 [hbm4b:s2+s5], $0x80, $0x38;
	[tilespmem:$0x1FD00] =	vst v63  }
0x7e: {  	s2 =	sadd.s32 @!p2 $0xFFFFFF80, s25;
	s5 =	simm.s32 @!p2 $0x80;
	s8 =	simm.s32 @!p0 $0x2  }
0x7f: {  	[tilespmem:s21], [sflag:$0x1] =	stream.indirect.gather @!p2 [hbm4b:s1+s5], $0x80, s2, s5, $0xb8;
	[tilespmem:$0x1FD00] =	vst v63  }
0x80: {  	_ =	swait.ge @!p0 [sflag:s8], $0x4000  }
0x81: {  	[sflag:s8] =	ssyncset.done @!p0 $0x0  }
0x82: {  	s2 =	simm.s32 @!p0 $0x4;
	[sflag:s8] =	ssyncadd.s32 @!p0 $0xFFFFC000  }
0x83: {  	_ =	swait.ge @!p0 [sflag:s2], $0x80  }
0x84: {  	s18 =	simm.s32 @!p0 $0x80;
	s5 =	simm.s32 @!p0 $0x8100;
	[sflag:s2] =	ssyncset.done @!p0 $0x0  }
0x85: {  	s21 =	simm.s32 @!p0 $0x4080;
	s8 =	simm.s32 @!p0 $0x6;
	[sflag:s2] =	ssyncadd.s32 @!p0 $0xFFFFFF80  }
0x86: {  	[spmem:s3] =	stream.indirect.scatter.add.f32 @!p0 [tilespmem:s5], [sflag:$0x6], $0x80, s21, s18, $0xb8;
	[tilespmem:$0x1FD00] =	vst v63  }
0x87: {  	p1 =	sge.u32 @!p0 s26, s6;
	_ =	swait.ge @!p0 [sflag:s8], $0x4000  }
0x88: {  	s30 =	stileid.u32;
	p1 =	por p1, p0;
	[sflag:s8] =	ssyncset.done @!p0 $0x0  }
0x89: {  	s2 =	simm.s32 @!p1 $0x0;
	s5 =	simm.s32 @!p1 $0x4080;
	[sflag:s8] =	ssyncadd.s32 @!p0 $0xFFFFC000  }
0x8a: {  	[tilespmem:s5], [sflag:$0x4] =	stream.linear.gather @!p1 [hbm4b:s28+s2], $0x80, $0x38;
	[tilespmem:$0x1FD00] =	vst v63  }
0x8b: {  	s24 =	sadd.s32 $0x1, s24;
	s2 =	simm.s32 @!p1 $0x80;
	s5 =	simm.s32 @!p1 $0x8100  }
0x8c: {  	[tilespmem:s5], [sflag:$0x2] =	stream.indirect.gather @!p1 [hbm4b:s1+s2], $0x80, s25, s2, $0xb8;
	[tilespmem:$0x1FD00] =	vst v63  }
0x8d: {  	s31 =	sshrl.u32 s7, $0x3;
	p0 =	sne.s32 s24, s17;
	s2 =	sshll.u32 s30, $0x6  }
.Ltmp2:
0x8e: {  	[bflag:$0x0] =	sbarrier.arrive $0xFFFF;
	s2 =	sor.u32 $0x1C07, s2;
	(pc) =	sbr.rel @p0 .LBB2_1-.Ltmp2, $4  }
0x8f: {  	[hbm:s16], [sflag:s2] =	dma.local [spmem:s31], $0x2780  }
0x90: {  	_ =	swait.ge [sflag:s20], $0x2780  }
0x91: {  	[sflag:s20] =	ssyncset.done $0x0  }
0x92: {  	[sflag:s20] =	ssyncadd.s32 $0xFFFFD880  }
0x93: {  	_ =	sfence.sel $0x180000  }
0x94: {  	[bflag:$0x0] =	sbarrier.arrive $0xFFFF  }
0x95: {  	_ =	strace $0x90000050  }
0x96: {  	s0 =	stileid.u32;
	[bflag:$0x2] =	sbarrier.arrive $0xFFFF  }
0x97: {  	p0 =	sne.s32 s0, $0x0;
	s0 =	rddreg [dreg:$0x3]  }
0x98: {  	s0 =	sadd.s32 @!p0 $0x100000, s0  }
0x99: {  	[sflag:s0] =	ssyncadd.tile.s32 @!p0 $0x1;
	_ =	shalt  }
.Lfunc_end2:
_tile_overlayer_lowered:
.L_overlay_start_2:
0x9a: {  	(tag) =	ssettag $0x2  }
0x9b: {  	s0 =	rddreg [dreg:$0x0];
	s2 =	stileid.u32  }
0x9c: {  	s1 =	rddreg [dreg:$0x1];
	p0 =	sne.s32 s2, $0x0  }
0x9d: {  	s3 =	rddreg [dreg:$0x2];
	[bflag:$0x3] =	sbarrier.arrive $0xFFFF;
	s2 =	simm.s32 @!p0 $0x1C07  }
0x9e: {  	[timem:s3], [sflag:s2] =	dma.local @!p0 [hbm:s0], s1  }
0x9f: {  	s0 =	simm.s32 @!p0 $0x7  }
0xa0: {  	_ =	swait.ge @!p0 [sflag:s0], s1  }
0xa1: {  	s1 =	ssub.s32 @!p0 $0x0, s1;
	[sflag:s0] =	ssyncset.done @!p0 $0x0  }
0xa2: {  	[sflag:s0] =	ssyncadd.s32 @!p0 s1  }
0xa3: {  	[bflag:$0x3] =	sbarrier.arrive $0xFFFF  }
0xa4: {  	_ =	shalt  }

// kernel: kernel.9.cloned.1.call-start
scs
__scs_entry_jumppad:
0x0: {  	(pc) =	sbr.rel $0x88, $3  }
0x1: {  	(tag) =	ssettag $0x0;
	lr =	simm.s32 $0x1  }
0x2: {  	[smem:$0x3F90] =	sst lr;
	_ =	strace $0xD0000000  }
0x3: {  	_ = 	snop  }
0x4: {  	_ = 	snop  }
0x5: {  	_ = 	snop  }
0x6: {  	_ = 	snop  }
0x7: {  	_ = 	snop  }
__scs_overlays_trampoline_lowered:
0x8: {  	[smem:$0x3F9F] =	sst s0  }
0x9: {  	[smem:$0x3FA0] =	sst s1  }
0xa: {  	[smem:$0x3FA1] =	sst s2  }
0xb: {  	[smem:$0x3FA2] =	sst s3  }
0xc: {  	[smem:$0x3FA3] =	sst s4  }
0xd: {  	[smem:$0x3FA4] =	sst s5  }
0xe: {  	[smem:$0x3FA5] =	sst s6  }
0xf: {  	[smem:$0x3FA6] =	sst s7  }
0x10: {  	[smem:$0x3FA7] =	sst s8  }
0x11: {  	[smem:$0x3FA8] =	sst s9;
	s0 =	simm.s32 @!p0 $0x0  }
0x12: {  	s1 =	sld [smem:$0x3F8E];
	s0 =	simm.s32 @p0 $0x1  }
0x13: {  	[smem:$0x3FA9] =	sst s0;
	s0 =	simm.s32 @!p1 $0x0  }
0x14: {  	s2 =	sld [smem:$0x3F8D];
	s0 =	simm.s32 @p1 $0x1  }
0x15: {  	[smem:$0x3FAA] =	sst s0;
	s0 =	simm.s32 @!p2 $0x0  }
0x16: {  	s3 =	sld [smem:$0x3FDB];
	s0 =	simm.s32 @p2 $0x1  }
0x17: {  	s4 =	simm.s32 $0x1BF5;
	[smem:$0x3FAC] =	sst s0  }
0x18: {  	s0 =	sld [smem:$0x3F8F];
	_ =	swait.ge [sflag:s4], $0x0  }
0x19: {  	s7 =	sld [smem:$0x3F90]  }
0x1a: {  	s8 =	sadd.s32 $0xFFFFE003, lr  }
0x1b: {  	s9 =	sadd.s32 $0xFFFFFEF7, lr;
	s5 =	simm.s32 $0xFFFFFFFF;
	p2 =	slt.u32 s8, $0xFFFFF086  }
0x1c: {  	p1 =	slt.u32 s9, $0xF7A;
	s5 =	simm.s32 @!p2 $0x0  }
0x1d: {  	s5 =	simm.s32 @p1 $0x1;
	p0 =	seq.s32 s7, s2  }
0x1e: {  	s7 =	smul.u32 @!p0 $0xF7A, s2;
	p2 =	seq.s32 @!p0 s5, $0x0  }
0x1f: {  	s9 =	smul.u32 $0xF7A, s1;
	s8 =	simm.s32 @!p0 $0x1BF5;
	p2 =	por !p2, p0  }
0x20: {  	[sflag:s8] =	ssyncset.s32 @!p0 $0xFFFFF086;
	s6 =	sadd.s32 @!p0 s3, s7;
	s7 =	simm.s32 @!p0 $0x108  }
0x21: {  	s3 =	sadd.s32 s3, s9;
	s6 =	sadd.s32 @!p0 $0x88, s6;
	s7 =	simm.s32 @p2 $0x1082  }
0x22: {  	[simem:s7], [sflag:s8] =	dma.local @!p0 [hbm:s6], $0xF7A  }
0x23: {  	s9 =	sor.u32 $0xD0000000, s2;
	s6 =	simm.s32 $0x108;
	_ =	swait.ge @!p0 [sflag:s8], $0x0  }
0x24: {  	s3 =	sadd.s32 $0x88, s3;
	s6 =	simm.s32 @!p1 $0x1082;
	[sflag:s4] =	ssyncset.s32 $0xFFFFF086  }
0x25: {  	[simem:s6], [sflag:s4] =	dma.local [hbm:s3], $0xF7A  }
0x26: {  	[smem:$0x3F90] =	sst s1;
	(tag) =	ssettag s2;
	_ =	strace s9  }
0x27: {  	s1 =	sld [smem:$0x3FA0]  }
0x28: {  	s2 =	sld [smem:$0x3FA1]  }
0x29: {  	s4 =	sld [smem:$0x3FA3]  }
0x2a: {  	p0 =	seq.s32 s5, $0x0;
	s5 =	sld [smem:$0x3FA4]  }
0x2b: {  	s6 =	sld [smem:$0x3FA5]  }
0x2c: {  	s7 =	sld [smem:$0x3FA6]  }
0x2d: {  	s3 =	simm.s32 $0x108;
	s8 =	sld [smem:$0x3FA7]  }
0x2e: {  	s3 =	simm.s32 @!p0 $0x1082;
	s9 =	sld [smem:$0x3FA8]  }
0x2f: {  	lr =	sadd.s32 s0, s3;
	s0 =	sld [smem:$0x3F9F]  }
0x30: {  	s3 =	sld [smem:$0x3FA2]  }
0x31: {  	[smem:$0x3FAB] =	sst s10  }
0x32: {  	s10 =	sld [smem:$0x3FA9];
	_ =	sdelay $0x3  }
0x33: {  	p0 =	seq.s32 s10, $0x1;
	s10 =	sld [smem:$0x3FAB];
	_ =	sdelay $0x3  }
0x34: {  	[smem:$0x3FAB] =	sst s10  }
0x35: {  	s10 =	sld [smem:$0x3FAA];
	_ =	sdelay $0x3  }
0x36: {  	p1 =	seq.s32 s10, $0x1;
	s10 =	sld [smem:$0x3FAB];
	_ =	sdelay $0x3  }
0x37: {  	[smem:$0x3FAB] =	sst s10  }
0x38: {  	s10 =	sld [smem:$0x3FAC]  }
0x39: {  	_ = 	snop;
	(pc) =	sbr.ind lr, $3  }
0x3a: {  	_ = 	snop  }
0x3b: {  	_ = 	snop  }
0x3c: {  	p2 =	seq.s32 s10, $0x1;
	s10 =	sld [smem:$0x3FAB]  }
0x3d: {  	_ =	shalt  }
0x3e: {  	_ =	shalt  }
0x3f: {  	_ =	shalt  }
0x40: {  	_ =	shalt  }
0x41: {  	_ =	shalt  }
0x42: {  	_ =	shalt  }
0x43: {  	_ =	shalt  }
0x44: {  	_ =	shalt  }
0x45: {  	_ =	shalt  }
0x46: {  	_ =	shalt  }
0x47: {  	_ =	shalt  }
0x48: {  	_ =	shalt  }
0x49: {  	_ =	shalt  }
0x4a: {  	_ =	shalt  }
0x4b: {  	_ =	shalt  }
0x4c: {  	_ =	shalt  }
0x4d: {  	_ =	shalt  }
0x4e: {  	_ =	shalt  }
0x4f: {  	_ =	shalt  }
0x50: {  	_ =	shalt  }
0x51: {  	_ =	shalt  }
0x52: {  	_ =	shalt  }
0x53: {  	_ =	shalt  }
0x54: {  	_ =	shalt  }
0x55: {  	_ =	shalt  }
0x56: {  	_ =	shalt  }
0x57: {  	_ =	shalt  }
0x58: {  	_ =	shalt  }
0x59: {  	_ =	shalt  }
0x5a: {  	_ =	shalt  }
0x5b: {  	_ =	shalt  }
0x5c: {  	_ =	shalt  }
0x5d: {  	_ =	shalt  }
0x5e: {  	_ =	shalt  }
0x5f: {  	_ =	shalt  }
0x60: {  	_ =	shalt  }
0x61: {  	_ =	shalt  }
0x62: {  	_ =	shalt  }
0x63: {  	_ =	shalt  }
0x64: {  	_ =	shalt  }
0x65: {  	_ =	shalt  }
0x66: {  	_ =	shalt  }
0x67: {  	_ =	shalt  }
0x68: {  	_ =	shalt  }
0x69: {  	_ =	shalt  }
0x6a: {  	_ =	shalt  }
0x6b: {  	_ =	shalt  }
0x6c: {  	_ =	shalt  }
0x6d: {  	_ =	shalt  }
0x6e: {  	_ =	shalt  }
0x6f: {  	_ =	shalt  }
0x70: {  	_ =	shalt  }
0x71: {  	_ =	shalt  }
0x72: {  	_ =	shalt  }
0x73: {  	_ =	shalt  }
0x74: {  	_ =	shalt  }
0x75: {  	_ =	shalt  }
0x76: {  	_ =	shalt  }
0x77: {  	_ =	shalt  }
0x78: {  	_ =	shalt  }
0x79: {  	_ =	shalt  }
0x7a: {  	_ =	shalt  }
0x7b: {  	_ =	shalt  }
0x7c: {  	_ =	shalt  }
0x7d: {  	_ =	shalt  }
0x7e: {  	_ =	shalt  }
0x7f: {  	_ =	shalt  }
0x80: {  	_ =	shalt  }
0x81: {  	_ =	shalt  }
0x82: {  	_ =	shalt  }
0x83: {  	_ =	shalt  }
0x84: {  	_ =	shalt  }
0x85: {  	_ =	shalt  }
0x86: {  	_ =	shalt  }
0x87: {  	_ =	shalt  }
.Lfunc_end0:
.L_simem_size_0:
called_computation_lowered:
.L_overlay_start_0:
0x88: {  	s2 =	sld [smem:$0x3FD9]  }
0x89: {  	s3 =	sld [smem:$0x3FFE];
	_ =	sdelay $0x1  }
0x8a: {  	s1 =	srdreg.scid  }
0x8b: {  	s0 =	sand.u32 $0x1, s1  }
0x8c: {  	s17 =	sshll.u32 s0, $0xA;
	s2 =	sadd.s32 s3, s2  }
0x8d: {  	s2 =	sadd.s32 s2, s17  }
0x8e: {  	[smem:$0x3FB7] =	sst s2  }
0x8f: {  	_ = 	snop  }
0x90: {  	s18 =	sld [smem:$0x3FD0];
	(tm) =	ssettm $0x1  }
0x91: {  	s19 =	sld [smem:$0x3FFB];
	_ =	sdelay $0x3  }
0x92: {  	_ =	strace s19  }
0x93: {  	s2 =	sld [smem:$0x3FFC];
	_ =	sdelay $0x3  }
0x94: {  	_ =	strace s2  }
0x95: {  	s2 =	sld [smem:$0x3FFD];
	_ =	sdelay $0x3  }
0x96: {  	_ =	strace s2  }
0x97: {  	_ =	strace $0x8FFFFFFF  }
0x98: {  	s20 =	sld [smem:$0x3FDB];
	_ =	sdelay $0x1  }
0x99: {  	s4 =	simm.s32 $_scs_section_size  }
0x9a: {  	s5 =	simm.s32 $_size__tile_overlayer_lowered;
	s6 =	simm.s32 $_tile_overlayer_lowered  }
0x9b: {  	s7 =	simm.s32 $0x1BFF;
	s21 =	sshll.u32 s6, $0x1;
	s4 =	sadd.s32 s4, s20  }
0x9c: {  	s22 =	simm.s32 $0x0;
	s5 =	sshll.u32 s5, $0x1;
	s6 =	sadd.s32 s21, s4  }
0x9d: {  	[timem:s22], [sflag:s7] =	dma.local [hbm:s6], s5  }
0x9e: {  	_ =	swait.ge [sflag:s7], s5  }
0x9f: {  	s5 =	ssub.s32 $0x0, s5;
	[sflag:s7] =	ssyncset.done $0x0  }
0xa0: {  	[sflag:s7] =	ssyncadd.s32 s5;
	_ =	sdelay $0x1  }
0xa1: {  	s23 =	simm.s32 $0x1B8B  }
0xa2: {  	_ =	swait.ge [sflag:s23], $0x1  }
0xa3: {  	[sflag:s23] =	ssyncset.done $0x0  }
0xa4: {  	[sflag:s23] =	ssyncadd.s32 $0xFFFFFFFF  }
0xa5: {  	s5 =	sld [smem:$0x0]  }
0xa6: {  	s6 =	sand.u32 $0xFFFFFFFE, s1  }
0xa7: {  	p0 =	sne.s32 s1, s6  }
0xa8: {  	s6 =	sshll.u32 @p0 s6, $0xE  }
0xa9: {  	s6 =	sadd.s32 @p0 $0x11B8D, s6;
	s7 =	sshll.u32 @p0 s5, $0x11  }
0xaa: {  	s6 =	sor.u32 @p0 s7, s6  }
0xab: {  	[sflag:s6] =	ssyncadd.remote.s32 @p0 $0x1;
	_ =	sdelay $0x1  }
0xac: {  	s6 =	simm.s32 @p0 $0x1B8D  }
0xad: {  	_ =	swait.eq @p0 [sflag:s6], $0x1  }
0xae: {  	[sflag:s6] =	ssyncadd.s32 @p0 $0xFFFFFFFF  }
0xaf: {  	s7 =	sshll.u32 @!p0 s1, $0xE  }
0xb0: {  	s7 =	sor.u32 @!p0 $0x4000, s7;
	s6 =	simm.s32 @!p0 $0x1B8D  }
0xb1: {  	s5 =	sshll.u32 @!p0 s5, $0x11;
	s7 =	sadd.s32 @!p0 $0x11B8D, s7;
	_ =	swait.eq @!p0 [sflag:s6], $0x1  }
0xb2: {  	s5 =	sor.u32 @!p0 s5, s7;
	[sflag:s6] =	ssyncadd.s32 @!p0 $0xFFFFFFFF  }
0xb3: {  	s25 =	simm.s32 $0x1B8E;
	s24 =	sld [smem:$0x3FFE];
	[sflag:s5] =	ssyncadd.remote.s32 @!p0 $0x1  }
0xb4: {  	s26 =	simm.s32 $execute0_lowered;
	[smem:$0x3FD2] =	sst s25  }
0xb5: {  	s6 =	sshll.u32 s26, $0x1;
	_ =	strace $0x80000049;
	[dreg:$0x1] =	wrdreg $0xFFFFFFFF  }
0xb6: {  	s28 =	simm.s32 $_size_execute0_lowered;
	s4 =	sadd.s32 s4, s6;
	[dreg:$0x0] =	wrdreg $0x0  }
0xb7: {  	s6 =	sshll.u32 s28, $0x1;
	[dreg:$0x2] =	wrdreg s4  }
0xb8: {  	[dreg:$0x3] =	wrdreg s6  }
0xb9: {  	[dreg:$0x4] =	wrdreg $0xC0  }
0xba: {  	_ =	task [dreg:s22], $0x5FFFF  }
0xbb: {  	[dreg:$0x1] =	wrdreg $0xFFFFFFFF  }
0xbc: {  	[dreg:$0x0] =	wrdreg $0x60  }
0xbd: {  	[dreg:$0x2] =	wrdreg s24  }
0xbe: {  	[dreg:$0x3] =	wrdreg s18  }
0xbf: {  	[dreg:$0x4] =	wrdreg $0x41000  }
0xc0: {  	[dreg:$0x5] =	wrdreg $0x9  }
0xc1: {  	_ =	task.clear_ibuf [dreg:s22], $0x6FFFF;
	_ =	strace $0x90000049  }
0xc2: {  	s29 =	simm.s32 $0x9;
	_ =	strace $0x8000004B  }
0xc3: {  	_ =	swait.ge [sflag:s29], $0x1  }
0xc4: {  	[sflag:s29] =	ssyncadd.s32 $0xFFFFFFFF  }
0xc5: {  	_ =	strace $0x9000004B  }
0xc6: {  	_ =	sfence  }
0xc7: {  	s30 =	sld [smem:$0x0];
	_ =	sdelay $0x2  }
0xc8: {  	s31 =	sshll.u32 s1, $0xD;
	s1 =	sshrl.u32 s1, $0x2  }
0xc9: {  	s4 =	sand.u32 $0x4000, s31;
	s1 =	sadd.s32 s1, s30  }
0xca: {  	s0 =	sor.u32 s4, s0;
	s1 =	sshll.u32 s1, $0x11  }
0xcb: {  	s0 =	sor.u32 s1, s0  }
0xcc: {  	s0 =	sadd.s32 $0x8F2B, s0  }
0xcd: {  	[sflag:s0] =	ssyncadd.remote.s32 $0x1  }
0xce: {  	_ =	sfence.sel $0xFFFF  }
0xcf: {  	[dreg:$0x0] =	wrdreg $0xFFFFFFFF;
	(pc) =	sbr.abs _section_cstart, $3  }
0xd0: {  	[dreg:$0x1] =	wrdreg $0xFFFFFFFF  }
0xd1: {  	_ =	task.clear_ibuf [dreg:s22], $0x2FFFF;
	_ =	strace $0x9FFFFFFF  }
0xd2: {  	(tm) =	ssettm $0x7FFFFFFF  }
0xd3: {  	_ =	shalt  }
tec
execute0_lowered:
.L_overlay_start_1:
0x0: {  	(tag) =	ssettag $0x1  }
0x1: {  	s5 =	rddreg [dreg:$0x0]  }
0x2: {  	s2 =	rddreg [dreg:$0x1]  }
0x3: {  	s3 =	rddreg [dreg:$0x2]  }
0x4: {  	s0 =	srdreg.scid;
	s1 =	rddreg [dreg:$0x3];
	s4 =	simm.s32 $0x0  }
0x5: {  	s16 =	simm.s32 $0x100;
	s17 =	simm.s32 $0x5;
	s18 =	simm.s32 $0x80  }
0x6: {  	s19 =	simm.s32 $0x1;
	s20 =	simm.s32 $0x3;
	s6 =	sand.u32 $0x1, s0  }
0x7: {  	s21 =	simm.s32 $0x2;
	s0 =	stileid.u32;
	s7 =	smul.u32 $0x13C000, s6  }
0x8: {  	s22 =	simm.s32 $0x4;
	s23 =	simm.s32 $0x0;
	s8 =	smul.u32 $0x13C00, s0  }
0x9: {  	[smem:$0x7FF] =	sst s4;
	s12 =	sadd.s32 $0x4000, s5;
	s30 =	smul.u32 $0x4F000, s0  }
0xa: {  	_ =	strace $0x8000004A;
	s29 =	ssub.s32 $0x2, s6;
	s10 =	smul.u32 $0xA0, s0  }
0xb: {  	s9 =	sshll.u32 s0, $0x1;
	s11 =	smul.u32 $0x50, s6;
	s31 =	sshrl.u32 s29, $0x1  }
0xc: {  	s9 =	sor.u32 s6, s9;
	s7 =	sadd.s32 s8, s7;
	s14 =	ssub.s32 s29, s31  }
0xd: {  	s9 =	smul.u32 $0x500, s9;
	s10 =	sadd.s32 s11, s10;
	s7 =	sshrl.u32 s7, $0x3  }
0xe: {  	s15 =	sshll.u32 s10, $0x4;
	s13 =	sadd.s32 s7, s5;
	s7 =	sshrl.u32 s30, $0x2  }
0xf: {  	s9 =	sadd.s32 s12, s9;
	s15 =	sadd.s32 s15, s12;
	s5 =	sadd.s32 s7, s3  }
0x10: {  	s11 =	sadd.s32 $0x10, s9;
	s12 =	sadd.s32 $0x67A00, s13;
	s13 =	smax.u32 s14, $0x1  }
0x11: {  	s14 =	sadd.s32 $0x30, s15;
	s15 =	sadd.s32 $0x20, s15;
	s6 =	sadd.s32 $0x4000, s5  }
0x12: {  	v0 =	vimm.f32 $0.0e+00;
	s7 =	sadd.s32 $0x8000, s5;
	s8 =	sadd.s32 $0xC000, s5;
	s10 =	sadd.s32 $0x10000, s5  }
.LBB2_1:
0x13: {  	s24 =	sand.u32 $0xFE00, s4  }
0x14: {  	s25 =	sand.u32 $0x70, s4;
	s26 =	sshrl.u32 s24, $0x2  }
0x15: {  	s24 =	simm.s32 $0x40;
	s26 =	sor.u32 s25, s26;
	s25 =	simm.s32 $0x0  }
.LBB2_2:
0x16: {  	p0 =	sne.s32 s24, $0xFFC0  }
0x17: {  	[tilespmem:s26+$0x100] =	vst v0;
	s25 =	sadd.s32 $0x10, s25;
	s26 =	smov.u32 s24;
	s24 =	sadd.s32 $0x40, s24  }
.Ltmp0:
0x18: {  	(pc) =	sbr.rel @p0 .LBB2_2-.Ltmp0, $4  }
0x19: {  	_ = 	snop  }
0x1a: {  	s26 =	sand.u32 $0xFE00, s26  }
0x1b: {  	s28 =	sand.u32 $0x70, s25;
	s26 =	sshrl.u32 s26, $0x2  }
0x1c: {  	s26 =	sor.u32 s28, s26  }
0x1d: {  	[tilespmem:s26+$0x100] =	vst v0  }
0x1e: {  	[spmem:s5] =	stream.linear.scatter [tilespmem:s16], [sflag:$0x5], $0x4000, $0x38;
	[tilespmem:$0x17D00] =	vst v63  }
0x1f: {  	_ =	swait.ge [sflag:s17], $0x4000  }
0x20: {  	[sflag:s17] =	ssyncset.done $0x0  }
0x21: {  	[sflag:s17] =	ssyncadd.s32 $0xFFFFC000  }
0x22: {  	[spmem:s6] =	stream.linear.scatter [tilespmem:s16], [sflag:$0x5], $0x4000, $0x38;
	[tilespmem:$0x17D00] =	vst v63  }
0x23: {  	_ =	swait.ge [sflag:s17], $0x4000  }
0x24: {  	[sflag:s17] =	ssyncset.done $0x0  }
0x25: {  	[sflag:s17] =	ssyncadd.s32 $0xFFFFC000  }
0x26: {  	[spmem:s7] =	stream.linear.scatter [tilespmem:s16], [sflag:$0x5], $0x4000, $0x38;
	[tilespmem:$0x17D00] =	vst v63  }
0x27: {  	_ =	swait.ge [sflag:s17], $0x4000  }
0x28: {  	[sflag:s17] =	ssyncset.done $0x0  }
0x29: {  	[sflag:s17] =	ssyncadd.s32 $0xFFFFC000  }
0x2a: {  	[spmem:s8] =	stream.linear.scatter [tilespmem:s16], [sflag:$0x5], $0x4000, $0x38;
	[tilespmem:$0x17D00] =	vst v63  }
0x2b: {  	_ =	swait.ge [sflag:s17], $0x4000  }
0x2c: {  	[sflag:s17] =	ssyncset.done $0x0  }
0x2d: {  	[sflag:s17] =	ssyncadd.s32 $0xFFFFC000  }
0x2e: {  	[spmem:s10] =	stream.linear.scatter [tilespmem:s16], [sflag:$0x5], $0x3C00, $0x38;
	[tilespmem:$0x17D00] =	vst v63  }
0x2f: {  	_ =	swait.ge [sflag:s17], $0x3C00  }
0x30: {  	[sflag:s17] =	ssyncset.done $0x0  }
0x31: {  	s24 =	simm.s32 $0x0;
	[sflag:s17] =	ssyncadd.s32 $0xFFFFC400  }
0x32: {  	[tilespmem:s16], [sflag:$0x5] =	stream.linear.gather [hbm4b:s2+s24], $0x4000, $0x38;
	[tilespmem:$0x17D00] =	vst v63  }
0x33: {  	_ =	swait.ge [sflag:s17], $0x4000  }
0x34: {  	[sflag:s17] =	ssyncset.done $0x0  }
0x35: {  	[sflag:s17] =	ssyncadd.s32 $0xFFFFC000  }
0x36: {  	[bflag:$0x0] =	sbarrier.arrive $0xFFFF  }
0x37: {  	[tilespmem:s24], [sflag:$0x1] =	stream.linear.gather [hbm4b:s9+s24], $0x80, $0x38;
	[tilespmem:$0x17D00] =	vst v63  }
0x38: {  	_ = 	snop  }
0x39: {  	[tilespmem:s18], [sflag:$0x2] =	stream.linear.gather [hbm4b:s11+s24], $0x80, $0x38;
	[tilespmem:$0x17D00] =	vst v63  }
0x3a: {  	_ =	swait.ge [sflag:s19], $0x80  }
0x3b: {  	[sflag:s19] =	ssyncset.done $0x0  }
0x3c: {  	[sflag:s19] =	ssyncadd.s32 $0xFFFFFF80  }
0x3d: {  	[spmem:s3] =	stream.indirect.scatter.add.f32 [tilespmem:s16], [sflag:$0x3], $0x80, s4, s18, $0xb8;
	[tilespmem:$0x17D00] =	vst v63  }
0x3e: {  	_ =	swait.ge [sflag:s20], $0x4000  }
0x3f: {  	[sflag:s20] =	ssyncset.done $0x0  }
0x40: {  	s31 =	sadd.s32 $0x0, s15;
	[sflag:s20] =	ssyncadd.s32 $0xFFFFC000  }
0x41: {  	[tilespmem:s4], [sflag:$0x1] =	stream.linear.gather [hbm4b:s31+s4], $0x80, $0x38;
	[tilespmem:$0x17D00] =	vst v63  }
0x42: {  	_ =	swait.ge [sflag:s21], $0x80  }
0x43: {  	[sflag:s21] =	ssyncset.done $0x0  }
0x44: {  	[sflag:s21] =	ssyncadd.s32 $0xFFFFFF80  }
0x45: {  	[spmem:s3] =	stream.indirect.scatter.add.f32 [tilespmem:s16], [sflag:$0x4], $0x80, s18, s18, $0xb8;
	[tilespmem:$0x17D00] =	vst v63  }
0x46: {  	_ =	swait.ge [sflag:s22], $0x4000  }
0x47: {  	[sflag:s22] =	ssyncset.done $0x0  }
0x48: {  	s25 =	sadd.s32 $0x0, s14;
	s24 =	simm.s32 $0x20;
	[sflag:s22] =	ssyncadd.s32 $0xFFFFC000  }
.LBB2_4:
0x49: {  	[tilespmem:s18], [sflag:$0x2] =	stream.linear.gather [hbm4b:s25+s4], $0x80, $0x38;
	[tilespmem:$0x17D00] =	vst v63  }
0x4a: {  	s25 =	smov.u32 s24  }
0x4b: {  	p0 =	sne.s32 s24, $0x4C0;
	s24 =	sadd.s32 $0x20, s24;
	_ =	swait.ge [sflag:s19], $0x80  }
0x4c: {  	[sflag:s19] =	ssyncset.done $0x0  }
0x4d: {  	[sflag:s19] =	ssyncadd.s32 $0xFFFFFF80  }
0x4e: {  	[spmem:s3] =	stream.indirect.scatter.add.f32 [tilespmem:s16], [sflag:$0x3], $0x80, s4, s18, $0xb8;
	[tilespmem:$0x17D00] =	vst v63  }
0x4f: {  	_ =	swait.ge [sflag:s20], $0x4000  }
0x50: {  	[sflag:s20] =	ssyncset.done $0x0  }
0x51: {  	s26 =	sadd.s32 s25, s15;
	[sflag:s20] =	ssyncadd.s32 $0xFFFFC000  }
0x52: {  	[tilespmem:s4], [sflag:$0x1] =	stream.linear.gather [hbm4b:s26+s4], $0x80, $0x38;
	[tilespmem:$0x17D00] =	vst v63  }
0x53: {  	_ =	swait.ge [sflag:s21], $0x80  }
0x54: {  	[sflag:s21] =	ssyncset.done $0x0  }
.Ltmp1:
0x55: {  	[sflag:s21] =	ssyncadd.s32 $0xFFFFFF80;
	(pc) =	sbr.rel @p0 .LBB2_4-.Ltmp1, $4  }
0x56: {  	[spmem:s3] =	stream.indirect.scatter.add.f32 [tilespmem:s16], [sflag:$0x4], $0x80, s18, s18, $0xb8;
	[tilespmem:$0x17D00] =	vst v63  }
0x57: {  	_ =	swait.ge [sflag:s22], $0x4000  }
0x58: {  	[sflag:s22] =	ssyncset.done $0x0  }
0x59: {  	s25 =	sadd.s32 s25, s14;
	[sflag:s22] =	ssyncadd.s32 $0xFFFFC000  }
0x5a: {  	[tilespmem:s18], [sflag:$0x2] =	stream.linear.gather [hbm4b:s25+s4], $0x80, $0x38;
	[tilespmem:$0x17D00] =	vst v63  }
0x5b: {  	_ =	swait.ge [sflag:s19], $0x80  }
0x5c: {  	[sflag:s19] =	ssyncset.done $0x0  }
0x5d: {  	[sflag:s19] =	ssyncadd.s32 $0xFFFFFF80  }
0x5e: {  	[spmem:s3] =	stream.indirect.scatter.add.f32 [tilespmem:s16], [sflag:$0x3], $0x80, s4, s18, $0xb8;
	[tilespmem:$0x17D00] =	vst v63  }
0x5f: {  	_ =	swait.ge [sflag:s20], $0x4000  }
0x60: {  	[sflag:s20] =	ssyncset.done $0x0  }
0x61: {  	[sflag:s20] =	ssyncadd.s32 $0xFFFFC000  }
0x62: {  	_ =	swait.ge [sflag:s21], $0x80  }
0x63: {  	[sflag:s21] =	ssyncset.done $0x0  }
0x64: {  	[sflag:s21] =	ssyncadd.s32 $0xFFFFFF80  }
0x65: {  	[spmem:s3] =	stream.indirect.scatter.add.f32 [tilespmem:s16], [sflag:$0x4], $0x80, s18, s18, $0xb8;
	[tilespmem:$0x17D00] =	vst v63  }
0x66: {  	_ =	swait.ge [sflag:s22], $0x4000  }
0x67: {  	s24 =	sshll.u32 s0, $0x6;
	s23 =	sadd.s32 $0x1, s23;
	[sflag:s22] =	ssyncset.done $0x0  }
0x68: {  	s31 =	sshrl.u32 s5, $0x3;
	p0 =	sne.s32 s23, s13;
	[sflag:s22] =	ssyncadd.s32 $0xFFFFC000  }
.Ltmp2:
0x69: {  	s24 =	sor.u32 $0x1C05, s24;
	[bflag:$0x0] =	sbarrier.arrive $0xFFFF;
	(pc) =	sbr.rel @p0 .LBB2_1-.Ltmp2, $4  }
0x6a: {  	[hbm:s12], [sflag:s24] =	dma.local [spmem:s31], $0x2780  }
0x6b: {  	_ =	swait.ge [sflag:s17], $0x2780  }
0x6c: {  	[sflag:s17] =	ssyncset.done $0x0  }
0x6d: {  	[sflag:s17] =	ssyncadd.s32 $0xFFFFD880  }
0x6e: {  	_ =	sfence.sel $0x180000  }
0x6f: {  	[bflag:$0x0] =	sbarrier.arrive $0xFFFF  }
0x70: {  	p0 =	sne.s32 s0, $0x0;
	_ =	strace $0x9000004A  }
0x71: {  	s0 =	sadd.s32 @!p0 $0x100000, s1;
	[bflag:$0x2] =	sbarrier.arrive $0xFFFF  }
0x72: {  	[sflag:s0] =	ssyncadd.tile.s32 @!p0 $0x1;
	_ =	shalt  }
.Lfunc_end2:
_tile_overlayer_lowered:
.L_overlay_start_2:
0x73: {  	(tag) =	ssettag $0x2  }
0x74: {  	s0 =	rddreg [dreg:$0x0];
	s2 =	stileid.u32  }
0x75: {  	s1 =	rddreg [dreg:$0x1];
	p0 =	sne.s32 s2, $0x0  }
0x76: {  	s3 =	rddreg [dreg:$0x2];
	[bflag:$0x3] =	sbarrier.arrive $0xFFFF;
	s2 =	simm.s32 @!p0 $0x1C05  }
0x77: {  	[timem:s3], [sflag:s2] =	dma.local @!p0 [hbm:s0], s1  }
0x78: {  	s0 =	simm.s32 @!p0 $0x5  }
0x79: {  	_ =	swait.ge @!p0 [sflag:s0], s1  }
0x7a: {  	s1 =	ssub.s32 @!p0 $0x0, s1;
	[sflag:s0] =	ssyncset.done @!p0 $0x0  }
0x7b: {  	[sflag:s0] =	ssyncadd.s32 @!p0 s1  }
0x7c: {  	[bflag:$0x3] =	sbarrier.arrive $0xFFFF  }
0x7d: {  	_ =	shalt  }

</sc_bundles>
